<compile_context>
chip_gen: v7x
topology: tpu7x:2x2x1
jax: 0.10.2.dev20260603
libtpu: 0.0.44.dev20260713+nightly
codegen_flags: <defaults>
</compile_context>

<pallas_src>
import functools

import jax
import jax.numpy as jnp
from jax import lax
from jax.experimental import pallas as pl
from jax.experimental.pallas import tpu as pltpu
from jax.experimental.pallas import tpu_sc as plsc

N = 10000
F = 128
HD = 64
E = 320000
NC, NS = 2, 16
NW = NC * NS
EPW = E // NW
CHUNK = 125
NCHUNK = EPW // CHUNK
ZR0 = 624
ZR1 = N - (NS - 1) * ZR0

_SC_MESH = plsc.VectorSubcoreMesh(core_axis_name="c", subcore_axis_name="s")


DW = 8


def _deg_body(dst_hbm, ones_hbm, zeros_hbm, out_hbm, dstv, onesv, acc, sem):
    c = lax.axis_index("c")
    s = lax.axis_index("s")
    w = s * NC + c
    base = pl.multiple_of(s * ZR0, 8)
    pltpu.sync_copy(dst_hbm.at[w], dstv)
    pltpu.sync_copy(ones_hbm, onesv)

    @pl.when(s < NS - 1)
    def _():
        pltpu.sync_copy(zeros_hbm.at[pl.ds(base, ZR0)],
                        acc.at[pl.ds(base, ZR0)])

    @pl.when(s == NS - 1)
    def _():
        pltpu.sync_copy(zeros_hbm.at[pl.ds((NS - 1) * ZR0, ZR1)],
                        acc.at[pl.ds((NS - 1) * ZR0, ZR1)])

    plsc.subcore_barrier()

    def body(j, carry):
        pltpu.async_copy(onesv, acc.at[dstv.at[j]], sem, add=True)
        return carry

    lax.fori_loop(0, NCHUNK, body, 0)

    def drain(j, carry):
        pltpu.make_async_copy(onesv, acc.at[dstv.at[j]], sem).wait()
        return carry

    lax.fori_loop(0, NCHUNK, drain, 0)
    plsc.subcore_barrier()

    @pl.when(s < NS - 1)
    def _():
        pltpu.sync_copy(acc.at[pl.ds(base, ZR0)],
                        out_hbm.at[c, pl.ds(base, ZR0)])

    @pl.when(s == NS - 1)
    def _():
        pltpu.sync_copy(acc.at[pl.ds((NS - 1) * ZR0, ZR1)],
                        out_hbm.at[c, pl.ds((NS - 1) * ZR0, ZR1)])


_sc_deg = pl.kernel(
    _deg_body,
    out_type=jax.ShapeDtypeStruct((NC, N, DW), jnp.float32),
    mesh=_SC_MESH,
    compiler_params=pltpu.CompilerParams(use_tc_tiling_on_sc=False),
    scratch_types=[
        pltpu.VMEM((NCHUNK, CHUNK), jnp.int32),
        pltpu.VMEM((CHUNK, DW), jnp.float32),
        pltpu.VMEM_SHARED((N, DW), jnp.float32),
        pltpu.SemaphoreType.DMA,
    ],
)


NGRP = NCHUNK // 8


def _agg_body(src_hbm, dst_hbm, g_hbm, zeros_hbm, out_hbm,
              srcv, dstv, rows, acc, gsem, ssem):
    c = lax.axis_index("c")
    s = lax.axis_index("s")
    w = s * NC + c
    base = pl.multiple_of(s * ZR0, 8)
    pltpu.sync_copy(src_hbm.at[w], srcv)
    pltpu.sync_copy(dst_hbm.at[w], dstv)

    @pl.when(s < NS - 1)
    def _():
        pltpu.sync_copy(zeros_hbm.at[pl.ds(base, ZR0)],
                        acc.at[pl.ds(base, ZR0)])

    @pl.when(s == NS - 1)
    def _():
        pltpu.sync_copy(zeros_hbm.at[pl.ds((NS - 1) * ZR0, ZR1)],
                        acc.at[pl.ds((NS - 1) * ZR0, ZR1)])

    plsc.subcore_barrier()

    def g_issue(j, b):
        pltpu.async_copy(g_hbm.at[srcv.at[j]], rows.at[b], gsem)

    def g_wait(j, b):
        pltpu.make_async_copy(g_hbm.at[srcv.at[j]], rows.at[b], gsem).wait()

    def s_issue(j, b):
        pltpu.async_copy(rows.at[b], acc.at[dstv.at[j]], ssem, add=True)

    def s_wait(j, b):
        pltpu.make_async_copy(rows.at[b], acc.at[dstv.at[j]], ssem).wait()

    for b in range(8):
        g_issue(b, b)

    def body(k, carry):
        j0 = 8 * k
        for b in range(8):
            g_wait(j0 + b, b)
            s_issue(j0 + b, b)
        for b in range(8):
            s_wait(j0 + b, b)

            @pl.when(k + 1 < NGRP)
            def _(b=b):
                g_issue(j0 + 8 + b, b)

        return carry

    lax.fori_loop(0, NGRP, body, 0)
    plsc.subcore_barrier()

    @pl.when(s < NS - 1)
    def _():
        pltpu.sync_copy(acc.at[pl.ds(base, ZR0)],
                        out_hbm.at[c, pl.ds(base, ZR0)])

    @pl.when(s == NS - 1)
    def _():
        pltpu.sync_copy(acc.at[pl.ds((NS - 1) * ZR0, ZR1)],
                        out_hbm.at[c, pl.ds((NS - 1) * ZR0, ZR1)])


_sc_agg = pl.kernel(
    _agg_body,
    out_type=jax.ShapeDtypeStruct((NC, N, HD), jnp.float32),
    mesh=_SC_MESH,
    compiler_params=pltpu.CompilerParams(use_tc_tiling_on_sc=False),
    scratch_types=[
        pltpu.VMEM((NCHUNK, CHUNK), jnp.int32),
        pltpu.VMEM((NCHUNK, CHUNK), jnp.int32),
        pltpu.VMEM((8, CHUNK, HD), jnp.float32),
        pltpu.VMEM_SHARED((N, HD), jnp.float32),
        pltpu.SemaphoreType.DMA,
        pltpu.SemaphoreType.DMA,
    ],
)


RB = 1000


def _proj1_body(x_ref, w1_ref, degp_ref, g1_ref, dinv_ref):
    deg = degp_ref[0, :, :1] + degp_ref[1, :, :1] + 1.0
    dinv = lax.rsqrt(deg)
    m = jnp.dot(x_ref[...], w1_ref[...], preferred_element_type=jnp.float32)
    g1_ref[...] = m * dinv
    dinv_ref[...] = dinv


def _tc_proj1(x, W1, degp):
    return pl.pallas_call(
        _proj1_body,
        grid=(N // RB,),
        in_specs=[
            pl.BlockSpec((RB, F), lambda i: (i, 0)),
            pl.BlockSpec((F, HD), lambda i: (0, 0)),
            pl.BlockSpec((NC, RB, DW), lambda i: (0, i, 0)),
        ],
        out_specs=[
            pl.BlockSpec((RB, HD), lambda i: (i, 0)),
            pl.BlockSpec((RB, 1), lambda i: (i, 0)),
        ],
        out_shape=[
            jax.ShapeDtypeStruct((N, HD), jnp.float32),
            jax.ShapeDtypeStruct((N, 1), jnp.float32),
        ],
    )(x, W1, degp)


def _mid_body(aggp_ref, g1_ref, dinv_ref, b1_ref, w2_ref, g2_ref):
    dinv = dinv_ref[...]
    h = dinv * (aggp_ref[0] + aggp_ref[1] + g1_ref[...]) + b1_ref[...]
    h = jnp.maximum(h, 0.0)
    g2_ref[...] = dinv * jnp.dot(h, w2_ref[...],
                                 preferred_element_type=jnp.float32)


def _tc_mid(aggp, g1, dinv, b1, W2):
    return pl.pallas_call(
        _mid_body,
        grid=(N // RB,),
        in_specs=[
            pl.BlockSpec((NC, RB, HD), lambda i: (0, i, 0)),
            pl.BlockSpec((RB, HD), lambda i: (i, 0)),
            pl.BlockSpec((RB, 1), lambda i: (i, 0)),
            pl.BlockSpec((1, HD), lambda i: (0, 0)),
            pl.BlockSpec((HD, HD), lambda i: (0, 0)),
        ],
        out_specs=pl.BlockSpec((RB, HD), lambda i: (i, 0)),
        out_shape=jax.ShapeDtypeStruct((N, HD), jnp.float32),
    )(aggp, g1, dinv, b1, W2)


def _fin_body(aggp_ref, g2_ref, dinv_ref, b2_ref, h_ref):
    h = dinv_ref[...] * (aggp_ref[0] + aggp_ref[1] + g2_ref[...]) + b2_ref[...]
    h_ref[...] = jnp.maximum(h, 0.0)


def _tc_fin(aggp, g2, dinv, b2):
    return pl.pallas_call(
        _fin_body,
        grid=(N // RB,),
        in_specs=[
            pl.BlockSpec((NC, RB, HD), lambda i: (0, i, 0)),
            pl.BlockSpec((RB, HD), lambda i: (i, 0)),
            pl.BlockSpec((RB, 1), lambda i: (i, 0)),
            pl.BlockSpec((1, HD), lambda i: (0, 0)),
        ],
        out_specs=pl.BlockSpec((RB, HD), lambda i: (i, 0)),
        out_shape=jax.ShapeDtypeStruct((N, HD), jnp.float32),
    )(aggp, g2, dinv, b2)


def _tr_body(h_ref, wfc_ref, ht_ref, wfct_ref):
    ht_ref[...] = h_ref[...].T
    wfct_ref[...] = wfc_ref[...].T


def _tc_tr(Hm, Wfc):
    return pl.pallas_call(
        _tr_body,
        out_shape=[
            jax.ShapeDtypeStruct((HD, N), jnp.float32),
            jax.ShapeDtypeStruct((N, HD), jnp.float32),
        ],
    )(Hm, Wfc)


BI = 200
SPG = 5
GFC = N // (BI * SPG)
NBUF = 4


def _fc_body(h_ref, wfc_ref, ht_ref, wfct_ref, br_ref, bc_ref, out_hbm,
             vbuf, sems):
    g = pl.program_id(0)

    def wait_b(b):
        pltpu.make_async_copy(vbuf.at[b], out_hbm.at[pl.ds(0, BI)],
                              sems.at[b]).wait()

    for t in range(SPG):
        b = t % NBUF
        if t >= NBUF:
            wait_b(b)
        else:

            @pl.when(g > 0)
            def _(b=b):
                wait_b(b)

        row0 = pl.multiple_of((g * SPG + t) * BI, 8)
        hi = h_ref[pl.ds(row0, BI), :]
        a = jnp.dot(hi, wfc_ref[...], preferred_element_type=jnp.float32)
        a = a + br_ref[...]
        wti = wfct_ref[pl.ds(row0, BI), :]
        bm = jnp.dot(wti, ht_ref[...], preferred_element_type=jnp.float32)
        bm = bm + bc_ref[pl.ds(row0, BI), :]
        vbuf[b] = 0.5 * jnp.tanh(a)
        vbuf[b] += 0.5 * jnp.tanh(bm)
        pltpu.async_copy(vbuf.at[b], out_hbm.at[pl.ds(row0, BI)], sems.at[b])

    @pl.when(g == GFC - 1)
    def _():
        for b in range(NBUF):
            wait_b(b)


def _tc_fc(Hm, Wfc, HT, WfcT, br, bc):
    return pl.pallas_call(
        _fc_body,
        grid=(GFC,),
        in_specs=[
            pl.BlockSpec((N, HD), lambda i: (0, 0)),
            pl.BlockSpec((HD, N), lambda i: (0, 0)),
            pl.BlockSpec((HD, N), lambda i: (0, 0)),
            pl.BlockSpec((N, HD), lambda i: (0, 0)),
            pl.BlockSpec((1, N), lambda i: (0, 0)),
            pl.BlockSpec((N, 1), lambda i: (0, 0)),
        ],
        out_specs=pl.BlockSpec(memory_space=pl.ANY),
        out_shape=jax.ShapeDtypeStruct((N, N), jnp.float32),
        scratch_shapes=[
            pltpu.VMEM((NBUF, BI, N), jnp.float32),
            pltpu.SemaphoreType.DMA((NBUF,)),
        ],
    )(Hm, Wfc, HT, WfcT, br, bc)


def kernel(x, edge_index, W1, b1, W2, b2, Wfc, bfc):
    src = edge_index[0].astype(jnp.int32).reshape(NW, NCHUNK, CHUNK)
    dst = edge_index[1].astype(jnp.int32).reshape(NW, NCHUNK, CHUNK)
    ones = jnp.ones((CHUNK, DW), jnp.float32)
    zeros1 = jnp.zeros((N, DW), jnp.float32)
    zerosh = jnp.zeros((N, HD), jnp.float32)

    degp = _sc_deg(dst, ones, zeros1)
    g1, dinv = _tc_proj1(x, W1, degp)
    agg1 = _sc_agg(src, dst, g1, zerosh)
    g2 = _tc_mid(agg1, g1, dinv, b1.reshape(1, HD), W2)
    agg2 = _sc_agg(src, dst, g2, zerosh)
    Hm = _tc_fin(agg2, g2, dinv, b2.reshape(1, HD))
    HT, WfcT = _tc_tr(Hm, Wfc)
    out = _tc_fc(Hm, Wfc, HT, WfcT, bfc.reshape(1, N), bfc.reshape(N, 1))
    return out

# --- scband reference (transcript-rebuilt; emitter-appended) ---
"""Pipeline reference for scband-gcnconnectivity-7146825580734 (READ-ONLY COPY).

The authoritative reference and input builder live on the scoring server;
editing this copy changes nothing except your own understanding.
"""

import jax, jax.numpy as jnp
import numpy as np

NUM_NODES = 10000
NUM_FEATURES = 128
HIDDEN_DIM = 64
NUM_EDGES = 320000


def gcn_conv(x, edge_index, W, b, num_nodes):
    # GCNConv with self-loops and symmetric normalization:
    # out = D^{-1/2} (A + I) D^{-1/2} X W + b
    src = edge_index[0]
    dst = edge_index[1]
    loop = jnp.arange(num_nodes, dtype=edge_index.dtype)
    src = jnp.concatenate([src, loop])
    dst = jnp.concatenate([dst, loop])
    deg = jnp.zeros((num_nodes,), dtype=x.dtype).at[dst].add(1.0)
    dinv = jnp.where(deg > 0, deg ** -0.5, 0.0)
    norm = dinv[src] * dinv[dst]
    h = x @ W
    msgs = h[src] * norm[:, None]
    out = jnp.zeros((num_nodes, h.shape[1]), dtype=h.dtype).at[dst].add(msgs)
    return out + b


def setup_inputs(seed: int = 0) -> dict:
    key = jax.random.key(seed)
    ks = jax.random.split(key, 9)
    x = jax.random.normal(ks[0], (NUM_NODES, NUM_FEATURES), dtype=jnp.float32)
    edge_index = jax.random.randint(ks[1], (2, NUM_EDGES), 0, NUM_NODES, dtype=jnp.int64)
    s1 = 1.0 / np.sqrt(NUM_FEATURES)
    s2 = 1.0 / np.sqrt(HIDDEN_DIM)
    W1 = jax.random.uniform(ks[2], (NUM_FEATURES, HIDDEN_DIM), jnp.float32, -s1, s1)
    b1 = jnp.zeros((HIDDEN_DIM,), dtype=jnp.float32)
    W2 = jax.random.uniform(ks[3], (HIDDEN_DIM, HIDDEN_DIM), jnp.float32, -s2, s2)
    b2 = jnp.zeros((HIDDEN_DIM,), dtype=jnp.float32)
    Wfc = jax.random.uniform(ks[4], (HIDDEN_DIM, NUM_NODES), jnp.float32, -s2, s2)
    bfc = jax.random.uniform(ks[5], (NUM_NODES,), jnp.float32, -s2, s2)
    return {"x": x, "edge_index": edge_index, "W1": W1, "b1": b1, "W2": W2, "b2": b2, "Wfc": Wfc, "bfc": bfc}


def reference(x, edge_index, W1, b1, W2, b2, Wfc, bfc):
    n = x.shape[0]
    h = jax.nn.relu(gcn_conv(x, edge_index, W1, b1, n))
    h = jax.nn.relu(gcn_conv(h, edge_index, W2, b2, n))
    h = h @ Wfc + bfc
    h = jnp.tanh(h)
    out = (h + h.T) / 2.0
    return out

if __name__ == "__main__":
    import jax
    _d = setup_inputs()
    print(jax.jit(kernel)(*tuple(_d.values())))

</pallas_src>

<mosaic_0001>
#map = affine_map<(d0, d1) -> (0, 0, 0)>
#map1 = affine_map<(d0, d1) -> (0, 0)>
module attributes {stable_mosaic.version = 14 : i64} {
  func.func @_agg_body(%arg0: i32, %arg1: i32, %arg2: memref<32x80x125xi32, #tpu.memory_space<hbm>>, %arg3: memref<32x80x125xi32, #tpu.memory_space<hbm>>, %arg4: memref<10000x64xf32, #tpu.memory_space<hbm>>, %arg5: memref<10000x64xf32, #tpu.memory_space<hbm>>, %arg6: memref<2x10000x64xf32, #tpu.memory_space<hbm>>, %arg7: memref<80x125xi32, #tpu.memory_space<vmem>>, %arg8: memref<80x125xi32, #tpu.memory_space<vmem>>, %arg9: memref<8x125x64xf32, #tpu.memory_space<vmem>>, %arg10: memref<10000x64xf32, #tpu.memory_space<vmem_shared>>, %arg11: memref<!tpu.dma_semaphore, #tpu.memory_space<semaphore_mem>>, %arg12: memref<!tpu.dma_semaphore, #tpu.memory_space<semaphore_mem>>) attributes {dimension_semantics = [#tpu.dimension_semantics<core_parallel>, #tpu.dimension_semantics<subcore_parallel>], iteration_bounds = array<i64: 2, 16>, scalar_prefetch = 0 : i64, scratch_operands = 6 : i64, tpu.core_type = #tpu.core_type<sc_vector_subcore>, window_params = [{transform_indices = #map}, {transform_indices = #map}, {transform_indices = #map1}, {transform_indices = #map1}, {transform_indices = #map}]} {
    %mul3A = arith.constant 2 : i32
    %mul3A_0 = arith.muli %arg1, %mul3A : i32
    %add3A = arith.addi %mul3A_0, %arg0 : i32
    %mul3A_1 = arith.constant 624 : i32
    %mul3A_2 = arith.muli %arg1, %mul3A_1 : i32
    %multiple_of3A = tpu.assume_multiple %mul3A_2, 8 : i32
    "tpu.region"() ({
      %run_scoped3A = tpu.sem_alloc : memref<!tpu.dma_semaphore, #tpu.memory_space<semaphore_mem>>
      %dma_start3A_120 = arith.constant 0 : i32
      %dma_start3A_121 = arith.constant 0 : i32
      %dma_start3A_122 = tpu.memref_slice %arg2[%add3A, %dma_start3A_120, %dma_start3A_121] : memref<32x80x125xi32, #tpu.memory_space<hbm>> -> memref<1x80x125xi32, #tpu.memory_space<hbm>>
      %dma_start3A_123 = tpu.memref_squeeze %dma_start3A_122 : memref<1x80x125xi32, #tpu.memory_space<hbm>> -> memref<80x125xi32, #tpu.memory_space<hbm>>
      %dma_start3A_124 = arith.constant 0 : i32
      %dma_start3A_125 = arith.constant 0 : i32
      %dma_start3A_126 = tpu.memref_slice %arg2[%add3A, %dma_start3A_124, %dma_start3A_125] : memref<32x80x125xi32, #tpu.memory_space<hbm>> -> memref<1x80x125xi32, #tpu.memory_space<hbm>>
      %dma_start3A_127 = tpu.memref_squeeze %dma_start3A_126 : memref<1x80x125xi32, #tpu.memory_space<hbm>> -> memref<80x125xi32, #tpu.memory_space<hbm>>
      tpu.enqueue_dma source(%dma_start3A_127 : memref<80x125xi32, #tpu.memory_space<hbm>>) target(%arg7 : memref<80x125xi32, #tpu.memory_space<vmem>>) target_semaphore(%run_scoped3A : memref<!tpu.dma_semaphore, #tpu.memory_space<semaphore_mem>>)
      %dma_wait3A = arith.constant 0 : i32
      %dma_wait3A_128 = arith.constant 0 : i32
      %dma_wait3A_129 = tpu.memref_slice %arg2[%add3A, %dma_wait3A, %dma_wait3A_128] : memref<32x80x125xi32, #tpu.memory_space<hbm>> -> memref<1x80x125xi32, #tpu.memory_space<hbm>>
      %dma_wait3A_130 = tpu.memref_squeeze %dma_wait3A_129 : memref<1x80x125xi32, #tpu.memory_space<hbm>> -> memref<80x125xi32, #tpu.memory_space<hbm>>
      %dma_wait3A_131 = arith.constant 0 : i32
      %dma_wait3A_132 = arith.constant 0 : i32
      %dma_wait3A_133 = tpu.memref_slice %arg2[%add3A, %dma_wait3A_131, %dma_wait3A_132] : memref<32x80x125xi32, #tpu.memory_space<hbm>> -> memref<1x80x125xi32, #tpu.memory_space<hbm>>
      %dma_wait3A_134 = tpu.memref_squeeze %dma_wait3A_133 : memref<1x80x125xi32, #tpu.memory_space<hbm>> -> memref<80x125xi32, #tpu.memory_space<hbm>>
      tpu.wait_dma2 semaphore(%run_scoped3A : memref<!tpu.dma_semaphore, #tpu.memory_space<semaphore_mem>>) src(%dma_wait3A_134 : memref<80x125xi32, #tpu.memory_space<hbm>>) dst(%arg7 : memref<80x125xi32, #tpu.memory_space<vmem>>)
      tpu.yield
    }) : () -> ()
    "tpu.region"() ({
      %run_scoped3A = tpu.sem_alloc : memref<!tpu.dma_semaphore, #tpu.memory_space<semaphore_mem>>
      %dma_start3A_120 = arith.constant 0 : i32
      %dma_start3A_121 = arith.constant 0 : i32
      %dma_start3A_122 = tpu.memref_slice %arg3[%add3A, %dma_start3A_120, %dma_start3A_121] : memref<32x80x125xi32, #tpu.memory_space<hbm>> -> memref<1x80x125xi32, #tpu.memory_space<hbm>>
      %dma_start3A_123 = tpu.memref_squeeze %dma_start3A_122 : memref<1x80x125xi32, #tpu.memory_space<hbm>> -> memref<80x125xi32, #tpu.memory_space<hbm>>
      %dma_start3A_124 = arith.constant 0 : i32
      %dma_start3A_125 = arith.constant 0 : i32
      %dma_start3A_126 = tpu.memref_slice %arg3[%add3A, %dma_start3A_124, %dma_start3A_125] : memref<32x80x125xi32, #tpu.memory_space<hbm>> -> memref<1x80x125xi32, #tpu.memory_space<hbm>>
      %dma_start3A_127 = tpu.memref_squeeze %dma_start3A_126 : memref<1x80x125xi32, #tpu.memory_space<hbm>> -> memref<80x125xi32, #tpu.memory_space<hbm>>
      tpu.enqueue_dma source(%dma_start3A_127 : memref<80x125xi32, #tpu.memory_space<hbm>>) target(%arg8 : memref<80x125xi32, #tpu.memory_space<vmem>>) target_semaphore(%run_scoped3A : memref<!tpu.dma_semaphore, #tpu.memory_space<semaphore_mem>>)
      %dma_wait3A = arith.constant 0 : i32
      %dma_wait3A_128 = arith.constant 0 : i32
      %dma_wait3A_129 = tpu.memref_slice %arg3[%add3A, %dma_wait3A, %dma_wait3A_128] : memref<32x80x125xi32, #tpu.memory_space<hbm>> -> memref<1x80x125xi32, #tpu.memory_space<hbm>>
      %dma_wait3A_130 = tpu.memref_squeeze %dma_wait3A_129 : memref<1x80x125xi32, #tpu.memory_space<hbm>> -> memref<80x125xi32, #tpu.memory_space<hbm>>
      %dma_wait3A_131 = arith.constant 0 : i32
      %dma_wait3A_132 = arith.constant 0 : i32
      %dma_wait3A_133 = tpu.memref_slice %arg3[%add3A, %dma_wait3A_131, %dma_wait3A_132] : memref<32x80x125xi32, #tpu.memory_space<hbm>> -> memref<1x80x125xi32, #tpu.memory_space<hbm>>
      %dma_wait3A_134 = tpu.memref_squeeze %dma_wait3A_133 : memref<1x80x125xi32, #tpu.memory_space<hbm>> -> memref<80x125xi32, #tpu.memory_space<hbm>>
      tpu.wait_dma2 semaphore(%run_scoped3A : memref<!tpu.dma_semaphore, #tpu.memory_space<semaphore_mem>>) src(%dma_wait3A_134 : memref<80x125xi32, #tpu.memory_space<hbm>>) dst(%arg8 : memref<80x125xi32, #tpu.memory_space<vmem>>)
      tpu.yield
    }) : () -> ()
    %lt3A = arith.constant 15 : i32
    %lt3A_3 = arith.cmpi slt, %arg1, %lt3A : i32
    %convert_element_type3A = arith.extui %lt3A_3 : i1 to i32
    %cond3A = arith.constant 0 : i32
    %cond3A_4 = arith.cmpi ne, %convert_element_type3A, %cond3A : i32
    scf.if %cond3A_4 {
      "tpu.region"() ({
        %run_scoped3A = tpu.sem_alloc : memref<!tpu.dma_semaphore, #tpu.memory_space<semaphore_mem>>
        %dma_start3A_120 = arith.constant 0 : i32
        %dma_start3A_121 = tpu.memref_slice %arg10[%multiple_of3A, %dma_start3A_120] : memref<10000x64xf32, #tpu.memory_space<vmem_shared>> -> memref<624x64xf32, #tpu.memory_space<vmem_shared>>
        %dma_start3A_122 = arith.constant 0 : i32
        %dma_start3A_123 = tpu.memref_slice %arg5[%multiple_of3A, %dma_start3A_122] : memref<10000x64xf32, #tpu.memory_space<hbm>> -> memref<624x64xf32, #tpu.memory_space<hbm>>
        tpu.enqueue_dma source(%dma_start3A_123 : memref<624x64xf32, #tpu.memory_space<hbm>>) target(%dma_start3A_121 : memref<624x64xf32, #tpu.memory_space<vmem_shared>>) target_semaphore(%run_scoped3A : memref<!tpu.dma_semaphore, #tpu.memory_space<semaphore_mem>>)
        %dma_wait3A = arith.constant 0 : i32
        %dma_wait3A_124 = tpu.memref_slice %arg10[%multiple_of3A, %dma_wait3A] : memref<10000x64xf32, #tpu.memory_space<vmem_shared>> -> memref<624x64xf32, #tpu.memory_space<vmem_shared>>
        %dma_wait3A_125 = arith.constant 0 : i32
        %dma_wait3A_126 = tpu.memref_slice %arg5[%multiple_of3A, %dma_wait3A_125] : memref<10000x64xf32, #tpu.memory_space<hbm>> -> memref<624x64xf32, #tpu.memory_space<hbm>>
        tpu.wait_dma2 semaphore(%run_scoped3A : memref<!tpu.dma_semaphore, #tpu.memory_space<semaphore_mem>>) src(%dma_wait3A_126 : memref<624x64xf32, #tpu.memory_space<hbm>>) dst(%dma_wait3A_124 : memref<624x64xf32, #tpu.memory_space<vmem_shared>>)
        tpu.yield
      }) : () -> ()
    } else {
    }
    %eq3A = arith.constant 15 : i32
    %eq3A_5 = arith.cmpi eq, %arg1, %eq3A : i32
    %convert_element_type3A_6 = arith.extui %eq3A_5 : i1 to i32
    %cond3A_7 = arith.constant 0 : i32
    %cond3A_8 = arith.cmpi ne, %convert_element_type3A_6, %cond3A_7 : i32
    scf.if %cond3A_8 {
      "tpu.region"() ({
        %run_scoped3A = tpu.sem_alloc : memref<!tpu.dma_semaphore, #tpu.memory_space<semaphore_mem>>
        %dma_start3A_120 = arith.constant 9360 : i32
        %dma_start3A_121 = arith.constant 0 : i32
        %dma_start3A_122 = tpu.memref_slice %arg10[%dma_start3A_120, %dma_start3A_121] : memref<10000x64xf32, #tpu.memory_space<vmem_shared>> -> memref<640x64xf32, #tpu.memory_space<vmem_shared>>
        %dma_start3A_123 = arith.constant 9360 : i32
        %dma_start3A_124 = arith.constant 0 : i32
        %dma_start3A_125 = tpu.memref_slice %arg5[%dma_start3A_123, %dma_start3A_124] : memref<10000x64xf32, #tpu.memory_space<hbm>> -> memref<640x64xf32, #tpu.memory_space<hbm>>
        tpu.enqueue_dma source(%dma_start3A_125 : memref<640x64xf32, #tpu.memory_space<hbm>>) target(%dma_start3A_122 : memref<640x64xf32, #tpu.memory_space<vmem_shared>>) target_semaphore(%run_scoped3A : memref<!tpu.dma_semaphore, #tpu.memory_space<semaphore_mem>>)
        %dma_wait3A = arith.constant 9360 : i32
        %dma_wait3A_126 = arith.constant 0 : i32
        %dma_wait3A_127 = tpu.memref_slice %arg10[%dma_wait3A, %dma_wait3A_126] : memref<10000x64xf32, #tpu.memory_space<vmem_shared>> -> memref<640x64xf32, #tpu.memory_space<vmem_shared>>
        %dma_wait3A_128 = arith.constant 9360 : i32
        %dma_wait3A_129 = arith.constant 0 : i32
        %dma_wait3A_130 = tpu.memref_slice %arg5[%dma_wait3A_128, %dma_wait3A_129] : memref<10000x64xf32, #tpu.memory_space<hbm>> -> memref<640x64xf32, #tpu.memory_space<hbm>>
        tpu.wait_dma2 semaphore(%run_scoped3A : memref<!tpu.dma_semaphore, #tpu.memory_space<semaphore_mem>>) src(%dma_wait3A_130 : memref<640x64xf32, #tpu.memory_space<hbm>>) dst(%dma_wait3A_127 : memref<640x64xf32, #tpu.memory_space<vmem_shared>>)
        tpu.yield
      }) : () -> ()
    } else {
    }
    %barrier3A = arith.constant 0 : index
    tpu.barrier barrier_id(%barrier3A)
    %dma_start3A = arith.constant 0 : i32
    %dma_start3A_9 = arith.constant 0 : i32
    %dma_start3A_10 = arith.constant 0 : i32
    %dma_start3A_11 = arith.constant 0 : i32
    %dma_start3A_12 = tpu.memref_slice %arg9[%dma_start3A_9, %dma_start3A_10, %dma_start3A_11] : memref<8x125x64xf32, #tpu.memory_space<vmem>> -> memref<1x125x64xf32, #tpu.memory_space<vmem>>
    %dma_start3A_13 = tpu.memref_squeeze %dma_start3A_12 : memref<1x125x64xf32, #tpu.memory_space<vmem>> -> memref<125x64xf32, #tpu.memory_space<vmem>>
    %dma_start3A_14 = arith.constant 0 : i32
    %dma_start3A_15 = tpu.memref_slice %arg7[%dma_start3A, %dma_start3A_14] : memref<80x125xi32, #tpu.memory_space<vmem>> -> memref<1x125xi32, #tpu.memory_space<vmem>>
    %dma_start3A_16 = tpu.memref_squeeze %dma_start3A_15 : memref<1x125xi32, #tpu.memory_space<vmem>> -> memref<125xi32, #tpu.memory_space<vmem>>
    %dma_start3A_17 = arith.constant 0 : i32
    %dma_start3A_18 = arith.constant 0 : i32
    %dma_start3A_19 = tpu.memref_slice %arg4[%dma_start3A_17, %dma_start3A_18] : memref<10000x64xf32, #tpu.memory_space<hbm>> -> memref<10000x64xf32, #tpu.memory_space<hbm>>
    tpu.enqueue_indirect_dma source(%dma_start3A_19 : memref<10000x64xf32, #tpu.memory_space<hbm>>) target(%dma_start3A_13 : memref<125x64xf32, #tpu.memory_space<vmem>>) offsets(%dma_start3A_16 : memref<125xi32, #tpu.memory_space<vmem>>) semaphore(%arg11 : memref<!tpu.dma_semaphore, #tpu.memory_space<semaphore_mem>>)
    %dma_start3A_20 = arith.constant 1 : i32
    %dma_start3A_21 = arith.constant 1 : i32
    %dma_start3A_22 = arith.constant 0 : i32
    %dma_start3A_23 = arith.constant 0 : i32
    %dma_start3A_24 = tpu.memref_slice %arg9[%dma_start3A_21, %dma_start3A_22, %dma_start3A_23] : memref<8x125x64xf32, #tpu.memory_space<vmem>> -> memref<1x125x64xf32, #tpu.memory_space<vmem>>
    %dma_start3A_25 = tpu.memref_squeeze %dma_start3A_24 : memref<1x125x64xf32, #tpu.memory_space<vmem>> -> memref<125x64xf32, #tpu.memory_space<vmem>>
    %dma_start3A_26 = arith.constant 0 : i32
    %dma_start3A_27 = tpu.memref_slice %arg7[%dma_start3A_20, %dma_start3A_26] : memref<80x125xi32, #tpu.memory_space<vmem>> -> memref<1x125xi32, #tpu.memory_space<vmem>>
    %dma_start3A_28 = tpu.memref_squeeze %dma_start3A_27 : memref<1x125xi32, #tpu.memory_space<vmem>> -> memref<125xi32, #tpu.memory_space<vmem>>
    %dma_start3A_29 = arith.constant 0 : i32
    %dma_start3A_30 = arith.constant 0 : i32
    %dma_start3A_31 = tpu.memref_slice %arg4[%dma_start3A_29, %dma_start3A_30] : memref<10000x64xf32, #tpu.memory_space<hbm>> -> memref<10000x64xf32, #tpu.memory_space<hbm>>
    tpu.enqueue_indirect_dma source(%dma_start3A_31 : memref<10000x64xf32, #tpu.memory_space<hbm>>) target(%dma_start3A_25 : memref<125x64xf32, #tpu.memory_space<vmem>>) offsets(%dma_start3A_28 : memref<125xi32, #tpu.memory_space<vmem>>) semaphore(%arg11 : memref<!tpu.dma_semaphore, #tpu.memory_space<semaphore_mem>>)
    %dma_start3A_32 = arith.constant 2 : i32
    %dma_start3A_33 = arith.constant 2 : i32
    %dma_start3A_34 = arith.constant 0 : i32
    %dma_start3A_35 = arith.constant 0 : i32
    %dma_start3A_36 = tpu.memref_slice %arg9[%dma_start3A_33, %dma_start3A_34, %dma_start3A_35] : memref<8x125x64xf32, #tpu.memory_space<vmem>> -> memref<1x125x64xf32, #tpu.memory_space<vmem>>
    %dma_start3A_37 = tpu.memref_squeeze %dma_start3A_36 : memref<1x125x64xf32, #tpu.memory_space<vmem>> -> memref<125x64xf32, #tpu.memory_space<vmem>>
    %dma_start3A_38 = arith.constant 0 : i32
    %dma_start3A_39 = tpu.memref_slice %arg7[%dma_start3A_32, %dma_start3A_38] : memref<80x125xi32, #tpu.memory_space<vmem>> -> memref<1x125xi32, #tpu.memory_space<vmem>>
    %dma_start3A_40 = tpu.memref_squeeze %dma_start3A_39 : memref<1x125xi32, #tpu.memory_space<vmem>> -> memref<125xi32, #tpu.memory_space<vmem>>
    %dma_start3A_41 = arith.constant 0 : i32
    %dma_start3A_42 = arith.constant 0 : i32
    %dma_start3A_43 = tpu.memref_slice %arg4[%dma_start3A_41, %dma_start3A_42] : memref<10000x64xf32, #tpu.memory_space<hbm>> -> memref<10000x64xf32, #tpu.memory_space<hbm>>
    tpu.enqueue_indirect_dma source(%dma_start3A_43 : memref<10000x64xf32, #tpu.memory_space<hbm>>) target(%dma_start3A_37 : memref<125x64xf32, #tpu.memory_space<vmem>>) offsets(%dma_start3A_40 : memref<125xi32, #tpu.memory_space<vmem>>) semaphore(%arg11 : memref<!tpu.dma_semaphore, #tpu.memory_space<semaphore_mem>>)
    %dma_start3A_44 = arith.constant 3 : i32
    %dma_start3A_45 = arith.constant 3 : i32
    %dma_start3A_46 = arith.constant 0 : i32
    %dma_start3A_47 = arith.constant 0 : i32
    %dma_start3A_48 = tpu.memref_slice %arg9[%dma_start3A_45, %dma_start3A_46, %dma_start3A_47] : memref<8x125x64xf32, #tpu.memory_space<vmem>> -> memref<1x125x64xf32, #tpu.memory_space<vmem>>
    %dma_start3A_49 = tpu.memref_squeeze %dma_start3A_48 : memref<1x125x64xf32, #tpu.memory_space<vmem>> -> memref<125x64xf32, #tpu.memory_space<vmem>>
    %dma_start3A_50 = arith.constant 0 : i32
    %dma_start3A_51 = tpu.memref_slice %arg7[%dma_start3A_44, %dma_start3A_50] : memref<80x125xi32, #tpu.memory_space<vmem>> -> memref<1x125xi32, #tpu.memory_space<vmem>>
    %dma_start3A_52 = tpu.memref_squeeze %dma_start3A_51 : memref<1x125xi32, #tpu.memory_space<vmem>> -> memref<125xi32, #tpu.memory_space<vmem>>
    %dma_start3A_53 = arith.constant 0 : i32
    %dma_start3A_54 = arith.constant 0 : i32
    %dma_start3A_55 = tpu.memref_slice %arg4[%dma_start3A_53, %dma_start3A_54] : memref<10000x64xf32, #tpu.memory_space<hbm>> -> memref<10000x64xf32, #tpu.memory_space<hbm>>
    tpu.enqueue_indirect_dma source(%dma_start3A_55 : memref<10000x64xf32, #tpu.memory_space<hbm>>) target(%dma_start3A_49 : memref<125x64xf32, #tpu.memory_space<vmem>>) offsets(%dma_start3A_52 : memref<125xi32, #tpu.memory_space<vmem>>) semaphore(%arg11 : memref<!tpu.dma_semaphore, #tpu.memory_space<semaphore_mem>>)
    %dma_start3A_56 = arith.constant 4 : i32
    %dma_start3A_57 = arith.constant 4 : i32
    %dma_start3A_58 = arith.constant 0 : i32
    %dma_start3A_59 = arith.constant 0 : i32
    %dma_start3A_60 = tpu.memref_slice %arg9[%dma_start3A_57, %dma_start3A_58, %dma_start3A_59] : memref<8x125x64xf32, #tpu.memory_space<vmem>> -> memref<1x125x64xf32, #tpu.memory_space<vmem>>
    %dma_start3A_61 = tpu.memref_squeeze %dma_start3A_60 : memref<1x125x64xf32, #tpu.memory_space<vmem>> -> memref<125x64xf32, #tpu.memory_space<vmem>>
    %dma_start3A_62 = arith.constant 0 : i32
    %dma_start3A_63 = tpu.memref_slice %arg7[%dma_start3A_56, %dma_start3A_62] : memref<80x125xi32, #tpu.memory_space<vmem>> -> memref<1x125xi32, #tpu.memory_space<vmem>>
    %dma_start3A_64 = tpu.memref_squeeze %dma_start3A_63 : memref<1x125xi32, #tpu.memory_space<vmem>> -> memref<125xi32, #tpu.memory_space<vmem>>
    %dma_start3A_65 = arith.constant 0 : i32
    %dma_start3A_66 = arith.constant 0 : i32
    %dma_start3A_67 = tpu.memref_slice %arg4[%dma_start3A_65, %dma_start3A_66] : memref<10000x64xf32, #tpu.memory_space<hbm>> -> memref<10000x64xf32, #tpu.memory_space<hbm>>
    tpu.enqueue_indirect_dma source(%dma_start3A_67 : memref<10000x64xf32, #tpu.memory_space<hbm>>) target(%dma_start3A_61 : memref<125x64xf32, #tpu.memory_space<vmem>>) offsets(%dma_start3A_64 : memref<125xi32, #tpu.memory_space<vmem>>) semaphore(%arg11 : memref<!tpu.dma_semaphore, #tpu.memory_space<semaphore_mem>>)
    %dma_start3A_68 = arith.constant 5 : i32
    %dma_start3A_69 = arith.constant 5 : i32
    %dma_start3A_70 = arith.constant 0 : i32
    %dma_start3A_71 = arith.constant 0 : i32
    %dma_start3A_72 = tpu.memref_slice %arg9[%dma_start3A_69, %dma_start3A_70, %dma_start3A_71] : memref<8x125x64xf32, #tpu.memory_space<vmem>> -> memref<1x125x64xf32, #tpu.memory_space<vmem>>
    %dma_start3A_73 = tpu.memref_squeeze %dma_start3A_72 : memref<1x125x64xf32, #tpu.memory_space<vmem>> -> memref<125x64xf32, #tpu.memory_space<vmem>>
    %dma_start3A_74 = arith.constant 0 : i32
    %dma_start3A_75 = tpu.memref_slice %arg7[%dma_start3A_68, %dma_start3A_74] : memref<80x125xi32, #tpu.memory_space<vmem>> -> memref<1x125xi32, #tpu.memory_space<vmem>>
    %dma_start3A_76 = tpu.memref_squeeze %dma_start3A_75 : memref<1x125xi32, #tpu.memory_space<vmem>> -> memref<125xi32, #tpu.memory_space<vmem>>
    %dma_start3A_77 = arith.constant 0 : i32
    %dma_start3A_78 = arith.constant 0 : i32
    %dma_start3A_79 = tpu.memref_slice %arg4[%dma_start3A_77, %dma_start3A_78] : memref<10000x64xf32, #tpu.memory_space<hbm>> -> memref<10000x64xf32, #tpu.memory_space<hbm>>
    tpu.enqueue_indirect_dma source(%dma_start3A_79 : memref<10000x64xf32, #tpu.memory_space<hbm>>) target(%dma_start3A_73 : memref<125x64xf32, #tpu.memory_space<vmem>>) offsets(%dma_start3A_76 : memref<125xi32, #tpu.memory_space<vmem>>) semaphore(%arg11 : memref<!tpu.dma_semaphore, #tpu.memory_space<semaphore_mem>>)
    %dma_start3A_80 = arith.constant 6 : i32
    %dma_start3A_81 = arith.constant 6 : i32
    %dma_start3A_82 = arith.constant 0 : i32
    %dma_start3A_83 = arith.constant 0 : i32
    %dma_start3A_84 = tpu.memref_slice %arg9[%dma_start3A_81, %dma_start3A_82, %dma_start3A_83] : memref<8x125x64xf32, #tpu.memory_space<vmem>> -> memref<1x125x64xf32, #tpu.memory_space<vmem>>
    %dma_start3A_85 = tpu.memref_squeeze %dma_start3A_84 : memref<1x125x64xf32, #tpu.memory_space<vmem>> -> memref<125x64xf32, #tpu.memory_space<vmem>>
    %dma_start3A_86 = arith.constant 0 : i32
    %dma_start3A_87 = tpu.memref_slice %arg7[%dma_start3A_80, %dma_start3A_86] : memref<80x125xi32, #tpu.memory_space<vmem>> -> memref<1x125xi32, #tpu.memory_space<vmem>>
    %dma_start3A_88 = tpu.memref_squeeze %dma_start3A_87 : memref<1x125xi32, #tpu.memory_space<vmem>> -> memref<125xi32, #tpu.memory_space<vmem>>
    %dma_start3A_89 = arith.constant 0 : i32
    %dma_start3A_90 = arith.constant 0 : i32
    %dma_start3A_91 = tpu.memref_slice %arg4[%dma_start3A_89, %dma_start3A_90] : memref<10000x64xf32, #tpu.memory_space<hbm>> -> memref<10000x64xf32, #tpu.memory_space<hbm>>
    tpu.enqueue_indirect_dma source(%dma_start3A_91 : memref<10000x64xf32, #tpu.memory_space<hbm>>) target(%dma_start3A_85 : memref<125x64xf32, #tpu.memory_space<vmem>>) offsets(%dma_start3A_88 : memref<125xi32, #tpu.memory_space<vmem>>) semaphore(%arg11 : memref<!tpu.dma_semaphore, #tpu.memory_space<semaphore_mem>>)
    %dma_start3A_92 = arith.constant 7 : i32
    %dma_start3A_93 = arith.constant 7 : i32
    %dma_start3A_94 = arith.constant 0 : i32
    %dma_start3A_95 = arith.constant 0 : i32
    %dma_start3A_96 = tpu.memref_slice %arg9[%dma_start3A_93, %dma_start3A_94, %dma_start3A_95] : memref<8x125x64xf32, #tpu.memory_space<vmem>> -> memref<1x125x64xf32, #tpu.memory_space<vmem>>
    %dma_start3A_97 = tpu.memref_squeeze %dma_start3A_96 : memref<1x125x64xf32, #tpu.memory_space<vmem>> -> memref<125x64xf32, #tpu.memory_space<vmem>>
    %dma_start3A_98 = arith.constant 0 : i32
    %dma_start3A_99 = tpu.memref_slice %arg7[%dma_start3A_92, %dma_start3A_98] : memref<80x125xi32, #tpu.memory_space<vmem>> -> memref<1x125xi32, #tpu.memory_space<vmem>>
    %dma_start3A_100 = tpu.memref_squeeze %dma_start3A_99 : memref<1x125xi32, #tpu.memory_space<vmem>> -> memref<125xi32, #tpu.memory_space<vmem>>
    %dma_start3A_101 = arith.constant 0 : i32
    %dma_start3A_102 = arith.constant 0 : i32
    %dma_start3A_103 = tpu.memref_slice %arg4[%dma_start3A_101, %dma_start3A_102] : memref<10000x64xf32, #tpu.memory_space<hbm>> -> memref<10000x64xf32, #tpu.memory_space<hbm>>
    tpu.enqueue_indirect_dma source(%dma_start3A_103 : memref<10000x64xf32, #tpu.memory_space<hbm>>) target(%dma_start3A_97 : memref<125x64xf32, #tpu.memory_space<vmem>>) offsets(%dma_start3A_100 : memref<125xi32, #tpu.memory_space<vmem>>) semaphore(%arg11 : memref<!tpu.dma_semaphore, #tpu.memory_space<semaphore_mem>>)
    %scan3A = arith.constant 0 : i32
    %scan3A_104 = arith.constant 0 : i32
    %scan3A_105 = arith.constant 10 : i32
    %scan3A_106 = arith.addi %scan3A_104, %scan3A_105 : i32
    %scan3A_107 = arith.constant 1 : i32
    scf.for %scan3A_120 = %scan3A_104 to %scan3A_106 step %scan3A_107  : i32 {
      %mul3A_121 = arith.constant 8 : i32
      %mul3A_122 = arith.muli %mul3A_121, %scan3A_120 : i32
      %add3A_123 = arith.constant 0 : i32
      %add3A_124 = arith.addi %mul3A_122, %add3A_123 : i32
      %dma_wait3A = arith.constant 0 : i32
      %dma_wait3A_125 = arith.constant 0 : i32
      %dma_wait3A_126 = arith.constant 0 : i32
      %dma_wait3A_127 = tpu.memref_slice %arg9[%dma_wait3A, %dma_wait3A_125, %dma_wait3A_126] : memref<8x125x64xf32, #tpu.memory_space<vmem>> -> memref<1x125x64xf32, #tpu.memory_space<vmem>>
      %dma_wait3A_128 = tpu.memref_squeeze %dma_wait3A_127 : memref<1x125x64xf32, #tpu.memory_space<vmem>> -> memref<125x64xf32, #tpu.memory_space<vmem>>
      %dma_wait3A_129 = arith.constant 0 : i32
      %dma_wait3A_130 = tpu.memref_slice %arg7[%add3A_124, %dma_wait3A_129] : memref<80x125xi32, #tpu.memory_space<vmem>> -> memref<1x125xi32, #tpu.memory_space<vmem>>
      %dma_wait3A_131 = tpu.memref_squeeze %dma_wait3A_130 : memref<1x125xi32, #tpu.memory_space<vmem>> -> memref<125xi32, #tpu.memory_space<vmem>>
      %dma_wait3A_132 = arith.constant 0 : i32
      %dma_wait3A_133 = arith.constant 0 : i32
      %dma_wait3A_134 = tpu.memref_slice %arg4[%dma_wait3A_132, %dma_wait3A_133] : memref<10000x64xf32, #tpu.memory_space<hbm>> -> memref<10000x64xf32, #tpu.memory_space<hbm>>
      tpu.wait_indirect_dma semaphore(%arg11 : memref<!tpu.dma_semaphore, #tpu.memory_space<semaphore_mem>>) src(%dma_wait3A_134 : memref<10000x64xf32, #tpu.memory_space<hbm>>) dst(%dma_wait3A_128 : memref<125x64xf32, #tpu.memory_space<vmem>>)
      %add3A_135 = arith.constant 0 : i32
      %add3A_136 = arith.addi %mul3A_122, %add3A_135 : i32
      %dma_start3A_137 = arith.constant 0 : i32
      %dma_start3A_138 = arith.constant 0 : i32
      %dma_start3A_139 = arith.constant 0 : i32
      %dma_start3A_140 = tpu.memref_slice %arg9[%dma_start3A_137, %dma_start3A_138, %dma_start3A_139] : memref<8x125x64xf32, #tpu.memory_space<vmem>> -> memref<1x125x64xf32, #tpu.memory_space<vmem>>
      %dma_start3A_141 = tpu.memref_squeeze %dma_start3A_140 : memref<1x125x64xf32, #tpu.memory_space<vmem>> -> memref<125x64xf32, #tpu.memory_space<vmem>>
      %dma_start3A_142 = arith.constant 0 : i32
      %dma_start3A_143 = tpu.memref_slice %arg8[%add3A_136, %dma_start3A_142] : memref<80x125xi32, #tpu.memory_space<vmem>> -> memref<1x125xi32, #tpu.memory_space<vmem>>
      %dma_start3A_144 = tpu.memref_squeeze %dma_start3A_143 : memref<1x125xi32, #tpu.memory_space<vmem>> -> memref<125xi32, #tpu.memory_space<vmem>>
      %dma_start3A_145 = arith.constant 0 : i32
      %dma_start3A_146 = arith.constant 0 : i32
      %dma_start3A_147 = tpu.memref_slice %arg10[%dma_start3A_145, %dma_start3A_146] : memref<10000x64xf32, #tpu.memory_space<vmem_shared>> -> memref<10000x64xf32, #tpu.memory_space<vmem_shared>>
      tpu.enqueue_indirect_dma source(%dma_start3A_141 : memref<125x64xf32, #tpu.memory_space<vmem>>) target(%dma_start3A_147 : memref<10000x64xf32, #tpu.memory_space<vmem_shared>>) offsets(%dma_start3A_144 : memref<125xi32, #tpu.memory_space<vmem>>) semaphore(%arg12 : memref<!tpu.dma_semaphore, #tpu.memory_space<semaphore_mem>>) {add = true}
      %add3A_148 = arith.constant 1 : i32
      %add3A_149 = arith.addi %mul3A_122, %add3A_148 : i32
      %dma_wait3A_150 = arith.constant 1 : i32
      %dma_wait3A_151 = arith.constant 0 : i32
      %dma_wait3A_152 = arith.constant 0 : i32
      %dma_wait3A_153 = tpu.memref_slice %arg9[%dma_wait3A_150, %dma_wait3A_151, %dma_wait3A_152] : memref<8x125x64xf32, #tpu.memory_space<vmem>> -> memref<1x125x64xf32, #tpu.memory_space<vmem>>
      %dma_wait3A_154 = tpu.memref_squeeze %dma_wait3A_153 : memref<1x125x64xf32, #tpu.memory_space<vmem>> -> memref<125x64xf32, #tpu.memory_space<vmem>>
      %dma_wait3A_155 = arith.constant 0 : i32
      %dma_wait3A_156 = tpu.memref_slice %arg7[%add3A_149, %dma_wait3A_155] : memref<80x125xi32, #tpu.memory_space<vmem>> -> memref<1x125xi32, #tpu.memory_space<vmem>>
      %dma_wait3A_157 = tpu.memref_squeeze %dma_wait3A_156 : memref<1x125xi32, #tpu.memory_space<vmem>> -> memref<125xi32, #tpu.memory_space<vmem>>
      %dma_wait3A_158 = arith.constant 0 : i32
      %dma_wait3A_159 = arith.constant 0 : i32
      %dma_wait3A_160 = tpu.memref_slice %arg4[%dma_wait3A_158, %dma_wait3A_159] : memref<10000x64xf32, #tpu.memory_space<hbm>> -> memref<10000x64xf32, #tpu.memory_space<hbm>>
      tpu.wait_indirect_dma semaphore(%arg11 : memref<!tpu.dma_semaphore, #tpu.memory_space<semaphore_mem>>) src(%dma_wait3A_160 : memref<10000x64xf32, #tpu.memory_space<hbm>>) dst(%dma_wait3A_154 : memref<125x64xf32, #tpu.memory_space<vmem>>)
      %add3A_161 = arith.constant 1 : i32
      %add3A_162 = arith.addi %mul3A_122, %add3A_161 : i32
      %dma_start3A_163 = arith.constant 1 : i32
      %dma_start3A_164 = arith.constant 0 : i32
      %dma_start3A_165 = arith.constant 0 : i32
      %dma_start3A_166 = tpu.memref_slice %arg9[%dma_start3A_163, %dma_start3A_164, %dma_start3A_165] : memref<8x125x64xf32, #tpu.memory_space<vmem>> -> memref<1x125x64xf32, #tpu.memory_space<vmem>>
      %dma_start3A_167 = tpu.memref_squeeze %dma_start3A_166 : memref<1x125x64xf32, #tpu.memory_space<vmem>> -> memref<125x64xf32, #tpu.memory_space<vmem>>
      %dma_start3A_168 = arith.constant 0 : i32
      %dma_start3A_169 = tpu.memref_slice %arg8[%add3A_162, %dma_start3A_168] : memref<80x125xi32, #tpu.memory_space<vmem>> -> memref<1x125xi32, #tpu.memory_space<vmem>>
      %dma_start3A_170 = tpu.memref_squeeze %dma_start3A_169 : memref<1x125xi32, #tpu.memory_space<vmem>> -> memref<125xi32, #tpu.memory_space<vmem>>
      %dma_start3A_171 = arith.constant 0 : i32
      %dma_start3A_172 = arith.constant 0 : i32
      %dma_start3A_173 = tpu.memref_slice %arg10[%dma_start3A_171, %dma_start3A_172] : memref<10000x64xf32, #tpu.memory_space<vmem_shared>> -> memref<10000x64xf32, #tpu.memory_space<vmem_shared>>
      tpu.enqueue_indirect_dma source(%dma_start3A_167 : memref<125x64xf32, #tpu.memory_space<vmem>>) target(%dma_start3A_173 : memref<10000x64xf32, #tpu.memory_space<vmem_shared>>) offsets(%dma_start3A_170 : memref<125xi32, #tpu.memory_space<vmem>>) semaphore(%arg12 : memref<!tpu.dma_semaphore, #tpu.memory_space<semaphore_mem>>) {add = true}
      %add3A_174 = arith.constant 2 : i32
      %add3A_175 = arith.addi %mul3A_122, %add3A_174 : i32
      %dma_wait3A_176 = arith.constant 2 : i32
      %dma_wait3A_177 = arith.constant 0 : i32
      %dma_wait3A_178 = arith.constant 0 : i32
      %dma_wait3A_179 = tpu.memref_slice %arg9[%dma_wait3A_176, %dma_wait3A_177, %dma_wait3A_178] : memref<8x125x64xf32, #tpu.memory_space<vmem>> -> memref<1x125x64xf32, #tpu.memory_space<vmem>>
      %dma_wait3A_180 = tpu.memref_squeeze %dma_wait3A_179 : memref<1x125x64xf32, #tpu.memory_space<vmem>> -> memref<125x64xf32, #tpu.memory_space<vmem>>
      %dma_wait3A_181 = arith.constant 0 : i32
      %dma_wait3A_182 = tpu.memref_slice %arg7[%add3A_175, %dma_wait3A_181] : memref<80x125xi32, #tpu.memory_space<vmem>> -> memref<1x125xi32, #tpu.memory_space<vmem>>
      %dma_wait3A_183 = tpu.memref_squeeze %dma_wait3A_182 : memref<1x125xi32, #tpu.memory_space<vmem>> -> memref<125xi32, #tpu.memory_space<vmem>>
      %dma_wait3A_184 = arith.constant 0 : i32
      %dma_wait3A_185 = arith.constant 0 : i32
      %dma_wait3A_186 = tpu.memref_slice %arg4[%dma_wait3A_184, %dma_wait3A_185] : memref<10000x64xf32, #tpu.memory_space<hbm>> -> memref<10000x64xf32, #tpu.memory_space<hbm>>
      tpu.wait_indirect_dma semaphore(%arg11 : memref<!tpu.dma_semaphore, #tpu.memory_space<semaphore_mem>>) src(%dma_wait3A_186 : memref<10000x64xf32, #tpu.memory_space<hbm>>) dst(%dma_wait3A_180 : memref<125x64xf32, #tpu.memory_space<vmem>>)
      %add3A_187 = arith.constant 2 : i32
      %add3A_188 = arith.addi %mul3A_122, %add3A_187 : i32
      %dma_start3A_189 = arith.constant 2 : i32
      %dma_start3A_190 = arith.constant 0 : i32
      %dma_start3A_191 = arith.constant 0 : i32
      %dma_start3A_192 = tpu.memref_slice %arg9[%dma_start3A_189, %dma_start3A_190, %dma_start3A_191] : memref<8x125x64xf32, #tpu.memory_space<vmem>> -> memref<1x125x64xf32, #tpu.memory_space<vmem>>
      %dma_start3A_193 = tpu.memref_squeeze %dma_start3A_192 : memref<1x125x64xf32, #tpu.memory_space<vmem>> -> memref<125x64xf32, #tpu.memory_space<vmem>>
      %dma_start3A_194 = arith.constant 0 : i32
      %dma_start3A_195 = tpu.memref_slice %arg8[%add3A_188, %dma_start3A_194] : memref<80x125xi32, #tpu.memory_space<vmem>> -> memref<1x125xi32, #tpu.memory_space<vmem>>
      %dma_start3A_196 = tpu.memref_squeeze %dma_start3A_195 : memref<1x125xi32, #tpu.memory_space<vmem>> -> memref<125xi32, #tpu.memory_space<vmem>>
      %dma_start3A_197 = arith.constant 0 : i32
      %dma_start3A_198 = arith.constant 0 : i32
      %dma_start3A_199 = tpu.memref_slice %arg10[%dma_start3A_197, %dma_start3A_198] : memref<10000x64xf32, #tpu.memory_space<vmem_shared>> -> memref<10000x64xf32, #tpu.memory_space<vmem_shared>>
      tpu.enqueue_indirect_dma source(%dma_start3A_193 : memref<125x64xf32, #tpu.memory_space<vmem>>) target(%dma_start3A_199 : memref<10000x64xf32, #tpu.memory_space<vmem_shared>>) offsets(%dma_start3A_196 : memref<125xi32, #tpu.memory_space<vmem>>) semaphore(%arg12 : memref<!tpu.dma_semaphore, #tpu.memory_space<semaphore_mem>>) {add = true}
      %add3A_200 = arith.constant 3 : i32
      %add3A_201 = arith.addi %mul3A_122, %add3A_200 : i32
      %dma_wait3A_202 = arith.constant 3 : i32
      %dma_wait3A_203 = arith.constant 0 : i32
      %dma_wait3A_204 = arith.constant 0 : i32
      %dma_wait3A_205 = tpu.memref_slice %arg9[%dma_wait3A_202, %dma_wait3A_203, %dma_wait3A_204] : memref<8x125x64xf32, #tpu.memory_space<vmem>> -> memref<1x125x64xf32, #tpu.memory_space<vmem>>
      %dma_wait3A_206 = tpu.memref_squeeze %dma_wait3A_205 : memref<1x125x64xf32, #tpu.memory_space<vmem>> -> memref<125x64xf32, #tpu.memory_space<vmem>>
      %dma_wait3A_207 = arith.constant 0 : i32
      %dma_wait3A_208 = tpu.memref_slice %arg7[%add3A_201, %dma_wait3A_207] : memref<80x125xi32, #tpu.memory_space<vmem>> -> memref<1x125xi32, #tpu.memory_space<vmem>>
      %dma_wait3A_209 = tpu.memref_squeeze %dma_wait3A_208 : memref<1x125xi32, #tpu.memory_space<vmem>> -> memref<125xi32, #tpu.memory_space<vmem>>
      %dma_wait3A_210 = arith.constant 0 : i32
      %dma_wait3A_211 = arith.constant 0 : i32
      %dma_wait3A_212 = tpu.memref_slice %arg4[%dma_wait3A_210, %dma_wait3A_211] : memref<10000x64xf32, #tpu.memory_space<hbm>> -> memref<10000x64xf32, #tpu.memory_space<hbm>>
      tpu.wait_indirect_dma semaphore(%arg11 : memref<!tpu.dma_semaphore, #tpu.memory_space<semaphore_mem>>) src(%dma_wait3A_212 : memref<10000x64xf32, #tpu.memory_space<hbm>>) dst(%dma_wait3A_206 : memref<125x64xf32, #tpu.memory_space<vmem>>)
      %add3A_213 = arith.constant 3 : i32
      %add3A_214 = arith.addi %mul3A_122, %add3A_213 : i32
      %dma_start3A_215 = arith.constant 3 : i32
      %dma_start3A_216 = arith.constant 0 : i32
      %dma_start3A_217 = arith.constant 0 : i32
      %dma_start3A_218 = tpu.memref_slice %arg9[%dma_start3A_215, %dma_start3A_216, %dma_start3A_217] : memref<8x125x64xf32, #tpu.memory_space<vmem>> -> memref<1x125x64xf32, #tpu.memory_space<vmem>>
      %dma_start3A_219 = tpu.memref_squeeze %dma_start3A_218 : memref<1x125x64xf32, #tpu.memory_space<vmem>> -> memref<125x64xf32, #tpu.memory_space<vmem>>
      %dma_start3A_220 = arith.constant 0 : i32
      %dma_start3A_221 = tpu.memref_slice %arg8[%add3A_214, %dma_start3A_220] : memref<80x125xi32, #tpu.memory_space<vmem>> -> memref<1x125xi32, #tpu.memory_space<vmem>>
      %dma_start3A_222 = tpu.memref_squeeze %dma_start3A_221 : memref<1x125xi32, #tpu.memory_space<vmem>> -> memref<125xi32, #tpu.memory_space<vmem>>
      %dma_start3A_223 = arith.constant 0 : i32
      %dma_start3A_224 = arith.constant 0 : i32
      %dma_start3A_225 = tpu.memref_slice %arg10[%dma_start3A_223, %dma_start3A_224] : memref<10000x64xf32, #tpu.memory_space<vmem_shared>> -> memref<10000x64xf32, #tpu.memory_space<vmem_shared>>
      tpu.enqueue_indirect_dma source(%dma_start3A_219 : memref<125x64xf32, #tpu.memory_space<vmem>>) target(%dma_start3A_225 : memref<10000x64xf32, #tpu.memory_space<vmem_shared>>) offsets(%dma_start3A_222 : memref<125xi32, #tpu.memory_space<vmem>>) semaphore(%arg12 : memref<!tpu.dma_semaphore, #tpu.memory_space<semaphore_mem>>) {add = true}
      %add3A_226 = arith.constant 4 : i32
      %add3A_227 = arith.addi %mul3A_122, %add3A_226 : i32
      %dma_wait3A_228 = arith.constant 4 : i32
      %dma_wait3A_229 = arith.constant 0 : i32
      %dma_wait3A_230 = arith.constant 0 : i32
      %dma_wait3A_231 = tpu.memref_slice %arg9[%dma_wait3A_228, %dma_wait3A_229, %dma_wait3A_230] : memref<8x125x64xf32, #tpu.memory_space<vmem>> -> memref<1x125x64xf32, #tpu.memory_space<vmem>>
      %dma_wait3A_232 = tpu.memref_squeeze %dma_wait3A_231 : memref<1x125x64xf32, #tpu.memory_space<vmem>> -> memref<125x64xf32, #tpu.memory_space<vmem>>
      %dma_wait3A_233 = arith.constant 0 : i32
      %dma_wait3A_234 = tpu.memref_slice %arg7[%add3A_227, %dma_wait3A_233] : memref<80x125xi32, #tpu.memory_space<vmem>> -> memref<1x125xi32, #tpu.memory_space<vmem>>
      %dma_wait3A_235 = tpu.memref_squeeze %dma_wait3A_234 : memref<1x125xi32, #tpu.memory_space<vmem>> -> memref<125xi32, #tpu.memory_space<vmem>>
      %dma_wait3A_236 = arith.constant 0 : i32
      %dma_wait3A_237 = arith.constant 0 : i32
      %dma_wait3A_238 = tpu.memref_slice %arg4[%dma_wait3A_236, %dma_wait3A_237] : memref<10000x64xf32, #tpu.memory_space<hbm>> -> memref<10000x64xf32, #tpu.memory_space<hbm>>
      tpu.wait_indirect_dma semaphore(%arg11 : memref<!tpu.dma_semaphore, #tpu.memory_space<semaphore_mem>>) src(%dma_wait3A_238 : memref<10000x64xf32, #tpu.memory_space<hbm>>) dst(%dma_wait3A_232 : memref<125x64xf32, #tpu.memory_space<vmem>>)
      %add3A_239 = arith.constant 4 : i32
      %add3A_240 = arith.addi %mul3A_122, %add3A_239 : i32
      %dma_start3A_241 = arith.constant 4 : i32
      %dma_start3A_242 = arith.constant 0 : i32
      %dma_start3A_243 = arith.constant 0 : i32
      %dma_start3A_244 = tpu.memref_slice %arg9[%dma_start3A_241, %dma_start3A_242, %dma_start3A_243] : memref<8x125x64xf32, #tpu.memory_space<vmem>> -> memref<1x125x64xf32, #tpu.memory_space<vmem>>
      %dma_start3A_245 = tpu.memref_squeeze %dma_start3A_244 : memref<1x125x64xf32, #tpu.memory_space<vmem>> -> memref<125x64xf32, #tpu.memory_space<vmem>>
      %dma_start3A_246 = arith.constant 0 : i32
      %dma_start3A_247 = tpu.memref_slice %arg8[%add3A_240, %dma_start3A_246] : memref<80x125xi32, #tpu.memory_space<vmem>> -> memref<1x125xi32, #tpu.memory_space<vmem>>
      %dma_start3A_248 = tpu.memref_squeeze %dma_start3A_247 : memref<1x125xi32, #tpu.memory_space<vmem>> -> memref<125xi32, #tpu.memory_space<vmem>>
      %dma_start3A_249 = arith.constant 0 : i32
      %dma_start3A_250 = arith.constant 0 : i32
      %dma_start3A_251 = tpu.memref_slice %arg10[%dma_start3A_249, %dma_start3A_250] : memref<10000x64xf32, #tpu.memory_space<vmem_shared>> -> memref<10000x64xf32, #tpu.memory_space<vmem_shared>>
      tpu.enqueue_indirect_dma source(%dma_start3A_245 : memref<125x64xf32, #tpu.memory_space<vmem>>) target(%dma_start3A_251 : memref<10000x64xf32, #tpu.memory_space<vmem_shared>>) offsets(%dma_start3A_248 : memref<125xi32, #tpu.memory_space<vmem>>) semaphore(%arg12 : memref<!tpu.dma_semaphore, #tpu.memory_space<semaphore_mem>>) {add = true}
      %add3A_252 = arith.constant 5 : i32
      %add3A_253 = arith.addi %mul3A_122, %add3A_252 : i32
      %dma_wait3A_254 = arith.constant 5 : i32
      %dma_wait3A_255 = arith.constant 0 : i32
      %dma_wait3A_256 = arith.constant 0 : i32
      %dma_wait3A_257 = tpu.memref_slice %arg9[%dma_wait3A_254, %dma_wait3A_255, %dma_wait3A_256] : memref<8x125x64xf32, #tpu.memory_space<vmem>> -> memref<1x125x64xf32, #tpu.memory_space<vmem>>
      %dma_wait3A_258 = tpu.memref_squeeze %dma_wait3A_257 : memref<1x125x64xf32, #tpu.memory_space<vmem>> -> memref<125x64xf32, #tpu.memory_space<vmem>>
      %dma_wait3A_259 = arith.constant 0 : i32
      %dma_wait3A_260 = tpu.memref_slice %arg7[%add3A_253, %dma_wait3A_259] : memref<80x125xi32, #tpu.memory_space<vmem>> -> memref<1x125xi32, #tpu.memory_space<vmem>>
      %dma_wait3A_261 = tpu.memref_squeeze %dma_wait3A_260 : memref<1x125xi32, #tpu.memory_space<vmem>> -> memref<125xi32, #tpu.memory_space<vmem>>
      %dma_wait3A_262 = arith.constant 0 : i32
      %dma_wait3A_263 = arith.constant 0 : i32
      %dma_wait3A_264 = tpu.memref_slice %arg4[%dma_wait3A_262, %dma_wait3A_263] : memref<10000x64xf32, #tpu.memory_space<hbm>> -> memref<10000x64xf32, #tpu.memory_space<hbm>>
      tpu.wait_indirect_dma semaphore(%arg11 : memref<!tpu.dma_semaphore, #tpu.memory_space<semaphore_mem>>) src(%dma_wait3A_264 : memref<10000x64xf32, #tpu.memory_space<hbm>>) dst(%dma_wait3A_258 : memref<125x64xf32, #tpu.memory_space<vmem>>)
      %add3A_265 = arith.constant 5 : i32
      %add3A_266 = arith.addi %mul3A_122, %add3A_265 : i32
      %dma_start3A_267 = arith.constant 5 : i32
      %dma_start3A_268 = arith.constant 0 : i32
      %dma_start3A_269 = arith.constant 0 : i32
      %dma_start3A_270 = tpu.memref_slice %arg9[%dma_start3A_267, %dma_start3A_268, %dma_start3A_269] : memref<8x125x64xf32, #tpu.memory_space<vmem>> -> memref<1x125x64xf32, #tpu.memory_space<vmem>>
      %dma_start3A_271 = tpu.memref_squeeze %dma_start3A_270 : memref<1x125x64xf32, #tpu.memory_space<vmem>> -> memref<125x64xf32, #tpu.memory_space<vmem>>
      %dma_start3A_272 = arith.constant 0 : i32
      %dma_start3A_273 = tpu.memref_slice %arg8[%add3A_266, %dma_start3A_272] : memref<80x125xi32, #tpu.memory_space<vmem>> -> memref<1x125xi32, #tpu.memory_space<vmem>>
      %dma_start3A_274 = tpu.memref_squeeze %dma_start3A_273 : memref<1x125xi32, #tpu.memory_space<vmem>> -> memref<125xi32, #tpu.memory_space<vmem>>
      %dma_start3A_275 = arith.constant 0 : i32
      %dma_start3A_276 = arith.constant 0 : i32
      %dma_start3A_277 = tpu.memref_slice %arg10[%dma_start3A_275, %dma_start3A_276] : memref<10000x64xf32, #tpu.memory_space<vmem_shared>> -> memref<10000x64xf32, #tpu.memory_space<vmem_shared>>
      tpu.enqueue_indirect_dma source(%dma_start3A_271 : memref<125x64xf32, #tpu.memory_space<vmem>>) target(%dma_start3A_277 : memref<10000x64xf32, #tpu.memory_space<vmem_shared>>) offsets(%dma_start3A_274 : memref<125xi32, #tpu.memory_space<vmem>>) semaphore(%arg12 : memref<!tpu.dma_semaphore, #tpu.memory_space<semaphore_mem>>) {add = true}
      %add3A_278 = arith.constant 6 : i32
      %add3A_279 = arith.addi %mul3A_122, %add3A_278 : i32
      %dma_wait3A_280 = arith.constant 6 : i32
      %dma_wait3A_281 = arith.constant 0 : i32
      %dma_wait3A_282 = arith.constant 0 : i32
      %dma_wait3A_283 = tpu.memref_slice %arg9[%dma_wait3A_280, %dma_wait3A_281, %dma_wait3A_282] : memref<8x125x64xf32, #tpu.memory_space<vmem>> -> memref<1x125x64xf32, #tpu.memory_space<vmem>>
      %dma_wait3A_284 = tpu.memref_squeeze %dma_wait3A_283 : memref<1x125x64xf32, #tpu.memory_space<vmem>> -> memref<125x64xf32, #tpu.memory_space<vmem>>
      %dma_wait3A_285 = arith.constant 0 : i32
      %dma_wait3A_286 = tpu.memref_slice %arg7[%add3A_279, %dma_wait3A_285] : memref<80x125xi32, #tpu.memory_space<vmem>> -> memref<1x125xi32, #tpu.memory_space<vmem>>
      %dma_wait3A_287 = tpu.memref_squeeze %dma_wait3A_286 : memref<1x125xi32, #tpu.memory_space<vmem>> -> memref<125xi32, #tpu.memory_space<vmem>>
      %dma_wait3A_288 = arith.constant 0 : i32
      %dma_wait3A_289 = arith.constant 0 : i32
      %dma_wait3A_290 = tpu.memref_slice %arg4[%dma_wait3A_288, %dma_wait3A_289] : memref<10000x64xf32, #tpu.memory_space<hbm>> -> memref<10000x64xf32, #tpu.memory_space<hbm>>
      tpu.wait_indirect_dma semaphore(%arg11 : memref<!tpu.dma_semaphore, #tpu.memory_space<semaphore_mem>>) src(%dma_wait3A_290 : memref<10000x64xf32, #tpu.memory_space<hbm>>) dst(%dma_wait3A_284 : memref<125x64xf32, #tpu.memory_space<vmem>>)
      %add3A_291 = arith.constant 6 : i32
      %add3A_292 = arith.addi %mul3A_122, %add3A_291 : i32
      %dma_start3A_293 = arith.constant 6 : i32
      %dma_start3A_294 = arith.constant 0 : i32
      %dma_start3A_295 = arith.constant 0 : i32
      %dma_start3A_296 = tpu.memref_slice %arg9[%dma_start3A_293, %dma_start3A_294, %dma_start3A_295] : memref<8x125x64xf32, #tpu.memory_space<vmem>> -> memref<1x125x64xf32, #tpu.memory_space<vmem>>
      %dma_start3A_297 = tpu.memref_squeeze %dma_start3A_296 : memref<1x125x64xf32, #tpu.memory_space<vmem>> -> memref<125x64xf32, #tpu.memory_space<vmem>>
      %dma_start3A_298 = arith.constant 0 : i32
      %dma_start3A_299 = tpu.memref_slice %arg8[%add3A_292, %dma_start3A_298] : memref<80x125xi32, #tpu.memory_space<vmem>> -> memref<1x125xi32, #tpu.memory_space<vmem>>
      %dma_start3A_300 = tpu.memref_squeeze %dma_start3A_299 : memref<1x125xi32, #tpu.memory_space<vmem>> -> memref<125xi32, #tpu.memory_space<vmem>>
      %dma_start3A_301 = arith.constant 0 : i32
      %dma_start3A_302 = arith.constant 0 : i32
      %dma_start3A_303 = tpu.memref_slice %arg10[%dma_start3A_301, %dma_start3A_302] : memref<10000x64xf32, #tpu.memory_space<vmem_shared>> -> memref<10000x64xf32, #tpu.memory_space<vmem_shared>>
      tpu.enqueue_indirect_dma source(%dma_start3A_297 : memref<125x64xf32, #tpu.memory_space<vmem>>) target(%dma_start3A_303 : memref<10000x64xf32, #tpu.memory_space<vmem_shared>>) offsets(%dma_start3A_300 : memref<125xi32, #tpu.memory_space<vmem>>) semaphore(%arg12 : memref<!tpu.dma_semaphore, #tpu.memory_space<semaphore_mem>>) {add = true}
      %add3A_304 = arith.constant 7 : i32
      %add3A_305 = arith.addi %mul3A_122, %add3A_304 : i32
      %dma_wait3A_306 = arith.constant 7 : i32
      %dma_wait3A_307 = arith.constant 0 : i32
      %dma_wait3A_308 = arith.constant 0 : i32
      %dma_wait3A_309 = tpu.memref_slice %arg9[%dma_wait3A_306, %dma_wait3A_307, %dma_wait3A_308] : memref<8x125x64xf32, #tpu.memory_space<vmem>> -> memref<1x125x64xf32, #tpu.memory_space<vmem>>
      %dma_wait3A_310 = tpu.memref_squeeze %dma_wait3A_309 : memref<1x125x64xf32, #tpu.memory_space<vmem>> -> memref<125x64xf32, #tpu.memory_space<vmem>>
      %dma_wait3A_311 = arith.constant 0 : i32
      %dma_wait3A_312 = tpu.memref_slice %arg7[%add3A_305, %dma_wait3A_311] : memref<80x125xi32, #tpu.memory_space<vmem>> -> memref<1x125xi32, #tpu.memory_space<vmem>>
      %dma_wait3A_313 = tpu.memref_squeeze %dma_wait3A_312 : memref<1x125xi32, #tpu.memory_space<vmem>> -> memref<125xi32, #tpu.memory_space<vmem>>
      %dma_wait3A_314 = arith.constant 0 : i32
      %dma_wait3A_315 = arith.constant 0 : i32
      %dma_wait3A_316 = tpu.memref_slice %arg4[%dma_wait3A_314, %dma_wait3A_315] : memref<10000x64xf32, #tpu.memory_space<hbm>> -> memref<10000x64xf32, #tpu.memory_space<hbm>>
      tpu.wait_indirect_dma semaphore(%arg11 : memref<!tpu.dma_semaphore, #tpu.memory_space<semaphore_mem>>) src(%dma_wait3A_316 : memref<10000x64xf32, #tpu.memory_space<hbm>>) dst(%dma_wait3A_310 : memref<125x64xf32, #tpu.memory_space<vmem>>)
      %add3A_317 = arith.constant 7 : i32
      %add3A_318 = arith.addi %mul3A_122, %add3A_317 : i32
      %dma_start3A_319 = arith.constant 7 : i32
      %dma_start3A_320 = arith.constant 0 : i32
      %dma_start3A_321 = arith.constant 0 : i32
      %dma_start3A_322 = tpu.memref_slice %arg9[%dma_start3A_319, %dma_start3A_320, %dma_start3A_321] : memref<8x125x64xf32, #tpu.memory_space<vmem>> -> memref<1x125x64xf32, #tpu.memory_space<vmem>>
      %dma_start3A_323 = tpu.memref_squeeze %dma_start3A_322 : memref<1x125x64xf32, #tpu.memory_space<vmem>> -> memref<125x64xf32, #tpu.memory_space<vmem>>
      %dma_start3A_324 = arith.constant 0 : i32
      %dma_start3A_325 = tpu.memref_slice %arg8[%add3A_318, %dma_start3A_324] : memref<80x125xi32, #tpu.memory_space<vmem>> -> memref<1x125xi32, #tpu.memory_space<vmem>>
      %dma_start3A_326 = tpu.memref_squeeze %dma_start3A_325 : memref<1x125xi32, #tpu.memory_space<vmem>> -> memref<125xi32, #tpu.memory_space<vmem>>
      %dma_start3A_327 = arith.constant 0 : i32
      %dma_start3A_328 = arith.constant 0 : i32
      %dma_start3A_329 = tpu.memref_slice %arg10[%dma_start3A_327, %dma_start3A_328] : memref<10000x64xf32, #tpu.memory_space<vmem_shared>> -> memref<10000x64xf32, #tpu.memory_space<vmem_shared>>
      tpu.enqueue_indirect_dma source(%dma_start3A_323 : memref<125x64xf32, #tpu.memory_space<vmem>>) target(%dma_start3A_329 : memref<10000x64xf32, #tpu.memory_space<vmem_shared>>) offsets(%dma_start3A_326 : memref<125xi32, #tpu.memory_space<vmem>>) semaphore(%arg12 : memref<!tpu.dma_semaphore, #tpu.memory_space<semaphore_mem>>) {add = true}
      %add3A_330 = arith.constant 0 : i32
      %add3A_331 = arith.addi %mul3A_122, %add3A_330 : i32
      %dma_wait3A_332 = arith.constant 0 : i32
      %dma_wait3A_333 = arith.constant 0 : i32
      %dma_wait3A_334 = arith.constant 0 : i32
      %dma_wait3A_335 = tpu.memref_slice %arg9[%dma_wait3A_332, %dma_wait3A_333, %dma_wait3A_334] : memref<8x125x64xf32, #tpu.memory_space<vmem>> -> memref<1x125x64xf32, #tpu.memory_space<vmem>>
      %dma_wait3A_336 = tpu.memref_squeeze %dma_wait3A_335 : memref<1x125x64xf32, #tpu.memory_space<vmem>> -> memref<125x64xf32, #tpu.memory_space<vmem>>
      %dma_wait3A_337 = arith.constant 0 : i32
      %dma_wait3A_338 = tpu.memref_slice %arg8[%add3A_331, %dma_wait3A_337] : memref<80x125xi32, #tpu.memory_space<vmem>> -> memref<1x125xi32, #tpu.memory_space<vmem>>
      %dma_wait3A_339 = tpu.memref_squeeze %dma_wait3A_338 : memref<1x125xi32, #tpu.memory_space<vmem>> -> memref<125xi32, #tpu.memory_space<vmem>>
      %dma_wait3A_340 = arith.constant 0 : i32
      %dma_wait3A_341 = arith.constant 0 : i32
      %dma_wait3A_342 = tpu.memref_slice %arg10[%dma_wait3A_340, %dma_wait3A_341] : memref<10000x64xf32, #tpu.memory_space<vmem_shared>> -> memref<10000x64xf32, #tpu.memory_space<vmem_shared>>
      tpu.wait_indirect_dma semaphore(%arg12 : memref<!tpu.dma_semaphore, #tpu.memory_space<semaphore_mem>>) src(%dma_wait3A_336 : memref<125x64xf32, #tpu.memory_space<vmem>>) dst(%dma_wait3A_342 : memref<10000x64xf32, #tpu.memory_space<vmem_shared>>)
      %add3A_343 = arith.constant 1 : i32
      %add3A_344 = arith.addi %scan3A_120, %add3A_343 : i32
      %lt3A_345 = arith.constant 10 : i32
      %lt3A_346 = arith.cmpi slt, %add3A_344, %lt3A_345 : i32
      %convert_element_type3A_347 = arith.extui %lt3A_346 : i1 to i32
      %cond3A_348 = arith.constant 0 : i32
      %cond3A_349 = arith.cmpi ne, %convert_element_type3A_347, %cond3A_348 : i32
      scf.if %cond3A_349 {
        %add3A_490 = arith.constant 8 : i32
        %add3A_491 = arith.addi %mul3A_122, %add3A_490 : i32
        %add3A_492 = arith.constant 0 : i32
        %add3A_493 = arith.addi %add3A_491, %add3A_492 : i32
        %dma_start3A_494 = arith.constant 0 : i32
        %dma_start3A_495 = arith.constant 0 : i32
        %dma_start3A_496 = arith.constant 0 : i32
        %dma_start3A_497 = tpu.memref_slice %arg9[%dma_start3A_494, %dma_start3A_495, %dma_start3A_496] : memref<8x125x64xf32, #tpu.memory_space<vmem>> -> memref<1x125x64xf32, #tpu.memory_space<vmem>>
        %dma_start3A_498 = tpu.memref_squeeze %dma_start3A_497 : memref<1x125x64xf32, #tpu.memory_space<vmem>> -> memref<125x64xf32, #tpu.memory_space<vmem>>
        %dma_start3A_499 = arith.constant 0 : i32
        %dma_start3A_500 = tpu.memref_slice %arg7[%add3A_493, %dma_start3A_499] : memref<80x125xi32, #tpu.memory_space<vmem>> -> memref<1x125xi32, #tpu.memory_space<vmem>>
        %dma_start3A_501 = tpu.memref_squeeze %dma_start3A_500 : memref<1x125xi32, #tpu.memory_space<vmem>> -> memref<125xi32, #tpu.memory_space<vmem>>
        %dma_start3A_502 = arith.constant 0 : i32
        %dma_start3A_503 = arith.constant 0 : i32
        %dma_start3A_504 = tpu.memref_slice %arg4[%dma_start3A_502, %dma_start3A_503] : memref<10000x64xf32, #tpu.memory_space<hbm>> -> memref<10000x64xf32, #tpu.memory_space<hbm>>
        tpu.enqueue_indirect_dma source(%dma_start3A_504 : memref<10000x64xf32, #tpu.memory_space<hbm>>) target(%dma_start3A_498 : memref<125x64xf32, #tpu.memory_space<vmem>>) offsets(%dma_start3A_501 : memref<125xi32, #tpu.memory_space<vmem>>) semaphore(%arg11 : memref<!tpu.dma_semaphore, #tpu.memory_space<semaphore_mem>>)
      } else {
      }
      %add3A_350 = arith.constant 1 : i32
      %add3A_351 = arith.addi %mul3A_122, %add3A_350 : i32
      %dma_wait3A_352 = arith.constant 1 : i32
      %dma_wait3A_353 = arith.constant 0 : i32
      %dma_wait3A_354 = arith.constant 0 : i32
      %dma_wait3A_355 = tpu.memref_slice %arg9[%dma_wait3A_352, %dma_wait3A_353, %dma_wait3A_354] : memref<8x125x64xf32, #tpu.memory_space<vmem>> -> memref<1x125x64xf32, #tpu.memory_space<vmem>>
      %dma_wait3A_356 = tpu.memref_squeeze %dma_wait3A_355 : memref<1x125x64xf32, #tpu.memory_space<vmem>> -> memref<125x64xf32, #tpu.memory_space<vmem>>
      %dma_wait3A_357 = arith.constant 0 : i32
      %dma_wait3A_358 = tpu.memref_slice %arg8[%add3A_351, %dma_wait3A_357] : memref<80x125xi32, #tpu.memory_space<vmem>> -> memref<1x125xi32, #tpu.memory_space<vmem>>
      %dma_wait3A_359 = tpu.memref_squeeze %dma_wait3A_358 : memref<1x125xi32, #tpu.memory_space<vmem>> -> memref<125xi32, #tpu.memory_space<vmem>>
      %dma_wait3A_360 = arith.constant 0 : i32
      %dma_wait3A_361 = arith.constant 0 : i32
      %dma_wait3A_362 = tpu.memref_slice %arg10[%dma_wait3A_360, %dma_wait3A_361] : memref<10000x64xf32, #tpu.memory_space<vmem_shared>> -> memref<10000x64xf32, #tpu.memory_space<vmem_shared>>
      tpu.wait_indirect_dma semaphore(%arg12 : memref<!tpu.dma_semaphore, #tpu.memory_space<semaphore_mem>>) src(%dma_wait3A_356 : memref<125x64xf32, #tpu.memory_space<vmem>>) dst(%dma_wait3A_362 : memref<10000x64xf32, #tpu.memory_space<vmem_shared>>)
      %add3A_363 = arith.constant 1 : i32
      %add3A_364 = arith.addi %scan3A_120, %add3A_363 : i32
      %lt3A_365 = arith.constant 10 : i32
      %lt3A_366 = arith.cmpi slt, %add3A_364, %lt3A_365 : i32
      %convert_element_type3A_367 = arith.extui %lt3A_366 : i1 to i32
      %cond3A_368 = arith.constant 0 : i32
      %cond3A_369 = arith.cmpi ne, %convert_element_type3A_367, %cond3A_368 : i32
      scf.if %cond3A_369 {
        %add3A_490 = arith.constant 8 : i32
        %add3A_491 = arith.addi %mul3A_122, %add3A_490 : i32
        %add3A_492 = arith.constant 1 : i32
        %add3A_493 = arith.addi %add3A_491, %add3A_492 : i32
        %dma_start3A_494 = arith.constant 1 : i32
        %dma_start3A_495 = arith.constant 0 : i32
        %dma_start3A_496 = arith.constant 0 : i32
        %dma_start3A_497 = tpu.memref_slice %arg9[%dma_start3A_494, %dma_start3A_495, %dma_start3A_496] : memref<8x125x64xf32, #tpu.memory_space<vmem>> -> memref<1x125x64xf32, #tpu.memory_space<vmem>>
        %dma_start3A_498 = tpu.memref_squeeze %dma_start3A_497 : memref<1x125x64xf32, #tpu.memory_space<vmem>> -> memref<125x64xf32, #tpu.memory_space<vmem>>
        %dma_start3A_499 = arith.constant 0 : i32
        %dma_start3A_500 = tpu.memref_slice %arg7[%add3A_493, %dma_start3A_499] : memref<80x125xi32, #tpu.memory_space<vmem>> -> memref<1x125xi32, #tpu.memory_space<vmem>>
        %dma_start3A_501 = tpu.memref_squeeze %dma_start3A_500 : memref<1x125xi32, #tpu.memory_space<vmem>> -> memref<125xi32, #tpu.memory_space<vmem>>
        %dma_start3A_502 = arith.constant 0 : i32
        %dma_start3A_503 = arith.constant 0 : i32
        %dma_start3A_504 = tpu.memref_slice %arg4[%dma_start3A_502, %dma_start3A_503] : memref<10000x64xf32, #tpu.memory_space<hbm>> -> memref<10000x64xf32, #tpu.memory_space<hbm>>
        tpu.enqueue_indirect_dma source(%dma_start3A_504 : memref<10000x64xf32, #tpu.memory_space<hbm>>) target(%dma_start3A_498 : memref<125x64xf32, #tpu.memory_space<vmem>>) offsets(%dma_start3A_501 : memref<125xi32, #tpu.memory_space<vmem>>) semaphore(%arg11 : memref<!tpu.dma_semaphore, #tpu.memory_space<semaphore_mem>>)
      } else {
      }
      %add3A_370 = arith.constant 2 : i32
      %add3A_371 = arith.addi %mul3A_122, %add3A_370 : i32
      %dma_wait3A_372 = arith.constant 2 : i32
      %dma_wait3A_373 = arith.constant 0 : i32
      %dma_wait3A_374 = arith.constant 0 : i32
      %dma_wait3A_375 = tpu.memref_slice %arg9[%dma_wait3A_372, %dma_wait3A_373, %dma_wait3A_374] : memref<8x125x64xf32, #tpu.memory_space<vmem>> -> memref<1x125x64xf32, #tpu.memory_space<vmem>>
      %dma_wait3A_376 = tpu.memref_squeeze %dma_wait3A_375 : memref<1x125x64xf32, #tpu.memory_space<vmem>> -> memref<125x64xf32, #tpu.memory_space<vmem>>
      %dma_wait3A_377 = arith.constant 0 : i32
      %dma_wait3A_378 = tpu.memref_slice %arg8[%add3A_371, %dma_wait3A_377] : memref<80x125xi32, #tpu.memory_space<vmem>> -> memref<1x125xi32, #tpu.memory_space<vmem>>
      %dma_wait3A_379 = tpu.memref_squeeze %dma_wait3A_378 : memref<1x125xi32, #tpu.memory_space<vmem>> -> memref<125xi32, #tpu.memory_space<vmem>>
      %dma_wait3A_380 = arith.constant 0 : i32
      %dma_wait3A_381 = arith.constant 0 : i32
      %dma_wait3A_382 = tpu.memref_slice %arg10[%dma_wait3A_380, %dma_wait3A_381] : memref<10000x64xf32, #tpu.memory_space<vmem_shared>> -> memref<10000x64xf32, #tpu.memory_space<vmem_shared>>
      tpu.wait_indirect_dma semaphore(%arg12 : memref<!tpu.dma_semaphore, #tpu.memory_space<semaphore_mem>>) src(%dma_wait3A_376 : memref<125x64xf32, #tpu.memory_space<vmem>>) dst(%dma_wait3A_382 : memref<10000x64xf32, #tpu.memory_space<vmem_shared>>)
      %add3A_383 = arith.constant 1 : i32
      %add3A_384 = arith.addi %scan3A_120, %add3A_383 : i32
      %lt3A_385 = arith.constant 10 : i32
      %lt3A_386 = arith.cmpi slt, %add3A_384, %lt3A_385 : i32
      %convert_element_type3A_387 = arith.extui %lt3A_386 : i1 to i32
      %cond3A_388 = arith.constant 0 : i32
      %cond3A_389 = arith.cmpi ne, %convert_element_type3A_387, %cond3A_388 : i32
      scf.if %cond3A_389 {
        %add3A_490 = arith.constant 8 : i32
        %add3A_491 = arith.addi %mul3A_122, %add3A_490 : i32
        %add3A_492 = arith.constant 2 : i32
        %add3A_493 = arith.addi %add3A_491, %add3A_492 : i32
        %dma_start3A_494 = arith.constant 2 : i32
        %dma_start3A_495 = arith.constant 0 : i32
        %dma_start3A_496 = arith.constant 0 : i32
        %dma_start3A_497 = tpu.memref_slice %arg9[%dma_start3A_494, %dma_start3A_495, %dma_start3A_496] : memref<8x125x64xf32, #tpu.memory_space<vmem>> -> memref<1x125x64xf32, #tpu.memory_space<vmem>>
        %dma_start3A_498 = tpu.memref_squeeze %dma_start3A_497 : memref<1x125x64xf32, #tpu.memory_space<vmem>> -> memref<125x64xf32, #tpu.memory_space<vmem>>
        %dma_start3A_499 = arith.constant 0 : i32
        %dma_start3A_500 = tpu.memref_slice %arg7[%add3A_493, %dma_start3A_499] : memref<80x125xi32, #tpu.memory_space<vmem>> -> memref<1x125xi32, #tpu.memory_space<vmem>>
        %dma_start3A_501 = tpu.memref_squeeze %dma_start3A_500 : memref<1x125xi32, #tpu.memory_space<vmem>> -> memref<125xi32, #tpu.memory_space<vmem>>
        %dma_start3A_502 = arith.constant 0 : i32
        %dma_start3A_503 = arith.constant 0 : i32
        %dma_start3A_504 = tpu.memref_slice %arg4[%dma_start3A_502, %dma_start3A_503] : memref<10000x64xf32, #tpu.memory_space<hbm>> -> memref<10000x64xf32, #tpu.memory_space<hbm>>
        tpu.enqueue_indirect_dma source(%dma_start3A_504 : memref<10000x64xf32, #tpu.memory_space<hbm>>) target(%dma_start3A_498 : memref<125x64xf32, #tpu.memory_space<vmem>>) offsets(%dma_start3A_501 : memref<125xi32, #tpu.memory_space<vmem>>) semaphore(%arg11 : memref<!tpu.dma_semaphore, #tpu.memory_space<semaphore_mem>>)
      } else {
      }
      %add3A_390 = arith.constant 3 : i32
      %add3A_391 = arith.addi %mul3A_122, %add3A_390 : i32
      %dma_wait3A_392 = arith.constant 3 : i32
      %dma_wait3A_393 = arith.constant 0 : i32
      %dma_wait3A_394 = arith.constant 0 : i32
      %dma_wait3A_395 = tpu.memref_slice %arg9[%dma_wait3A_392, %dma_wait3A_393, %dma_wait3A_394] : memref<8x125x64xf32, #tpu.memory_space<vmem>> -> memref<1x125x64xf32, #tpu.memory_space<vmem>>
      %dma_wait3A_396 = tpu.memref_squeeze %dma_wait3A_395 : memref<1x125x64xf32, #tpu.memory_space<vmem>> -> memref<125x64xf32, #tpu.memory_space<vmem>>
      %dma_wait3A_397 = arith.constant 0 : i32
      %dma_wait3A_398 = tpu.memref_slice %arg8[%add3A_391, %dma_wait3A_397] : memref<80x125xi32, #tpu.memory_space<vmem>> -> memref<1x125xi32, #tpu.memory_space<vmem>>
      %dma_wait3A_399 = tpu.memref_squeeze %dma_wait3A_398 : memref<1x125xi32, #tpu.memory_space<vmem>> -> memref<125xi32, #tpu.memory_space<vmem>>
      %dma_wait3A_400 = arith.constant 0 : i32
      %dma_wait3A_401 = arith.constant 0 : i32
      %dma_wait3A_402 = tpu.memref_slice %arg10[%dma_wait3A_400, %dma_wait3A_401] : memref<10000x64xf32, #tpu.memory_space<vmem_shared>> -> memref<10000x64xf32, #tpu.memory_space<vmem_shared>>
      tpu.wait_indirect_dma semaphore(%arg12 : memref<!tpu.dma_semaphore, #tpu.memory_space<semaphore_mem>>) src(%dma_wait3A_396 : memref<125x64xf32, #tpu.memory_space<vmem>>) dst(%dma_wait3A_402 : memref<10000x64xf32, #tpu.memory_space<vmem_shared>>)
      %add3A_403 = arith.constant 1 : i32
      %add3A_404 = arith.addi %scan3A_120, %add3A_403 : i32
      %lt3A_405 = arith.constant 10 : i32
      %lt3A_406 = arith.cmpi slt, %add3A_404, %lt3A_405 : i32
      %convert_element_type3A_407 = arith.extui %lt3A_406 : i1 to i32
      %cond3A_408 = arith.constant 0 : i32
      %cond3A_409 = arith.cmpi ne, %convert_element_type3A_407, %cond3A_408 : i32
      scf.if %cond3A_409 {
        %add3A_490 = arith.constant 8 : i32
        %add3A_491 = arith.addi %mul3A_122, %add3A_490 : i32
        %add3A_492 = arith.constant 3 : i32
        %add3A_493 = arith.addi %add3A_491, %add3A_492 : i32
        %dma_start3A_494 = arith.constant 3 : i32
        %dma_start3A_495 = arith.constant 0 : i32
        %dma_start3A_496 = arith.constant 0 : i32
        %dma_start3A_497 = tpu.memref_slice %arg9[%dma_start3A_494, %dma_start3A_495, %dma_start3A_496] : memref<8x125x64xf32, #tpu.memory_space<vmem>> -> memref<1x125x64xf32, #tpu.memory_space<vmem>>
        %dma_start3A_498 = tpu.memref_squeeze %dma_start3A_497 : memref<1x125x64xf32, #tpu.memory_space<vmem>> -> memref<125x64xf32, #tpu.memory_space<vmem>>
        %dma_start3A_499 = arith.constant 0 : i32
        %dma_start3A_500 = tpu.memref_slice %arg7[%add3A_493, %dma_start3A_499] : memref<80x125xi32, #tpu.memory_space<vmem>> -> memref<1x125xi32, #tpu.memory_space<vmem>>
        %dma_start3A_501 = tpu.memref_squeeze %dma_start3A_500 : memref<1x125xi32, #tpu.memory_space<vmem>> -> memref<125xi32, #tpu.memory_space<vmem>>
        %dma_start3A_502 = arith.constant 0 : i32
        %dma_start3A_503 = arith.constant 0 : i32
        %dma_start3A_504 = tpu.memref_slice %arg4[%dma_start3A_502, %dma_start3A_503] : memref<10000x64xf32, #tpu.memory_space<hbm>> -> memref<10000x64xf32, #tpu.memory_space<hbm>>
        tpu.enqueue_indirect_dma source(%dma_start3A_504 : memref<10000x64xf32, #tpu.memory_space<hbm>>) target(%dma_start3A_498 : memref<125x64xf32, #tpu.memory_space<vmem>>) offsets(%dma_start3A_501 : memref<125xi32, #tpu.memory_space<vmem>>) semaphore(%arg11 : memref<!tpu.dma_semaphore, #tpu.memory_space<semaphore_mem>>)
      } else {
      }
      %add3A_410 = arith.constant 4 : i32
      %add3A_411 = arith.addi %mul3A_122, %add3A_410 : i32
      %dma_wait3A_412 = arith.constant 4 : i32
      %dma_wait3A_413 = arith.constant 0 : i32
      %dma_wait3A_414 = arith.constant 0 : i32
      %dma_wait3A_415 = tpu.memref_slice %arg9[%dma_wait3A_412, %dma_wait3A_413, %dma_wait3A_414] : memref<8x125x64xf32, #tpu.memory_space<vmem>> -> memref<1x125x64xf32, #tpu.memory_space<vmem>>
      %dma_wait3A_416 = tpu.memref_squeeze %dma_wait3A_415 : memref<1x125x64xf32, #tpu.memory_space<vmem>> -> memref<125x64xf32, #tpu.memory_space<vmem>>
      %dma_wait3A_417 = arith.constant 0 : i32
      %dma_wait3A_418 = tpu.memref_slice %arg8[%add3A_411, %dma_wait3A_417] : memref<80x125xi32, #tpu.memory_space<vmem>> -> memref<1x125xi32, #tpu.memory_space<vmem>>
      %dma_wait3A_419 = tpu.memref_squeeze %dma_wait3A_418 : memref<1x125xi32, #tpu.memory_space<vmem>> -> memref<125xi32, #tpu.memory_space<vmem>>
      %dma_wait3A_420 = arith.constant 0 : i32
      %dma_wait3A_421 = arith.constant 0 : i32
      %dma_wait3A_422 = tpu.memref_slice %arg10[%dma_wait3A_420, %dma_wait3A_421] : memref<10000x64xf32, #tpu.memory_space<vmem_shared>> -> memref<10000x64xf32, #tpu.memory_space<vmem_shared>>
      tpu.wait_indirect_dma semaphore(%arg12 : memref<!tpu.dma_semaphore, #tpu.memory_space<semaphore_mem>>) src(%dma_wait3A_416 : memref<125x64xf32, #tpu.memory_space<vmem>>) dst(%dma_wait3A_422 : memref<10000x64xf32, #tpu.memory_space<vmem_shared>>)
      %add3A_423 = arith.constant 1 : i32
      %add3A_424 = arith.addi %scan3A_120, %add3A_423 : i32
      %lt3A_425 = arith.constant 10 : i32
      %lt3A_426 = arith.cmpi slt, %add3A_424, %lt3A_425 : i32
      %convert_element_type3A_427 = arith.extui %lt3A_426 : i1 to i32
      %cond3A_428 = arith.constant 0 : i32
      %cond3A_429 = arith.cmpi ne, %convert_element_type3A_427, %cond3A_428 : i32
      scf.if %cond3A_429 {
        %add3A_490 = arith.constant 8 : i32
        %add3A_491 = arith.addi %mul3A_122, %add3A_490 : i32
        %add3A_492 = arith.constant 4 : i32
        %add3A_493 = arith.addi %add3A_491, %add3A_492 : i32
        %dma_start3A_494 = arith.constant 4 : i32
        %dma_start3A_495 = arith.constant 0 : i32
        %dma_start3A_496 = arith.constant 0 : i32
        %dma_start3A_497 = tpu.memref_slice %arg9[%dma_start3A_494, %dma_start3A_495, %dma_start3A_496] : memref<8x125x64xf32, #tpu.memory_space<vmem>> -> memref<1x125x64xf32, #tpu.memory_space<vmem>>
        %dma_start3A_498 = tpu.memref_squeeze %dma_start3A_497 : memref<1x125x64xf32, #tpu.memory_space<vmem>> -> memref<125x64xf32, #tpu.memory_space<vmem>>
        %dma_start3A_499 = arith.constant 0 : i32
        %dma_start3A_500 = tpu.memref_slice %arg7[%add3A_493, %dma_start3A_499] : memref<80x125xi32, #tpu.memory_space<vmem>> -> memref<1x125xi32, #tpu.memory_space<vmem>>
        %dma_start3A_501 = tpu.memref_squeeze %dma_start3A_500 : memref<1x125xi32, #tpu.memory_space<vmem>> -> memref<125xi32, #tpu.memory_space<vmem>>
        %dma_start3A_502 = arith.constant 0 : i32
        %dma_start3A_503 = arith.constant 0 : i32
        %dma_start3A_504 = tpu.memref_slice %arg4[%dma_start3A_502, %dma_start3A_503] : memref<10000x64xf32, #tpu.memory_space<hbm>> -> memref<10000x64xf32, #tpu.memory_space<hbm>>
        tpu.enqueue_indirect_dma source(%dma_start3A_504 : memref<10000x64xf32, #tpu.memory_space<hbm>>) target(%dma_start3A_498 : memref<125x64xf32, #tpu.memory_space<vmem>>) offsets(%dma_start3A_501 : memref<125xi32, #tpu.memory_space<vmem>>) semaphore(%arg11 : memref<!tpu.dma_semaphore, #tpu.memory_space<semaphore_mem>>)
      } else {
      }
      %add3A_430 = arith.constant 5 : i32
      %add3A_431 = arith.addi %mul3A_122, %add3A_430 : i32
      %dma_wait3A_432 = arith.constant 5 : i32
      %dma_wait3A_433 = arith.constant 0 : i32
      %dma_wait3A_434 = arith.constant 0 : i32
      %dma_wait3A_435 = tpu.memref_slice %arg9[%dma_wait3A_432, %dma_wait3A_433, %dma_wait3A_434] : memref<8x125x64xf32, #tpu.memory_space<vmem>> -> memref<1x125x64xf32, #tpu.memory_space<vmem>>
      %dma_wait3A_436 = tpu.memref_squeeze %dma_wait3A_435 : memref<1x125x64xf32, #tpu.memory_space<vmem>> -> memref<125x64xf32, #tpu.memory_space<vmem>>
      %dma_wait3A_437 = arith.constant 0 : i32
      %dma_wait3A_438 = tpu.memref_slice %arg8[%add3A_431, %dma_wait3A_437] : memref<80x125xi32, #tpu.memory_space<vmem>> -> memref<1x125xi32, #tpu.memory_space<vmem>>
      %dma_wait3A_439 = tpu.memref_squeeze %dma_wait3A_438 : memref<1x125xi32, #tpu.memory_space<vmem>> -> memref<125xi32, #tpu.memory_space<vmem>>
      %dma_wait3A_440 = arith.constant 0 : i32
      %dma_wait3A_441 = arith.constant 0 : i32
      %dma_wait3A_442 = tpu.memref_slice %arg10[%dma_wait3A_440, %dma_wait3A_441] : memref<10000x64xf32, #tpu.memory_space<vmem_shared>> -> memref<10000x64xf32, #tpu.memory_space<vmem_shared>>
      tpu.wait_indirect_dma semaphore(%arg12 : memref<!tpu.dma_semaphore, #tpu.memory_space<semaphore_mem>>) src(%dma_wait3A_436 : memref<125x64xf32, #tpu.memory_space<vmem>>) dst(%dma_wait3A_442 : memref<10000x64xf32, #tpu.memory_space<vmem_shared>>)
      %add3A_443 = arith.constant 1 : i32
      %add3A_444 = arith.addi %scan3A_120, %add3A_443 : i32
      %lt3A_445 = arith.constant 10 : i32
      %lt3A_446 = arith.cmpi slt, %add3A_444, %lt3A_445 : i32
      %convert_element_type3A_447 = arith.extui %lt3A_446 : i1 to i32
      %cond3A_448 = arith.constant 0 : i32
      %cond3A_449 = arith.cmpi ne, %convert_element_type3A_447, %cond3A_448 : i32
      scf.if %cond3A_449 {
        %add3A_490 = arith.constant 8 : i32
        %add3A_491 = arith.addi %mul3A_122, %add3A_490 : i32
        %add3A_492 = arith.constant 5 : i32
        %add3A_493 = arith.addi %add3A_491, %add3A_492 : i32
        %dma_start3A_494 = arith.constant 5 : i32
        %dma_start3A_495 = arith.constant 0 : i32
        %dma_start3A_496 = arith.constant 0 : i32
        %dma_start3A_497 = tpu.memref_slice %arg9[%dma_start3A_494, %dma_start3A_495, %dma_start3A_496] : memref<8x125x64xf32, #tpu.memory_space<vmem>> -> memref<1x125x64xf32, #tpu.memory_space<vmem>>
        %dma_start3A_498 = tpu.memref_squeeze %dma_start3A_497 : memref<1x125x64xf32, #tpu.memory_space<vmem>> -> memref<125x64xf32, #tpu.memory_space<vmem>>
        %dma_start3A_499 = arith.constant 0 : i32
        %dma_start3A_500 = tpu.memref_slice %arg7[%add3A_493, %dma_start3A_499] : memref<80x125xi32, #tpu.memory_space<vmem>> -> memref<1x125xi32, #tpu.memory_space<vmem>>
        %dma_start3A_501 = tpu.memref_squeeze %dma_start3A_500 : memref<1x125xi32, #tpu.memory_space<vmem>> -> memref<125xi32, #tpu.memory_space<vmem>>
        %dma_start3A_502 = arith.constant 0 : i32
        %dma_start3A_503 = arith.constant 0 : i32
        %dma_start3A_504 = tpu.memref_slice %arg4[%dma_start3A_502, %dma_start3A_503] : memref<10000x64xf32, #tpu.memory_space<hbm>> -> memref<10000x64xf32, #tpu.memory_space<hbm>>
        tpu.enqueue_indirect_dma source(%dma_start3A_504 : memref<10000x64xf32, #tpu.memory_space<hbm>>) target(%dma_start3A_498 : memref<125x64xf32, #tpu.memory_space<vmem>>) offsets(%dma_start3A_501 : memref<125xi32, #tpu.memory_space<vmem>>) semaphore(%arg11 : memref<!tpu.dma_semaphore, #tpu.memory_space<semaphore_mem>>)
      } else {
      }
      %add3A_450 = arith.constant 6 : i32
      %add3A_451 = arith.addi %mul3A_122, %add3A_450 : i32
      %dma_wait3A_452 = arith.constant 6 : i32
      %dma_wait3A_453 = arith.constant 0 : i32
      %dma_wait3A_454 = arith.constant 0 : i32
      %dma_wait3A_455 = tpu.memref_slice %arg9[%dma_wait3A_452, %dma_wait3A_453, %dma_wait3A_454] : memref<8x125x64xf32, #tpu.memory_space<vmem>> -> memref<1x125x64xf32, #tpu.memory_space<vmem>>
      %dma_wait3A_456 = tpu.memref_squeeze %dma_wait3A_455 : memref<1x125x64xf32, #tpu.memory_space<vmem>> -> memref<125x64xf32, #tpu.memory_space<vmem>>
      %dma_wait3A_457 = arith.constant 0 : i32
      %dma_wait3A_458 = tpu.memref_slice %arg8[%add3A_451, %dma_wait3A_457] : memref<80x125xi32, #tpu.memory_space<vmem>> -> memref<1x125xi32, #tpu.memory_space<vmem>>
      %dma_wait3A_459 = tpu.memref_squeeze %dma_wait3A_458 : memref<1x125xi32, #tpu.memory_space<vmem>> -> memref<125xi32, #tpu.memory_space<vmem>>
      %dma_wait3A_460 = arith.constant 0 : i32
      %dma_wait3A_461 = arith.constant 0 : i32
      %dma_wait3A_462 = tpu.memref_slice %arg10[%dma_wait3A_460, %dma_wait3A_461] : memref<10000x64xf32, #tpu.memory_space<vmem_shared>> -> memref<10000x64xf32, #tpu.memory_space<vmem_shared>>
      tpu.wait_indirect_dma semaphore(%arg12 : memref<!tpu.dma_semaphore, #tpu.memory_space<semaphore_mem>>) src(%dma_wait3A_456 : memref<125x64xf32, #tpu.memory_space<vmem>>) dst(%dma_wait3A_462 : memref<10000x64xf32, #tpu.memory_space<vmem_shared>>)
      %add3A_463 = arith.constant 1 : i32
      %add3A_464 = arith.addi %scan3A_120, %add3A_463 : i32
      %lt3A_465 = arith.constant 10 : i32
      %lt3A_466 = arith.cmpi slt, %add3A_464, %lt3A_465 : i32
      %convert_element_type3A_467 = arith.extui %lt3A_466 : i1 to i32
      %cond3A_468 = arith.constant 0 : i32
      %cond3A_469 = arith.cmpi ne, %convert_element_type3A_467, %cond3A_468 : i32
      scf.if %cond3A_469 {
        %add3A_490 = arith.constant 8 : i32
        %add3A_491 = arith.addi %mul3A_122, %add3A_490 : i32
        %add3A_492 = arith.constant 6 : i32
        %add3A_493 = arith.addi %add3A_491, %add3A_492 : i32
        %dma_start3A_494 = arith.constant 6 : i32
        %dma_start3A_495 = arith.constant 0 : i32
        %dma_start3A_496 = arith.constant 0 : i32
        %dma_start3A_497 = tpu.memref_slice %arg9[%dma_start3A_494, %dma_start3A_495, %dma_start3A_496] : memref<8x125x64xf32, #tpu.memory_space<vmem>> -> memref<1x125x64xf32, #tpu.memory_space<vmem>>
        %dma_start3A_498 = tpu.memref_squeeze %dma_start3A_497 : memref<1x125x64xf32, #tpu.memory_space<vmem>> -> memref<125x64xf32, #tpu.memory_space<vmem>>
        %dma_start3A_499 = arith.constant 0 : i32
        %dma_start3A_500 = tpu.memref_slice %arg7[%add3A_493, %dma_start3A_499] : memref<80x125xi32, #tpu.memory_space<vmem>> -> memref<1x125xi32, #tpu.memory_space<vmem>>
        %dma_start3A_501 = tpu.memref_squeeze %dma_start3A_500 : memref<1x125xi32, #tpu.memory_space<vmem>> -> memref<125xi32, #tpu.memory_space<vmem>>
        %dma_start3A_502 = arith.constant 0 : i32
        %dma_start3A_503 = arith.constant 0 : i32
        %dma_start3A_504 = tpu.memref_slice %arg4[%dma_start3A_502, %dma_start3A_503] : memref<10000x64xf32, #tpu.memory_space<hbm>> -> memref<10000x64xf32, #tpu.memory_space<hbm>>
        tpu.enqueue_indirect_dma source(%dma_start3A_504 : memref<10000x64xf32, #tpu.memory_space<hbm>>) target(%dma_start3A_498 : memref<125x64xf32, #tpu.memory_space<vmem>>) offsets(%dma_start3A_501 : memref<125xi32, #tpu.memory_space<vmem>>) semaphore(%arg11 : memref<!tpu.dma_semaphore, #tpu.memory_space<semaphore_mem>>)
      } else {
      }
      %add3A_470 = arith.constant 7 : i32
      %add3A_471 = arith.addi %mul3A_122, %add3A_470 : i32
      %dma_wait3A_472 = arith.constant 7 : i32
      %dma_wait3A_473 = arith.constant 0 : i32
      %dma_wait3A_474 = arith.constant 0 : i32
      %dma_wait3A_475 = tpu.memref_slice %arg9[%dma_wait3A_472, %dma_wait3A_473, %dma_wait3A_474] : memref<8x125x64xf32, #tpu.memory_space<vmem>> -> memref<1x125x64xf32, #tpu.memory_space<vmem>>
      %dma_wait3A_476 = tpu.memref_squeeze %dma_wait3A_475 : memref<1x125x64xf32, #tpu.memory_space<vmem>> -> memref<125x64xf32, #tpu.memory_space<vmem>>
      %dma_wait3A_477 = arith.constant 0 : i32
      %dma_wait3A_478 = tpu.memref_slice %arg8[%add3A_471, %dma_wait3A_477] : memref<80x125xi32, #tpu.memory_space<vmem>> -> memref<1x125xi32, #tpu.memory_space<vmem>>
      %dma_wait3A_479 = tpu.memref_squeeze %dma_wait3A_478 : memref<1x125xi32, #tpu.memory_space<vmem>> -> memref<125xi32, #tpu.memory_space<vmem>>
      %dma_wait3A_480 = arith.constant 0 : i32
      %dma_wait3A_481 = arith.constant 0 : i32
      %dma_wait3A_482 = tpu.memref_slice %arg10[%dma_wait3A_480, %dma_wait3A_481] : memref<10000x64xf32, #tpu.memory_space<vmem_shared>> -> memref<10000x64xf32, #tpu.memory_space<vmem_shared>>
      tpu.wait_indirect_dma semaphore(%arg12 : memref<!tpu.dma_semaphore, #tpu.memory_space<semaphore_mem>>) src(%dma_wait3A_476 : memref<125x64xf32, #tpu.memory_space<vmem>>) dst(%dma_wait3A_482 : memref<10000x64xf32, #tpu.memory_space<vmem_shared>>)
      %add3A_483 = arith.constant 1 : i32
      %add3A_484 = arith.addi %scan3A_120, %add3A_483 : i32
      %lt3A_485 = arith.constant 10 : i32
      %lt3A_486 = arith.cmpi slt, %add3A_484, %lt3A_485 : i32
      %convert_element_type3A_487 = arith.extui %lt3A_486 : i1 to i32
      %cond3A_488 = arith.constant 0 : i32
      %cond3A_489 = arith.cmpi ne, %convert_element_type3A_487, %cond3A_488 : i32
      scf.if %cond3A_489 {
        %add3A_490 = arith.constant 8 : i32
        %add3A_491 = arith.addi %mul3A_122, %add3A_490 : i32
        %add3A_492 = arith.constant 7 : i32
        %add3A_493 = arith.addi %add3A_491, %add3A_492 : i32
        %dma_start3A_494 = arith.constant 7 : i32
        %dma_start3A_495 = arith.constant 0 : i32
        %dma_start3A_496 = arith.constant 0 : i32
        %dma_start3A_497 = tpu.memref_slice %arg9[%dma_start3A_494, %dma_start3A_495, %dma_start3A_496] : memref<8x125x64xf32, #tpu.memory_space<vmem>> -> memref<1x125x64xf32, #tpu.memory_space<vmem>>
        %dma_start3A_498 = tpu.memref_squeeze %dma_start3A_497 : memref<1x125x64xf32, #tpu.memory_space<vmem>> -> memref<125x64xf32, #tpu.memory_space<vmem>>
        %dma_start3A_499 = arith.constant 0 : i32
        %dma_start3A_500 = tpu.memref_slice %arg7[%add3A_493, %dma_start3A_499] : memref<80x125xi32, #tpu.memory_space<vmem>> -> memref<1x125xi32, #tpu.memory_space<vmem>>
        %dma_start3A_501 = tpu.memref_squeeze %dma_start3A_500 : memref<1x125xi32, #tpu.memory_space<vmem>> -> memref<125xi32, #tpu.memory_space<vmem>>
        %dma_start3A_502 = arith.constant 0 : i32
        %dma_start3A_503 = arith.constant 0 : i32
        %dma_start3A_504 = tpu.memref_slice %arg4[%dma_start3A_502, %dma_start3A_503] : memref<10000x64xf32, #tpu.memory_space<hbm>> -> memref<10000x64xf32, #tpu.memory_space<hbm>>
        tpu.enqueue_indirect_dma source(%dma_start3A_504 : memref<10000x64xf32, #tpu.memory_space<hbm>>) target(%dma_start3A_498 : memref<125x64xf32, #tpu.memory_space<vmem>>) offsets(%dma_start3A_501 : memref<125xi32, #tpu.memory_space<vmem>>) semaphore(%arg11 : memref<!tpu.dma_semaphore, #tpu.memory_space<semaphore_mem>>)
      } else {
      }
    }
    %scan3A_108 = arith.constant 10 : i32
    %barrier3A_109 = arith.constant 0 : index
    tpu.barrier barrier_id(%barrier3A_109)
    %lt3A_110 = arith.constant 15 : i32
    %lt3A_111 = arith.cmpi slt, %arg1, %lt3A_110 : i32
    %convert_element_type3A_112 = arith.extui %lt3A_111 : i1 to i32
    %cond3A_113 = arith.constant 0 : i32
    %cond3A_114 = arith.cmpi ne, %convert_element_type3A_112, %cond3A_113 : i32
    scf.if %cond3A_114 {
      "tpu.region"() ({
        %run_scoped3A = tpu.sem_alloc : memref<!tpu.dma_semaphore, #tpu.memory_space<semaphore_mem>>
        %dma_start3A_120 = arith.constant 0 : i32
        %dma_start3A_121 = tpu.memref_slice %arg6[%arg0, %multiple_of3A, %dma_start3A_120] : memref<2x10000x64xf32, #tpu.memory_space<hbm>> -> memref<1x624x64xf32, #tpu.memory_space<hbm>>
        %dma_start3A_122 = tpu.memref_squeeze %dma_start3A_121 : memref<1x624x64xf32, #tpu.memory_space<hbm>> -> memref<624x64xf32, #tpu.memory_space<hbm>>
        %dma_start3A_123 = arith.constant 0 : i32
        %dma_start3A_124 = tpu.memref_slice %arg10[%multiple_of3A, %dma_start3A_123] : memref<10000x64xf32, #tpu.memory_space<vmem_shared>> -> memref<624x64xf32, #tpu.memory_space<vmem_shared>>
        tpu.enqueue_dma source(%dma_start3A_124 : memref<624x64xf32, #tpu.memory_space<vmem_shared>>) target(%dma_start3A_122 : memref<624x64xf32, #tpu.memory_space<hbm>>) target_semaphore(%run_scoped3A : memref<!tpu.dma_semaphore, #tpu.memory_space<semaphore_mem>>)
        %dma_wait3A = arith.constant 0 : i32
        %dma_wait3A_125 = tpu.memref_slice %arg6[%arg0, %multiple_of3A, %dma_wait3A] : memref<2x10000x64xf32, #tpu.memory_space<hbm>> -> memref<1x624x64xf32, #tpu.memory_space<hbm>>
        %dma_wait3A_126 = tpu.memref_squeeze %dma_wait3A_125 : memref<1x624x64xf32, #tpu.memory_space<hbm>> -> memref<624x64xf32, #tpu.memory_space<hbm>>
        %dma_wait3A_127 = arith.constant 0 : i32
        %dma_wait3A_128 = tpu.memref_slice %arg10[%multiple_of3A, %dma_wait3A_127] : memref<10000x64xf32, #tpu.memory_space<vmem_shared>> -> memref<624x64xf32, #tpu.memory_space<vmem_shared>>
        tpu.wait_dma2 semaphore(%run_scoped3A : memref<!tpu.dma_semaphore, #tpu.memory_space<semaphore_mem>>) src(%dma_wait3A_128 : memref<624x64xf32, #tpu.memory_space<vmem_shared>>) dst(%dma_wait3A_126 : memref<624x64xf32, #tpu.memory_space<hbm>>)
        tpu.yield
      }) : () -> ()
    } else {
    }
    %eq3A_115 = arith.constant 15 : i32
    %eq3A_116 = arith.cmpi eq, %arg1, %eq3A_115 : i32
    %convert_element_type3A_117 = arith.extui %eq3A_116 : i1 to i32
    %cond3A_118 = arith.constant 0 : i32
    %cond3A_119 = arith.cmpi ne, %convert_element_type3A_117, %cond3A_118 : i32
    scf.if %cond3A_119 {
      "tpu.region"() ({
        %run_scoped3A = tpu.sem_alloc : memref<!tpu.dma_semaphore, #tpu.memory_space<semaphore_mem>>
        %dma_start3A_120 = arith.constant 9360 : i32
        %dma_start3A_121 = arith.constant 0 : i32
        %dma_start3A_122 = tpu.memref_slice %arg6[%arg0, %dma_start3A_120, %dma_start3A_121] : memref<2x10000x64xf32, #tpu.memory_space<hbm>> -> memref<1x640x64xf32, #tpu.memory_space<hbm>>
        %dma_start3A_123 = tpu.memref_squeeze %dma_start3A_122 : memref<1x640x64xf32, #tpu.memory_space<hbm>> -> memref<640x64xf32, #tpu.memory_space<hbm>>
        %dma_start3A_124 = arith.constant 9360 : i32
        %dma_start3A_125 = arith.constant 0 : i32
        %dma_start3A_126 = tpu.memref_slice %arg10[%dma_start3A_124, %dma_start3A_125] : memref<10000x64xf32, #tpu.memory_space<vmem_shared>> -> memref<640x64xf32, #tpu.memory_space<vmem_shared>>
        tpu.enqueue_dma source(%dma_start3A_126 : memref<640x64xf32, #tpu.memory_space<vmem_shared>>) target(%dma_start3A_123 : memref<640x64xf32, #tpu.memory_space<hbm>>) target_semaphore(%run_scoped3A : memref<!tpu.dma_semaphore, #tpu.memory_space<semaphore_mem>>)
        %dma_wait3A = arith.constant 9360 : i32
        %dma_wait3A_127 = arith.constant 0 : i32
        %dma_wait3A_128 = tpu.memref_slice %arg6[%arg0, %dma_wait3A, %dma_wait3A_127] : memref<2x10000x64xf32, #tpu.memory_space<hbm>> -> memref<1x640x64xf32, #tpu.memory_space<hbm>>
        %dma_wait3A_129 = tpu.memref_squeeze %dma_wait3A_128 : memref<1x640x64xf32, #tpu.memory_space<hbm>> -> memref<640x64xf32, #tpu.memory_space<hbm>>
        %dma_wait3A_130 = arith.constant 9360 : i32
        %dma_wait3A_131 = arith.constant 0 : i32
        %dma_wait3A_132 = tpu.memref_slice %arg10[%dma_wait3A_130, %dma_wait3A_131] : memref<10000x64xf32, #tpu.memory_space<vmem_shared>> -> memref<640x64xf32, #tpu.memory_space<vmem_shared>>
        tpu.wait_dma2 semaphore(%run_scoped3A : memref<!tpu.dma_semaphore, #tpu.memory_space<semaphore_mem>>) src(%dma_wait3A_132 : memref<640x64xf32, #tpu.memory_space<vmem_shared>>) dst(%dma_wait3A_129 : memref<640x64xf32, #tpu.memory_space<hbm>>)
        tpu.yield
      }) : () -> ()
    } else {
    }
    return
  }
}

#map = affine_map<(d0, d1) -> (0, 0, 0)>
#map1 = affine_map<(d0, d1) -> (0, 0)>
module attributes {stable_mosaic.version = 14 : i64} {
  func.func @_agg_body(%arg0: i32, %arg1: i32, %arg2: memref<32x80x125xi32, #tpu.memory_space<hbm>>, %arg3: memref<32x80x125xi32, #tpu.memory_space<hbm>>, %arg4: memref<10000x64xf32, #tpu.memory_space<hbm>>, %arg5: memref<10000x64xf32, #tpu.memory_space<hbm>>, %arg6: memref<2x10000x64xf32, #tpu.memory_space<hbm>>, %arg7: memref<80x125xi32, #tpu.memory_space<vmem>>, %arg8: memref<80x125xi32, #tpu.memory_space<vmem>>, %arg9: memref<8x125x64xf32, #tpu.memory_space<vmem>>, %arg10: memref<10000x64xf32, #tpu.memory_space<vmem_shared>>, %arg11: memref<!tpu.dma_semaphore, #tpu.memory_space<semaphore_mem>>, %arg12: memref<!tpu.dma_semaphore, #tpu.memory_space<semaphore_mem>>) attributes {dimension_semantics = [#tpu.dimension_semantics<core_parallel>, #tpu.dimension_semantics<subcore_parallel>], iteration_bounds = array<i64: 2, 16>, scalar_prefetch = 0 : i64, scratch_operands = 6 : i64, tpu.core_type = #tpu.core_type<sc_vector_subcore>, window_params = [{transform_indices = #map}, {transform_indices = #map}, {transform_indices = #map1}, {transform_indices = #map1}, {transform_indices = #map}]} {
    %mul3A = arith.constant 2 : i32
    %mul3A_0 = arith.muli %arg1, %mul3A : i32
    %add3A = arith.addi %mul3A_0, %arg0 : i32
    %mul3A_1 = arith.constant 624 : i32
    %mul3A_2 = arith.muli %arg1, %mul3A_1 : i32
    %multiple_of3A = tpu.assume_multiple %mul3A_2, 8 : i32
    "tpu.region"() ({
      %run_scoped3A = tpu.sem_alloc : memref<!tpu.dma_semaphore, #tpu.memory_space<semaphore_mem>>
      %dma_start3A_120 = arith.constant 0 : i32
      %dma_start3A_121 = arith.constant 0 : i32
      %dma_start3A_122 = tpu.memref_slice %arg2[%add3A, %dma_start3A_120, %dma_start3A_121] : memref<32x80x125xi32, #tpu.memory_space<hbm>> -> memref<1x80x125xi32, #tpu.memory_space<hbm>>
      %dma_start3A_123 = tpu.memref_squeeze %dma_start3A_122 : memref<1x80x125xi32, #tpu.memory_space<hbm>> -> memref<80x125xi32, #tpu.memory_space<hbm>>
      %dma_start3A_124 = arith.constant 0 : i32
      %dma_start3A_125 = arith.constant 0 : i32
      %dma_start3A_126 = tpu.memref_slice %arg2[%add3A, %dma_start3A_124, %dma_start3A_125] : memref<32x80x125xi32, #tpu.memory_space<hbm>> -> memref<1x80x125xi32, #tpu.memory_space<hbm>>
      %dma_start3A_127 = tpu.memref_squeeze %dma_start3A_126 : memref<1x80x125xi32, #tpu.memory_space<hbm>> -> memref<80x125xi32, #tpu.memory_space<hbm>>
      tpu.enqueue_dma source(%dma_start3A_127 : memref<80x125xi32, #tpu.memory_space<hbm>>) target(%arg7 : memref<80x125xi32, #tpu.memory_space<vmem>>) target_semaphore(%run_scoped3A : memref<!tpu.dma_semaphore, #tpu.memory_space<semaphore_mem>>)
      %dma_wait3A = arith.constant 0 : i32
      %dma_wait3A_128 = arith.constant 0 : i32
      %dma_wait3A_129 = tpu.memref_slice %arg2[%add3A, %dma_wait3A, %dma_wait3A_128] : memref<32x80x125xi32, #tpu.memory_space<hbm>> -> memref<1x80x125xi32, #tpu.memory_space<hbm>>
      %dma_wait3A_130 = tpu.memref_squeeze %dma_wait3A_129 : memref<1x80x125xi32, #tpu.memory_space<hbm>> -> memref<80x125xi32, #tpu.memory_space<hbm>>
      %dma_wait3A_131 = arith.constant 0 : i32
      %dma_wait3A_132 = arith.constant 0 : i32
      %dma_wait3A_133 = tpu.memref_slice %arg2[%add3A, %dma_wait3A_131, %dma_wait3A_132] : memref<32x80x125xi32, #tpu.memory_space<hbm>> -> memref<1x80x125xi32, #tpu.memory_space<hbm>>
      %dma_wait3A_134 = tpu.memref_squeeze %dma_wait3A_133 : memref<1x80x125xi32, #tpu.memory_space<hbm>> -> memref<80x125xi32, #tpu.memory_space<hbm>>
      tpu.wait_dma2 semaphore(%run_scoped3A : memref<!tpu.dma_semaphore, #tpu.memory_space<semaphore_mem>>) src(%dma_wait3A_134 : memref<80x125xi32, #tpu.memory_space<hbm>>) dst(%arg7 : memref<80x125xi32, #tpu.memory_space<vmem>>)
      tpu.yield
    }) : () -> ()
    "tpu.region"() ({
      %run_scoped3A = tpu.sem_alloc : memref<!tpu.dma_semaphore, #tpu.memory_space<semaphore_mem>>
      %dma_start3A_120 = arith.constant 0 : i32
      %dma_start3A_121 = arith.constant 0 : i32
      %dma_start3A_122 = tpu.memref_slice %arg3[%add3A, %dma_start3A_120, %dma_start3A_121] : memref<32x80x125xi32, #tpu.memory_space<hbm>> -> memref<1x80x125xi32, #tpu.memory_space<hbm>>
      %dma_start3A_123 = tpu.memref_squeeze %dma_start3A_122 : memref<1x80x125xi32, #tpu.memory_space<hbm>> -> memref<80x125xi32, #tpu.memory_space<hbm>>
      %dma_start3A_124 = arith.constant 0 : i32
      %dma_start3A_125 = arith.constant 0 : i32
      %dma_start3A_126 = tpu.memref_slice %arg3[%add3A, %dma_start3A_124, %dma_start3A_125] : memref<32x80x125xi32, #tpu.memory_space<hbm>> -> memref<1x80x125xi32, #tpu.memory_space<hbm>>
      %dma_start3A_127 = tpu.memref_squeeze %dma_start3A_126 : memref<1x80x125xi32, #tpu.memory_space<hbm>> -> memref<80x125xi32, #tpu.memory_space<hbm>>
      tpu.enqueue_dma source(%dma_start3A_127 : memref<80x125xi32, #tpu.memory_space<hbm>>) target(%arg8 : memref<80x125xi32, #tpu.memory_space<vmem>>) target_semaphore(%run_scoped3A : memref<!tpu.dma_semaphore, #tpu.memory_space<semaphore_mem>>)
      %dma_wait3A = arith.constant 0 : i32
      %dma_wait3A_128 = arith.constant 0 : i32
      %dma_wait3A_129 = tpu.memref_slice %arg3[%add3A, %dma_wait3A, %dma_wait3A_128] : memref<32x80x125xi32, #tpu.memory_space<hbm>> -> memref<1x80x125xi32, #tpu.memory_space<hbm>>
      %dma_wait3A_130 = tpu.memref_squeeze %dma_wait3A_129 : memref<1x80x125xi32, #tpu.memory_space<hbm>> -> memref<80x125xi32, #tpu.memory_space<hbm>>
      %dma_wait3A_131 = arith.constant 0 : i32
      %dma_wait3A_132 = arith.constant 0 : i32
      %dma_wait3A_133 = tpu.memref_slice %arg3[%add3A, %dma_wait3A_131, %dma_wait3A_132] : memref<32x80x125xi32, #tpu.memory_space<hbm>> -> memref<1x80x125xi32, #tpu.memory_space<hbm>>
      %dma_wait3A_134 = tpu.memref_squeeze %dma_wait3A_133 : memref<1x80x125xi32, #tpu.memory_space<hbm>> -> memref<80x125xi32, #tpu.memory_space<hbm>>
      tpu.wait_dma2 semaphore(%run_scoped3A : memref<!tpu.dma_semaphore, #tpu.memory_space<semaphore_mem>>) src(%dma_wait3A_134 : memref<80x125xi32, #tpu.memory_space<hbm>>) dst(%arg8 : memref<80x125xi32, #tpu.memory_space<vmem>>)
      tpu.yield
    }) : () -> ()
    %lt3A = arith.constant 15 : i32
    %lt3A_3 = arith.cmpi slt, %arg1, %lt3A : i32
    %convert_element_type3A = arith.extui %lt3A_3 : i1 to i32
    %cond3A = arith.constant 0 : i32
    %cond3A_4 = arith.cmpi ne, %convert_element_type3A, %cond3A : i32
    scf.if %cond3A_4 {
      "tpu.region"() ({
        %run_scoped3A = tpu.sem_alloc : memref<!tpu.dma_semaphore, #tpu.memory_space<semaphore_mem>>
        %dma_start3A_120 = arith.constant 0 : i32
        %dma_start3A_121 = tpu.memref_slice %arg10[%multiple_of3A, %dma_start3A_120] : memref<10000x64xf32, #tpu.memory_space<vmem_shared>> -> memref<624x64xf32, #tpu.memory_space<vmem_shared>>
        %dma_start3A_122 = arith.constant 0 : i32
        %dma_start3A_123 = tpu.memref_slice %arg5[%multiple_of3A, %dma_start3A_122] : memref<10000x64xf32, #tpu.memory_space<hbm>> -> memref<624x64xf32, #tpu.memory_space<hbm>>
        tpu.enqueue_dma source(%dma_start3A_123 : memref<624x64xf32, #tpu.memory_space<hbm>>) target(%dma_start3A_121 : memref<624x64xf32, #tpu.memory_space<vmem_shared>>) target_semaphore(%run_scoped3A : memref<!tpu.dma_semaphore, #tpu.memory_space<semaphore_mem>>)
        %dma_wait3A = arith.constant 0 : i32
        %dma_wait3A_124 = tpu.memref_slice %arg10[%multiple_of3A, %dma_wait3A] : memref<10000x64xf32, #tpu.memory_space<vmem_shared>> -> memref<624x64xf32, #tpu.memory_space<vmem_shared>>
        %dma_wait3A_125 = arith.constant 0 : i32
        %dma_wait3A_126 = tpu.memref_slice %arg5[%multiple_of3A, %dma_wait3A_125] : memref<10000x64xf32, #tpu.memory_space<hbm>> -> memref<624x64xf32, #tpu.memory_space<hbm>>
        tpu.wait_dma2 semaphore(%run_scoped3A : memref<!tpu.dma_semaphore, #tpu.memory_space<semaphore_mem>>) src(%dma_wait3A_126 : memref<624x64xf32, #tpu.memory_space<hbm>>) dst(%dma_wait3A_124 : memref<624x64xf32, #tpu.memory_space<vmem_shared>>)
        tpu.yield
      }) : () -> ()
    } else {
    }
    %eq3A = arith.constant 15 : i32
    %eq3A_5 = arith.cmpi eq, %arg1, %eq3A : i32
    %convert_element_type3A_6 = arith.extui %eq3A_5 : i1 to i32
    %cond3A_7 = arith.constant 0 : i32
    %cond3A_8 = arith.cmpi ne, %convert_element_type3A_6, %cond3A_7 : i32
    scf.if %cond3A_8 {
      "tpu.region"() ({
        %run_scoped3A = tpu.sem_alloc : memref<!tpu.dma_semaphore, #tpu.memory_space<semaphore_mem>>
        %dma_start3A_120 = arith.constant 9360 : i32
        %dma_start3A_121 = arith.constant 0 : i32
        %dma_start3A_122 = tpu.memref_slice %arg10[%dma_start3A_120, %dma_start3A_121] : memref<10000x64xf32, #tpu.memory_space<vmem_shared>> -> memref<640x64xf32, #tpu.memory_space<vmem_shared>>
        %dma_start3A_123 = arith.constant 9360 : i32
        %dma_start3A_124 = arith.constant 0 : i32
        %dma_start3A_125 = tpu.memref_slice %arg5[%dma_start3A_123, %dma_start3A_124] : memref<10000x64xf32, #tpu.memory_space<hbm>> -> memref<640x64xf32, #tpu.memory_space<hbm>>
        tpu.enqueue_dma source(%dma_start3A_125 : memref<640x64xf32, #tpu.memory_space<hbm>>) target(%dma_start3A_122 : memref<640x64xf32, #tpu.memory_space<vmem_shared>>) target_semaphore(%run_scoped3A : memref<!tpu.dma_semaphore, #tpu.memory_space<semaphore_mem>>)
        %dma_wait3A = arith.constant 9360 : i32
        %dma_wait3A_126 = arith.constant 0 : i32
        %dma_wait3A_127 = tpu.memref_slice %arg10[%dma_wait3A, %dma_wait3A_126] : memref<10000x64xf32, #tpu.memory_space<vmem_shared>> -> memref<640x64xf32, #tpu.memory_space<vmem_shared>>
        %dma_wait3A_128 = arith.constant 9360 : i32
        %dma_wait3A_129 = arith.constant 0 : i32
        %dma_wait3A_130 = tpu.memref_slice %arg5[%dma_wait3A_128, %dma_wait3A_129] : memref<10000x64xf32, #tpu.memory_space<hbm>> -> memref<640x64xf32, #tpu.memory_space<hbm>>
        tpu.wait_dma2 semaphore(%run_scoped3A : memref<!tpu.dma_semaphore, #tpu.memory_space<semaphore_mem>>) src(%dma_wait3A_130 : memref<640x64xf32, #tpu.memory_space<hbm>>) dst(%dma_wait3A_127 : memref<640x64xf32, #tpu.memory_space<vmem_shared>>)
        tpu.yield
      }) : () -> ()
    } else {
    }
    %barrier3A = arith.constant 0 : index
    tpu.barrier barrier_id(%barrier3A)
    %dma_start3A = arith.constant 0 : i32
    %dma_start3A_9 = arith.constant 0 : i32
    %dma_start3A_10 = arith.constant 0 : i32
    %dma_start3A_11 = arith.constant 0 : i32
    %dma_start3A_12 = tpu.memref_slice %arg9[%dma_start3A_9, %dma_start3A_10, %dma_start3A_11] : memref<8x125x64xf32, #tpu.memory_space<vmem>> -> memref<1x125x64xf32, #tpu.memory_space<vmem>>
    %dma_start3A_13 = tpu.memref_squeeze %dma_start3A_12 : memref<1x125x64xf32, #tpu.memory_space<vmem>> -> memref<125x64xf32, #tpu.memory_space<vmem>>
    %dma_start3A_14 = arith.constant 0 : i32
    %dma_start3A_15 = tpu.memref_slice %arg7[%dma_start3A, %dma_start3A_14] : memref<80x125xi32, #tpu.memory_space<vmem>> -> memref<1x125xi32, #tpu.memory_space<vmem>>
    %dma_start3A_16 = tpu.memref_squeeze %dma_start3A_15 : memref<1x125xi32, #tpu.memory_space<vmem>> -> memref<125xi32, #tpu.memory_space<vmem>>
    %dma_start3A_17 = arith.constant 0 : i32
    %dma_start3A_18 = arith.constant 0 : i32
    %dma_start3A_19 = tpu.memref_slice %arg4[%dma_start3A_17, %dma_start3A_18] : memref<10000x64xf32, #tpu.memory_space<hbm>> -> memref<10000x64xf32, #tpu.memory_space<hbm>>
    tpu.enqueue_indirect_dma source(%dma_start3A_19 : memref<10000x64xf32, #tpu.memory_space<hbm>>) target(%dma_start3A_13 : memref<125x64xf32, #tpu.memory_space<vmem>>) offsets(%dma_start3A_16 : memref<125xi32, #tpu.memory_space<vmem>>) semaphore(%arg11 : memref<!tpu.dma_semaphore, #tpu.memory_space<semaphore_mem>>)
    %dma_start3A_20 = arith.constant 1 : i32
    %dma_start3A_21 = arith.constant 1 : i32
    %dma_start3A_22 = arith.constant 0 : i32
    %dma_start3A_23 = arith.constant 0 : i32
    %dma_start3A_24 = tpu.memref_slice %arg9[%dma_start3A_21, %dma_start3A_22, %dma_start3A_23] : memref<8x125x64xf32, #tpu.memory_space<vmem>> -> memref<1x125x64xf32, #tpu.memory_space<vmem>>
    %dma_start3A_25 = tpu.memref_squeeze %dma_start3A_24 : memref<1x125x64xf32, #tpu.memory_space<vmem>> -> memref<125x64xf32, #tpu.memory_space<vmem>>
    %dma_start3A_26 = arith.constant 0 : i32
    %dma_start3A_27 = tpu.memref_slice %arg7[%dma_start3A_20, %dma_start3A_26] : memref<80x125xi32, #tpu.memory_space<vmem>> -> memref<1x125xi32, #tpu.memory_space<vmem>>
    %dma_start3A_28 = tpu.memref_squeeze %dma_start3A_27 : memref<1x125xi32, #tpu.memory_space<vmem>> -> memref<125xi32, #tpu.memory_space<vmem>>
    %dma_start3A_29 = arith.constant 0 : i32
    %dma_start3A_30 = arith.constant 0 : i32
    %dma_start3A_31 = tpu.memref_slice %arg4[%dma_start3A_29, %dma_start3A_30] : memref<10000x64xf32, #tpu.memory_space<hbm>> -> memref<10000x64xf32, #tpu.memory_space<hbm>>
    tpu.enqueue_indirect_dma source(%dma_start3A_31 : memref<10000x64xf32, #tpu.memory_space<hbm>>) target(%dma_start3A_25 : memref<125x64xf32, #tpu.memory_space<vmem>>) offsets(%dma_start3A_28 : memref<125xi32, #tpu.memory_space<vmem>>) semaphore(%arg11 : memref<!tpu.dma_semaphore, #tpu.memory_space<semaphore_mem>>)
    %dma_start3A_32 = arith.constant 2 : i32
    %dma_start3A_33 = arith.constant 2 : i32
    %dma_start3A_34 = arith.constant 0 : i32
    %dma_start3A_35 = arith.constant 0 : i32
    %dma_start3A_36 = tpu.memref_slice %arg9[%dma_start3A_33, %dma_start3A_34, %dma_start3A_35] : memref<8x125x64xf32, #tpu.memory_space<vmem>> -> memref<1x125x64xf32, #tpu.memory_space<vmem>>
    %dma_start3A_37 = tpu.memref_squeeze %dma_start3A_36 : memref<1x125x64xf32, #tpu.memory_space<vmem>> -> memref<125x64xf32, #tpu.memory_space<vmem>>
    %dma_start3A_38 = arith.constant 0 : i32
    %dma_start3A_39 = tpu.memref_slice %arg7[%dma_start3A_32, %dma_start3A_38] : memref<80x125xi32, #tpu.memory_space<vmem>> -> memref<1x125xi32, #tpu.memory_space<vmem>>
    %dma_start3A_40 = tpu.memref_squeeze %dma_start3A_39 : memref<1x125xi32, #tpu.memory_space<vmem>> -> memref<125xi32, #tpu.memory_space<vmem>>
    %dma_start3A_41 = arith.constant 0 : i32
    %dma_start3A_42 = arith.constant 0 : i32
    %dma_start3A_43 = tpu.memref_slice %arg4[%dma_start3A_41, %dma_start3A_42] : memref<10000x64xf32, #tpu.memory_space<hbm>> -> memref<10000x64xf32, #tpu.memory_space<hbm>>
    tpu.enqueue_indirect_dma source(%dma_start3A_43 : memref<10000x64xf32, #tpu.memory_space<hbm>>) target(%dma_start3A_37 : memref<125x64xf32, #tpu.memory_space<vmem>>) offsets(%dma_start3A_40 : memref<125xi32, #tpu.memory_space<vmem>>) semaphore(%arg11 : memref<!tpu.dma_semaphore, #tpu.memory_space<semaphore_mem>>)
    %dma_start3A_44 = arith.constant 3 : i32
    %dma_start3A_45 = arith.constant 3 : i32
    %dma_start3A_46 = arith.constant 0 : i32
    %dma_start3A_47 = arith.constant 0 : i32
    %dma_start3A_48 = tpu.memref_slice %arg9[%dma_start3A_45, %dma_start3A_46, %dma_start3A_47] : memref<8x125x64xf32, #tpu.memory_space<vmem>> -> memref<1x125x64xf32, #tpu.memory_space<vmem>>
    %dma_start3A_49 = tpu.memref_squeeze %dma_start3A_48 : memref<1x125x64xf32, #tpu.memory_space<vmem>> -> memref<125x64xf32, #tpu.memory_space<vmem>>
    %dma_start3A_50 = arith.constant 0 : i32
    %dma_start3A_51 = tpu.memref_slice %arg7[%dma_start3A_44, %dma_start3A_50] : memref<80x125xi32, #tpu.memory_space<vmem>> -> memref<1x125xi32, #tpu.memory_space<vmem>>
    %dma_start3A_52 = tpu.memref_squeeze %dma_start3A_51 : memref<1x125xi32, #tpu.memory_space<vmem>> -> memref<125xi32, #tpu.memory_space<vmem>>
    %dma_start3A_53 = arith.constant 0 : i32
    %dma_start3A_54 = arith.constant 0 : i32
    %dma_start3A_55 = tpu.memref_slice %arg4[%dma_start3A_53, %dma_start3A_54] : memref<10000x64xf32, #tpu.memory_space<hbm>> -> memref<10000x64xf32, #tpu.memory_space<hbm>>
    tpu.enqueue_indirect_dma source(%dma_start3A_55 : memref<10000x64xf32, #tpu.memory_space<hbm>>) target(%dma_start3A_49 : memref<125x64xf32, #tpu.memory_space<vmem>>) offsets(%dma_start3A_52 : memref<125xi32, #tpu.memory_space<vmem>>) semaphore(%arg11 : memref<!tpu.dma_semaphore, #tpu.memory_space<semaphore_mem>>)
    %dma_start3A_56 = arith.constant 4 : i32
    %dma_start3A_57 = arith.constant 4 : i32
    %dma_start3A_58 = arith.constant 0 : i32
    %dma_start3A_59 = arith.constant 0 : i32
    %dma_start3A_60 = tpu.memref_slice %arg9[%dma_start3A_57, %dma_start3A_58, %dma_start3A_59] : memref<8x125x64xf32, #tpu.memory_space<vmem>> -> memref<1x125x64xf32, #tpu.memory_space<vmem>>
    %dma_start3A_61 = tpu.memref_squeeze %dma_start3A_60 : memref<1x125x64xf32, #tpu.memory_space<vmem>> -> memref<125x64xf32, #tpu.memory_space<vmem>>
    %dma_start3A_62 = arith.constant 0 : i32
    %dma_start3A_63 = tpu.memref_slice %arg7[%dma_start3A_56, %dma_start3A_62] : memref<80x125xi32, #tpu.memory_space<vmem>> -> memref<1x125xi32, #tpu.memory_space<vmem>>
    %dma_start3A_64 = tpu.memref_squeeze %dma_start3A_63 : memref<1x125xi32, #tpu.memory_space<vmem>> -> memref<125xi32, #tpu.memory_space<vmem>>
    %dma_start3A_65 = arith.constant 0 : i32
    %dma_start3A_66 = arith.constant 0 : i32
    %dma_start3A_67 = tpu.memref_slice %arg4[%dma_start3A_65, %dma_start3A_66] : memref<10000x64xf32, #tpu.memory_space<hbm>> -> memref<10000x64xf32, #tpu.memory_space<hbm>>
    tpu.enqueue_indirect_dma source(%dma_start3A_67 : memref<10000x64xf32, #tpu.memory_space<hbm>>) target(%dma_start3A_61 : memref<125x64xf32, #tpu.memory_space<vmem>>) offsets(%dma_start3A_64 : memref<125xi32, #tpu.memory_space<vmem>>) semaphore(%arg11 : memref<!tpu.dma_semaphore, #tpu.memory_space<semaphore_mem>>)
    %dma_start3A_68 = arith.constant 5 : i32
    %dma_start3A_69 = arith.constant 5 : i32
    %dma_start3A_70 = arith.constant 0 : i32
    %dma_start3A_71 = arith.constant 0 : i32
    %dma_start3A_72 = tpu.memref_slice %arg9[%dma_start3A_69, %dma_start3A_70, %dma_start3A_71] : memref<8x125x64xf32, #tpu.memory_space<vmem>> -> memref<1x125x64xf32, #tpu.memory_space<vmem>>
    %dma_start3A_73 = tpu.memref_squeeze %dma_start3A_72 : memref<1x125x64xf32, #tpu.memory_space<vmem>> -> memref<125x64xf32, #tpu.memory_space<vmem>>
    %dma_start3A_74 = arith.constant 0 : i32
    %dma_start3A_75 = tpu.memref_slice %arg7[%dma_start3A_68, %dma_start3A_74] : memref<80x125xi32, #tpu.memory_space<vmem>> -> memref<1x125xi32, #tpu.memory_space<vmem>>
    %dma_start3A_76 = tpu.memref_squeeze %dma_start3A_75 : memref<1x125xi32, #tpu.memory_space<vmem>> -> memref<125xi32, #tpu.memory_space<vmem>>
    %dma_start3A_77 = arith.constant 0 : i32
    %dma_start3A_78 = arith.constant 0 : i32
    %dma_start3A_79 = tpu.memref_slice %arg4[%dma_start3A_77, %dma_start3A_78] : memref<10000x64xf32, #tpu.memory_space<hbm>> -> memref<10000x64xf32, #tpu.memory_space<hbm>>
    tpu.enqueue_indirect_dma source(%dma_start3A_79 : memref<10000x64xf32, #tpu.memory_space<hbm>>) target(%dma_start3A_73 : memref<125x64xf32, #tpu.memory_space<vmem>>) offsets(%dma_start3A_76 : memref<125xi32, #tpu.memory_space<vmem>>) semaphore(%arg11 : memref<!tpu.dma_semaphore, #tpu.memory_space<semaphore_mem>>)
    %dma_start3A_80 = arith.constant 6 : i32
    %dma_start3A_81 = arith.constant 6 : i32
    %dma_start3A_82 = arith.constant 0 : i32
    %dma_start3A_83 = arith.constant 0 : i32
    %dma_start3A_84 = tpu.memref_slice %arg9[%dma_start3A_81, %dma_start3A_82, %dma_start3A_83] : memref<8x125x64xf32, #tpu.memory_space<vmem>> -> memref<1x125x64xf32, #tpu.memory_space<vmem>>
    %dma_start3A_85 = tpu.memref_squeeze %dma_start3A_84 : memref<1x125x64xf32, #tpu.memory_space<vmem>> -> memref<125x64xf32, #tpu.memory_space<vmem>>
    %dma_start3A_86 = arith.constant 0 : i32
    %dma_start3A_87 = tpu.memref_slice %arg7[%dma_start3A_80, %dma_start3A_86] : memref<80x125xi32, #tpu.memory_space<vmem>> -> memref<1x125xi32, #tpu.memory_space<vmem>>
    %dma_start3A_88 = tpu.memref_squeeze %dma_start3A_87 : memref<1x125xi32, #tpu.memory_space<vmem>> -> memref<125xi32, #tpu.memory_space<vmem>>
    %dma_start3A_89 = arith.constant 0 : i32
    %dma_start3A_90 = arith.constant 0 : i32
    %dma_start3A_91 = tpu.memref_slice %arg4[%dma_start3A_89, %dma_start3A_90] : memref<10000x64xf32, #tpu.memory_space<hbm>> -> memref<10000x64xf32, #tpu.memory_space<hbm>>
    tpu.enqueue_indirect_dma source(%dma_start3A_91 : memref<10000x64xf32, #tpu.memory_space<hbm>>) target(%dma_start3A_85 : memref<125x64xf32, #tpu.memory_space<vmem>>) offsets(%dma_start3A_88 : memref<125xi32, #tpu.memory_space<vmem>>) semaphore(%arg11 : memref<!tpu.dma_semaphore, #tpu.memory_space<semaphore_mem>>)
    %dma_start3A_92 = arith.constant 7 : i32
    %dma_start3A_93 = arith.constant 7 : i32
    %dma_start3A_94 = arith.constant 0 : i32
    %dma_start3A_95 = arith.constant 0 : i32
    %dma_start3A_96 = tpu.memref_slice %arg9[%dma_start3A_93, %dma_start3A_94, %dma_start3A_95] : memref<8x125x64xf32, #tpu.memory_space<vmem>> -> memref<1x125x64xf32, #tpu.memory_space<vmem>>
    %dma_start3A_97 = tpu.memref_squeeze %dma_start3A_96 : memref<1x125x64xf32, #tpu.memory_space<vmem>> -> memref<125x64xf32, #tpu.memory_space<vmem>>
    %dma_start3A_98 = arith.constant 0 : i32
    %dma_start3A_99 = tpu.memref_slice %arg7[%dma_start3A_92, %dma_start3A_98] : memref<80x125xi32, #tpu.memory_space<vmem>> -> memref<1x125xi32, #tpu.memory_space<vmem>>
    %dma_start3A_100 = tpu.memref_squeeze %dma_start3A_99 : memref<1x125xi32, #tpu.memory_space<vmem>> -> memref<125xi32, #tpu.memory_space<vmem>>
    %dma_start3A_101 = arith.constant 0 : i32
    %dma_start3A_102 = arith.constant 0 : i32
    %dma_start3A_103 = tpu.memref_slice %arg4[%dma_start3A_101, %dma_start3A_102] : memref<10000x64xf32, #tpu.memory_space<hbm>> -> memref<10000x64xf32, #tpu.memory_space<hbm>>
    tpu.enqueue_indirect_dma source(%dma_start3A_103 : memref<10000x64xf32, #tpu.memory_space<hbm>>) target(%dma_start3A_97 : memref<125x64xf32, #tpu.memory_space<vmem>>) offsets(%dma_start3A_100 : memref<125xi32, #tpu.memory_space<vmem>>) semaphore(%arg11 : memref<!tpu.dma_semaphore, #tpu.memory_space<semaphore_mem>>)
    %scan3A = arith.constant 0 : i32
    %scan3A_104 = arith.constant 0 : i32
    %scan3A_105 = arith.constant 10 : i32
    %scan3A_106 = arith.addi %scan3A_104, %scan3A_105 : i32
    %scan3A_107 = arith.constant 1 : i32
    scf.for %scan3A_120 = %scan3A_104 to %scan3A_106 step %scan3A_107  : i32 {
      %mul3A_121 = arith.constant 8 : i32
      %mul3A_122 = arith.muli %mul3A_121, %scan3A_120 : i32
      %add3A_123 = arith.constant 0 : i32
      %add3A_124 = arith.addi %mul3A_122, %add3A_123 : i32
      %dma_wait3A = arith.constant 0 : i32
      %dma_wait3A_125 = arith.constant 0 : i32
      %dma_wait3A_126 = arith.constant 0 : i32
      %dma_wait3A_127 = tpu.memref_slice %arg9[%dma_wait3A, %dma_wait3A_125, %dma_wait3A_126] : memref<8x125x64xf32, #tpu.memory_space<vmem>> -> memref<1x125x64xf32, #tpu.memory_space<vmem>>
      %dma_wait3A_128 = tpu.memref_squeeze %dma_wait3A_127 : memref<1x125x64xf32, #tpu.memory_space<vmem>> -> memref<125x64xf32, #tpu.memory_space<vmem>>
      %dma_wait3A_129 = arith.constant 0 : i32
      %dma_wait3A_130 = tpu.memref_slice %arg7[%add3A_124, %dma_wait3A_129] : memref<80x125xi32, #tpu.memory_space<vmem>> -> memref<1x125xi32, #tpu.memory_space<vmem>>
      %dma_wait3A_131 = tpu.memref_squeeze %dma_wait3A_130 : memref<1x125xi32, #tpu.memory_space<vmem>> -> memref<125xi32, #tpu.memory_space<vmem>>
      %dma_wait3A_132 = arith.constant 0 : i32
      %dma_wait3A_133 = arith.constant 0 : i32
      %dma_wait3A_134 = tpu.memref_slice %arg4[%dma_wait3A_132, %dma_wait3A_133] : memref<10000x64xf32, #tpu.memory_space<hbm>> -> memref<10000x64xf32, #tpu.memory_space<hbm>>
      tpu.wait_indirect_dma semaphore(%arg11 : memref<!tpu.dma_semaphore, #tpu.memory_space<semaphore_mem>>) src(%dma_wait3A_134 : memref<10000x64xf32, #tpu.memory_space<hbm>>) dst(%dma_wait3A_128 : memref<125x64xf32, #tpu.memory_space<vmem>>)
      %add3A_135 = arith.constant 0 : i32
      %add3A_136 = arith.addi %mul3A_122, %add3A_135 : i32
      %dma_start3A_137 = arith.constant 0 : i32
      %dma_start3A_138 = arith.constant 0 : i32
      %dma_start3A_139 = arith.constant 0 : i32
      %dma_start3A_140 = tpu.memref_slice %arg9[%dma_start3A_137, %dma_start3A_138, %dma_start3A_139] : memref<8x125x64xf32, #tpu.memory_space<vmem>> -> memref<1x125x64xf32, #tpu.memory_space<vmem>>
      %dma_start3A_141 = tpu.memref_squeeze %dma_start3A_140 : memref<1x125x64xf32, #tpu.memory_space<vmem>> -> memref<125x64xf32, #tpu.memory_space<vmem>>
      %dma_start3A_142 = arith.constant 0 : i32
      %dma_start3A_143 = tpu.memref_slice %arg8[%add3A_136, %dma_start3A_142] : memref<80x125xi32, #tpu.memory_space<vmem>> -> memref<1x125xi32, #tpu.memory_space<vmem>>
      %dma_start3A_144 = tpu.memref_squeeze %dma_start3A_143 : memref<1x125xi32, #tpu.memory_space<vmem>> -> memref<125xi32, #tpu.memory_space<vmem>>
      %dma_start3A_145 = arith.constant 0 : i32
      %dma_start3A_146 = arith.constant 0 : i32
      %dma_start3A_147 = tpu.memref_slice %arg10[%dma_start3A_145, %dma_start3A_146] : memref<10000x64xf32, #tpu.memory_space<vmem_shared>> -> memref<10000x64xf32, #tpu.memory_space<vmem_shared>>
      tpu.enqueue_indirect_dma source(%dma_start3A_141 : memref<125x64xf32, #tpu.memory_space<vmem>>) target(%dma_start3A_147 : memref<10000x64xf32, #tpu.memory_space<vmem_shared>>) offsets(%dma_start3A_144 : memref<125xi32, #tpu.memory_space<vmem>>) semaphore(%arg12 : memref<!tpu.dma_semaphore, #tpu.memory_space<semaphore_mem>>) {add = true}
      %add3A_148 = arith.constant 1 : i32
      %add3A_149 = arith.addi %mul3A_122, %add3A_148 : i32
      %dma_wait3A_150 = arith.constant 1 : i32
      %dma_wait3A_151 = arith.constant 0 : i32
      %dma_wait3A_152 = arith.constant 0 : i32
      %dma_wait3A_153 = tpu.memref_slice %arg9[%dma_wait3A_150, %dma_wait3A_151, %dma_wait3A_152] : memref<8x125x64xf32, #tpu.memory_space<vmem>> -> memref<1x125x64xf32, #tpu.memory_space<vmem>>
      %dma_wait3A_154 = tpu.memref_squeeze %dma_wait3A_153 : memref<1x125x64xf32, #tpu.memory_space<vmem>> -> memref<125x64xf32, #tpu.memory_space<vmem>>
      %dma_wait3A_155 = arith.constant 0 : i32
      %dma_wait3A_156 = tpu.memref_slice %arg7[%add3A_149, %dma_wait3A_155] : memref<80x125xi32, #tpu.memory_space<vmem>> -> memref<1x125xi32, #tpu.memory_space<vmem>>
      %dma_wait3A_157 = tpu.memref_squeeze %dma_wait3A_156 : memref<1x125xi32, #tpu.memory_space<vmem>> -> memref<125xi32, #tpu.memory_space<vmem>>
      %dma_wait3A_158 = arith.constant 0 : i32
      %dma_wait3A_159 = arith.constant 0 : i32
      %dma_wait3A_160 = tpu.memref_slice %arg4[%dma_wait3A_158, %dma_wait3A_159] : memref<10000x64xf32, #tpu.memory_space<hbm>> -> memref<10000x64xf32, #tpu.memory_space<hbm>>
      tpu.wait_indirect_dma semaphore(%arg11 : memref<!tpu.dma_semaphore, #tpu.memory_space<semaphore_mem>>) src(%dma_wait3A_160 : memref<10000x64xf32, #tpu.memory_space<hbm>>) dst(%dma_wait3A_154 : memref<125x64xf32, #tpu.memory_space<vmem>>)
      %add3A_161 = arith.constant 1 : i32
      %add3A_162 = arith.addi %mul3A_122, %add3A_161 : i32
      %dma_start3A_163 = arith.constant 1 : i32
      %dma_start3A_164 = arith.constant 0 : i32
      %dma_start3A_165 = arith.constant 0 : i32
      %dma_start3A_166 = tpu.memref_slice %arg9[%dma_start3A_163, %dma_start3A_164, %dma_start3A_165] : memref<8x125x64xf32, #tpu.memory_space<vmem>> -> memref<1x125x64xf32, #tpu.memory_space<vmem>>
      %dma_start3A_167 = tpu.memref_squeeze %dma_start3A_166 : memref<1x125x64xf32, #tpu.memory_space<vmem>> -> memref<125x64xf32, #tpu.memory_space<vmem>>
      %dma_start3A_168 = arith.constant 0 : i32
      %dma_start3A_169 = tpu.memref_slice %arg8[%add3A_162, %dma_start3A_168] : memref<80x125xi32, #tpu.memory_space<vmem>> -> memref<1x125xi32, #tpu.memory_space<vmem>>
      %dma_start3A_170 = tpu.memref_squeeze %dma_start3A_169 : memref<1x125xi32, #tpu.memory_space<vmem>> -> memref<125xi32, #tpu.memory_space<vmem>>
      %dma_start3A_171 = arith.constant 0 : i32
      %dma_start3A_172 = arith.constant 0 : i32
      %dma_start3A_173 = tpu.memref_slice %arg10[%dma_start3A_171, %dma_start3A_172] : memref<10000x64xf32, #tpu.memory_space<vmem_shared>> -> memref<10000x64xf32, #tpu.memory_space<vmem_shared>>
      tpu.enqueue_indirect_dma source(%dma_start3A_167 : memref<125x64xf32, #tpu.memory_space<vmem>>) target(%dma_start3A_173 : memref<10000x64xf32, #tpu.memory_space<vmem_shared>>) offsets(%dma_start3A_170 : memref<125xi32, #tpu.memory_space<vmem>>) semaphore(%arg12 : memref<!tpu.dma_semaphore, #tpu.memory_space<semaphore_mem>>) {add = true}
      %add3A_174 = arith.constant 2 : i32
      %add3A_175 = arith.addi %mul3A_122, %add3A_174 : i32
      %dma_wait3A_176 = arith.constant 2 : i32
      %dma_wait3A_177 = arith.constant 0 : i32
      %dma_wait3A_178 = arith.constant 0 : i32
      %dma_wait3A_179 = tpu.memref_slice %arg9[%dma_wait3A_176, %dma_wait3A_177, %dma_wait3A_178] : memref<8x125x64xf32, #tpu.memory_space<vmem>> -> memref<1x125x64xf32, #tpu.memory_space<vmem>>
      %dma_wait3A_180 = tpu.memref_squeeze %dma_wait3A_179 : memref<1x125x64xf32, #tpu.memory_space<vmem>> -> memref<125x64xf32, #tpu.memory_space<vmem>>
      %dma_wait3A_181 = arith.constant 0 : i32
      %dma_wait3A_182 = tpu.memref_slice %arg7[%add3A_175, %dma_wait3A_181] : memref<80x125xi32, #tpu.memory_space<vmem>> -> memref<1x125xi32, #tpu.memory_space<vmem>>
      %dma_wait3A_183 = tpu.memref_squeeze %dma_wait3A_182 : memref<1x125xi32, #tpu.memory_space<vmem>> -> memref<125xi32, #tpu.memory_space<vmem>>
      %dma_wait3A_184 = arith.constant 0 : i32
      %dma_wait3A_185 = arith.constant 0 : i32
      %dma_wait3A_186 = tpu.memref_slice %arg4[%dma_wait3A_184, %dma_wait3A_185] : memref<10000x64xf32, #tpu.memory_space<hbm>> -> memref<10000x64xf32, #tpu.memory_space<hbm>>
      tpu.wait_indirect_dma semaphore(%arg11 : memref<!tpu.dma_semaphore, #tpu.memory_space<semaphore_mem>>) src(%dma_wait3A_186 : memref<10000x64xf32, #tpu.memory_space<hbm>>) dst(%dma_wait3A_180 : memref<125x64xf32, #tpu.memory_space<vmem>>)
      %add3A_187 = arith.constant 2 : i32
      %add3A_188 = arith.addi %mul3A_122, %add3A_187 : i32
      %dma_start3A_189 = arith.constant 2 : i32
      %dma_start3A_190 = arith.constant 0 : i32
      %dma_start3A_191 = arith.constant 0 : i32
      %dma_start3A_192 = tpu.memref_slice %arg9[%dma_start3A_189, %dma_start3A_190, %dma_start3A_191] : memref<8x125x64xf32, #tpu.memory_space<vmem>> -> memref<1x125x64xf32, #tpu.memory_space<vmem>>
      %dma_start3A_193 = tpu.memref_squeeze %dma_start3A_192 : memref<1x125x64xf32, #tpu.memory_space<vmem>> -> memref<125x64xf32, #tpu.memory_space<vmem>>
      %dma_start3A_194 = arith.constant 0 : i32
      %dma_start3A_195 = tpu.memref_slice %arg8[%add3A_188, %dma_start3A_194] : memref<80x125xi32, #tpu.memory_space<vmem>> -> memref<1x125xi32, #tpu.memory_space<vmem>>
      %dma_start3A_196 = tpu.memref_squeeze %dma_start3A_195 : memref<1x125xi32, #tpu.memory_space<vmem>> -> memref<125xi32, #tpu.memory_space<vmem>>
      %dma_start3A_197 = arith.constant 0 : i32
      %dma_start3A_198 = arith.constant 0 : i32
      %dma_start3A_199 = tpu.memref_slice %arg10[%dma_start3A_197, %dma_start3A_198] : memref<10000x64xf32, #tpu.memory_space<vmem_shared>> -> memref<10000x64xf32, #tpu.memory_space<vmem_shared>>
      tpu.enqueue_indirect_dma source(%dma_start3A_193 : memref<125x64xf32, #tpu.memory_space<vmem>>) target(%dma_start3A_199 : memref<10000x64xf32, #tpu.memory_space<vmem_shared>>) offsets(%dma_start3A_196 : memref<125xi32, #tpu.memory_space<vmem>>) semaphore(%arg12 : memref<!tpu.dma_semaphore, #tpu.memory_space<semaphore_mem>>) {add = true}
      %add3A_200 = arith.constant 3 : i32
      %add3A_201 = arith.addi %mul3A_122, %add3A_200 : i32
      %dma_wait3A_202 = arith.constant 3 : i32
      %dma_wait3A_203 = arith.constant 0 : i32
      %dma_wait3A_204 = arith.constant 0 : i32
      %dma_wait3A_205 = tpu.memref_slice %arg9[%dma_wait3A_202, %dma_wait3A_203, %dma_wait3A_204] : memref<8x125x64xf32, #tpu.memory_space<vmem>> -> memref<1x125x64xf32, #tpu.memory_space<vmem>>
      %dma_wait3A_206 = tpu.memref_squeeze %dma_wait3A_205 : memref<1x125x64xf32, #tpu.memory_space<vmem>> -> memref<125x64xf32, #tpu.memory_space<vmem>>
      %dma_wait3A_207 = arith.constant 0 : i32
      %dma_wait3A_208 = tpu.memref_slice %arg7[%add3A_201, %dma_wait3A_207] : memref<80x125xi32, #tpu.memory_space<vmem>> -> memref<1x125xi32, #tpu.memory_space<vmem>>
      %dma_wait3A_209 = tpu.memref_squeeze %dma_wait3A_208 : memref<1x125xi32, #tpu.memory_space<vmem>> -> memref<125xi32, #tpu.memory_space<vmem>>
      %dma_wait3A_210 = arith.constant 0 : i32
      %dma_wait3A_211 = arith.constant 0 : i32
      %dma_wait3A_212 = tpu.memref_slice %arg4[%dma_wait3A_210, %dma_wait3A_211] : memref<10000x64xf32, #tpu.memory_space<hbm>> -> memref<10000x64xf32, #tpu.memory_space<hbm>>
      tpu.wait_indirect_dma semaphore(%arg11 : memref<!tpu.dma_semaphore, #tpu.memory_space<semaphore_mem>>) src(%dma_wait3A_212 : memref<10000x64xf32, #tpu.memory_space<hbm>>) dst(%dma_wait3A_206 : memref<125x64xf32, #tpu.memory_space<vmem>>)
      %add3A_213 = arith.constant 3 : i32
      %add3A_214 = arith.addi %mul3A_122, %add3A_213 : i32
      %dma_start3A_215 = arith.constant 3 : i32
      %dma_start3A_216 = arith.constant 0 : i32
      %dma_start3A_217 = arith.constant 0 : i32
      %dma_start3A_218 = tpu.memref_slice %arg9[%dma_start3A_215, %dma_start3A_216, %dma_start3A_217] : memref<8x125x64xf32, #tpu.memory_space<vmem>> -> memref<1x125x64xf32, #tpu.memory_space<vmem>>
      %dma_start3A_219 = tpu.memref_squeeze %dma_start3A_218 : memref<1x125x64xf32, #tpu.memory_space<vmem>> -> memref<125x64xf32, #tpu.memory_space<vmem>>
      %dma_start3A_220 = arith.constant 0 : i32
      %dma_start3A_221 = tpu.memref_slice %arg8[%add3A_214, %dma_start3A_220] : memref<80x125xi32, #tpu.memory_space<vmem>> -> memref<1x125xi32, #tpu.memory_space<vmem>>
      %dma_start3A_222 = tpu.memref_squeeze %dma_start3A_221 : memref<1x125xi32, #tpu.memory_space<vmem>> -> memref<125xi32, #tpu.memory_space<vmem>>
      %dma_start3A_223 = arith.constant 0 : i32
      %dma_start3A_224 = arith.constant 0 : i32
      %dma_start3A_225 = tpu.memref_slice %arg10[%dma_start3A_223, %dma_start3A_224] : memref<10000x64xf32, #tpu.memory_space<vmem_shared>> -> memref<10000x64xf32, #tpu.memory_space<vmem_shared>>
      tpu.enqueue_indirect_dma source(%dma_start3A_219 : memref<125x64xf32, #tpu.memory_space<vmem>>) target(%dma_start3A_225 : memref<10000x64xf32, #tpu.memory_space<vmem_shared>>) offsets(%dma_start3A_222 : memref<125xi32, #tpu.memory_space<vmem>>) semaphore(%arg12 : memref<!tpu.dma_semaphore, #tpu.memory_space<semaphore_mem>>) {add = true}
      %add3A_226 = arith.constant 4 : i32
      %add3A_227 = arith.addi %mul3A_122, %add3A_226 : i32
      %dma_wait3A_228 = arith.constant 4 : i32
      %dma_wait3A_229 = arith.constant 0 : i32
      %dma_wait3A_230 = arith.constant 0 : i32
      %dma_wait3A_231 = tpu.memref_slice %arg9[%dma_wait3A_228, %dma_wait3A_229, %dma_wait3A_230] : memref<8x125x64xf32, #tpu.memory_space<vmem>> -> memref<1x125x64xf32, #tpu.memory_space<vmem>>
      %dma_wait3A_232 = tpu.memref_squeeze %dma_wait3A_231 : memref<1x125x64xf32, #tpu.memory_space<vmem>> -> memref<125x64xf32, #tpu.memory_space<vmem>>
      %dma_wait3A_233 = arith.constant 0 : i32
      %dma_wait3A_234 = tpu.memref_slice %arg7[%add3A_227, %dma_wait3A_233] : memref<80x125xi32, #tpu.memory_space<vmem>> -> memref<1x125xi32, #tpu.memory_space<vmem>>
      %dma_wait3A_235 = tpu.memref_squeeze %dma_wait3A_234 : memref<1x125xi32, #tpu.memory_space<vmem>> -> memref<125xi32, #tpu.memory_space<vmem>>
      %dma_wait3A_236 = arith.constant 0 : i32
      %dma_wait3A_237 = arith.constant 0 : i32
      %dma_wait3A_238 = tpu.memref_slice %arg4[%dma_wait3A_236, %dma_wait3A_237] : memref<10000x64xf32, #tpu.memory_space<hbm>> -> memref<10000x64xf32, #tpu.memory_space<hbm>>
      tpu.wait_indirect_dma semaphore(%arg11 : memref<!tpu.dma_semaphore, #tpu.memory_space<semaphore_mem>>) src(%dma_wait3A_238 : memref<10000x64xf32, #tpu.memory_space<hbm>>) dst(%dma_wait3A_232 : memref<125x64xf32, #tpu.memory_space<vmem>>)
      %add3A_239 = arith.constant 4 : i32
      %add3A_240 = arith.addi %mul3A_122, %add3A_239 : i32
      %dma_start3A_241 = arith.constant 4 : i32
      %dma_start3A_242 = arith.constant 0 : i32
      %dma_start3A_243 = arith.constant 0 : i32
      %dma_start3A_244 = tpu.memref_slice %arg9[%dma_start3A_241, %dma_start3A_242, %dma_start3A_243] : memref<8x125x64xf32, #tpu.memory_space<vmem>> -> memref<1x125x64xf32, #tpu.memory_space<vmem>>
      %dma_start3A_245 = tpu.memref_squeeze %dma_start3A_244 : memref<1x125x64xf32, #tpu.memory_space<vmem>> -> memref<125x64xf32, #tpu.memory_space<vmem>>
      %dma_start3A_246 = arith.constant 0 : i32
      %dma_start3A_247 = tpu.memref_slice %arg8[%add3A_240, %dma_start3A_246] : memref<80x125xi32, #tpu.memory_space<vmem>> -> memref<1x125xi32, #tpu.memory_space<vmem>>
      %dma_start3A_248 = tpu.memref_squeeze %dma_start3A_247 : memref<1x125xi32, #tpu.memory_space<vmem>> -> memref<125xi32, #tpu.memory_space<vmem>>
      %dma_start3A_249 = arith.constant 0 : i32
      %dma_start3A_250 = arith.constant 0 : i32
      %dma_start3A_251 = tpu.memref_slice %arg10[%dma_start3A_249, %dma_start3A_250] : memref<10000x64xf32, #tpu.memory_space<vmem_shared>> -> memref<10000x64xf32, #tpu.memory_space<vmem_shared>>
      tpu.enqueue_indirect_dma source(%dma_start3A_245 : memref<125x64xf32, #tpu.memory_space<vmem>>) target(%dma_start3A_251 : memref<10000x64xf32, #tpu.memory_space<vmem_shared>>) offsets(%dma_start3A_248 : memref<125xi32, #tpu.memory_space<vmem>>) semaphore(%arg12 : memref<!tpu.dma_semaphore, #tpu.memory_space<semaphore_mem>>) {add = true}
      %add3A_252 = arith.constant 5 : i32
      %add3A_253 = arith.addi %mul3A_122, %add3A_252 : i32
      %dma_wait3A_254 = arith.constant 5 : i32
      %dma_wait3A_255 = arith.constant 0 : i32
      %dma_wait3A_256 = arith.constant 0 : i32
      %dma_wait3A_257 = tpu.memref_slice %arg9[%dma_wait3A_254, %dma_wait3A_255, %dma_wait3A_256] : memref<8x125x64xf32, #tpu.memory_space<vmem>> -> memref<1x125x64xf32, #tpu.memory_space<vmem>>
      %dma_wait3A_258 = tpu.memref_squeeze %dma_wait3A_257 : memref<1x125x64xf32, #tpu.memory_space<vmem>> -> memref<125x64xf32, #tpu.memory_space<vmem>>
      %dma_wait3A_259 = arith.constant 0 : i32
      %dma_wait3A_260 = tpu.memref_slice %arg7[%add3A_253, %dma_wait3A_259] : memref<80x125xi32, #tpu.memory_space<vmem>> -> memref<1x125xi32, #tpu.memory_space<vmem>>
      %dma_wait3A_261 = tpu.memref_squeeze %dma_wait3A_260 : memref<1x125xi32, #tpu.memory_space<vmem>> -> memref<125xi32, #tpu.memory_space<vmem>>
      %dma_wait3A_262 = arith.constant 0 : i32
      %dma_wait3A_263 = arith.constant 0 : i32
      %dma_wait3A_264 = tpu.memref_slice %arg4[%dma_wait3A_262, %dma_wait3A_263] : memref<10000x64xf32, #tpu.memory_space<hbm>> -> memref<10000x64xf32, #tpu.memory_space<hbm>>
      tpu.wait_indirect_dma semaphore(%arg11 : memref<!tpu.dma_semaphore, #tpu.memory_space<semaphore_mem>>) src(%dma_wait3A_264 : memref<10000x64xf32, #tpu.memory_space<hbm>>) dst(%dma_wait3A_258 : memref<125x64xf32, #tpu.memory_space<vmem>>)
      %add3A_265 = arith.constant 5 : i32
      %add3A_266 = arith.addi %mul3A_122, %add3A_265 : i32
      %dma_start3A_267 = arith.constant 5 : i32
      %dma_start3A_268 = arith.constant 0 : i32
      %dma_start3A_269 = arith.constant 0 : i32
      %dma_start3A_270 = tpu.memref_slice %arg9[%dma_start3A_267, %dma_start3A_268, %dma_start3A_269] : memref<8x125x64xf32, #tpu.memory_space<vmem>> -> memref<1x125x64xf32, #tpu.memory_space<vmem>>
      %dma_start3A_271 = tpu.memref_squeeze %dma_start3A_270 : memref<1x125x64xf32, #tpu.memory_space<vmem>> -> memref<125x64xf32, #tpu.memory_space<vmem>>
      %dma_start3A_272 = arith.constant 0 : i32
      %dma_start3A_273 = tpu.memref_slice %arg8[%add3A_266, %dma_start3A_272] : memref<80x125xi32, #tpu.memory_space<vmem>> -> memref<1x125xi32, #tpu.memory_space<vmem>>
      %dma_start3A_274 = tpu.memref_squeeze %dma_start3A_273 : memref<1x125xi32, #tpu.memory_space<vmem>> -> memref<125xi32, #tpu.memory_space<vmem>>
      %dma_start3A_275 = arith.constant 0 : i32
      %dma_start3A_276 = arith.constant 0 : i32
      %dma_start3A_277 = tpu.memref_slice %arg10[%dma_start3A_275, %dma_start3A_276] : memref<10000x64xf32, #tpu.memory_space<vmem_shared>> -> memref<10000x64xf32, #tpu.memory_space<vmem_shared>>
      tpu.enqueue_indirect_dma source(%dma_start3A_271 : memref<125x64xf32, #tpu.memory_space<vmem>>) target(%dma_start3A_277 : memref<10000x64xf32, #tpu.memory_space<vmem_shared>>) offsets(%dma_start3A_274 : memref<125xi32, #tpu.memory_space<vmem>>) semaphore(%arg12 : memref<!tpu.dma_semaphore, #tpu.memory_space<semaphore_mem>>) {add = true}
      %add3A_278 = arith.constant 6 : i32
      %add3A_279 = arith.addi %mul3A_122, %add3A_278 : i32
      %dma_wait3A_280 = arith.constant 6 : i32
      %dma_wait3A_281 = arith.constant 0 : i32
      %dma_wait3A_282 = arith.constant 0 : i32
      %dma_wait3A_283 = tpu.memref_slice %arg9[%dma_wait3A_280, %dma_wait3A_281, %dma_wait3A_282] : memref<8x125x64xf32, #tpu.memory_space<vmem>> -> memref<1x125x64xf32, #tpu.memory_space<vmem>>
      %dma_wait3A_284 = tpu.memref_squeeze %dma_wait3A_283 : memref<1x125x64xf32, #tpu.memory_space<vmem>> -> memref<125x64xf32, #tpu.memory_space<vmem>>
      %dma_wait3A_285 = arith.constant 0 : i32
      %dma_wait3A_286 = tpu.memref_slice %arg7[%add3A_279, %dma_wait3A_285] : memref<80x125xi32, #tpu.memory_space<vmem>> -> memref<1x125xi32, #tpu.memory_space<vmem>>
      %dma_wait3A_287 = tpu.memref_squeeze %dma_wait3A_286 : memref<1x125xi32, #tpu.memory_space<vmem>> -> memref<125xi32, #tpu.memory_space<vmem>>
      %dma_wait3A_288 = arith.constant 0 : i32
      %dma_wait3A_289 = arith.constant 0 : i32
      %dma_wait3A_290 = tpu.memref_slice %arg4[%dma_wait3A_288, %dma_wait3A_289] : memref<10000x64xf32, #tpu.memory_space<hbm>> -> memref<10000x64xf32, #tpu.memory_space<hbm>>
      tpu.wait_indirect_dma semaphore(%arg11 : memref<!tpu.dma_semaphore, #tpu.memory_space<semaphore_mem>>) src(%dma_wait3A_290 : memref<10000x64xf32, #tpu.memory_space<hbm>>) dst(%dma_wait3A_284 : memref<125x64xf32, #tpu.memory_space<vmem>>)
      %add3A_291 = arith.constant 6 : i32
      %add3A_292 = arith.addi %mul3A_122, %add3A_291 : i32
      %dma_start3A_293 = arith.constant 6 : i32
      %dma_start3A_294 = arith.constant 0 : i32
      %dma_start3A_295 = arith.constant 0 : i32
      %dma_start3A_296 = tpu.memref_slice %arg9[%dma_start3A_293, %dma_start3A_294, %dma_start3A_295] : memref<8x125x64xf32, #tpu.memory_space<vmem>> -> memref<1x125x64xf32, #tpu.memory_space<vmem>>
      %dma_start3A_297 = tpu.memref_squeeze %dma_start3A_296 : memref<1x125x64xf32, #tpu.memory_space<vmem>> -> memref<125x64xf32, #tpu.memory_space<vmem>>
      %dma_start3A_298 = arith.constant 0 : i32
      %dma_start3A_299 = tpu.memref_slice %arg8[%add3A_292, %dma_start3A_298] : memref<80x125xi32, #tpu.memory_space<vmem>> -> memref<1x125xi32, #tpu.memory_space<vmem>>
      %dma_start3A_300 = tpu.memref_squeeze %dma_start3A_299 : memref<1x125xi32, #tpu.memory_space<vmem>> -> memref<125xi32, #tpu.memory_space<vmem>>
      %dma_start3A_301 = arith.constant 0 : i32
      %dma_start3A_302 = arith.constant 0 : i32
      %dma_start3A_303 = tpu.memref_slice %arg10[%dma_start3A_301, %dma_start3A_302] : memref<10000x64xf32, #tpu.memory_space<vmem_shared>> -> memref<10000x64xf32, #tpu.memory_space<vmem_shared>>
      tpu.enqueue_indirect_dma source(%dma_start3A_297 : memref<125x64xf32, #tpu.memory_space<vmem>>) target(%dma_start3A_303 : memref<10000x64xf32, #tpu.memory_space<vmem_shared>>) offsets(%dma_start3A_300 : memref<125xi32, #tpu.memory_space<vmem>>) semaphore(%arg12 : memref<!tpu.dma_semaphore, #tpu.memory_space<semaphore_mem>>) {add = true}
      %add3A_304 = arith.constant 7 : i32
      %add3A_305 = arith.addi %mul3A_122, %add3A_304 : i32
      %dma_wait3A_306 = arith.constant 7 : i32
      %dma_wait3A_307 = arith.constant 0 : i32
      %dma_wait3A_308 = arith.constant 0 : i32
      %dma_wait3A_309 = tpu.memref_slice %arg9[%dma_wait3A_306, %dma_wait3A_307, %dma_wait3A_308] : memref<8x125x64xf32, #tpu.memory_space<vmem>> -> memref<1x125x64xf32, #tpu.memory_space<vmem>>
      %dma_wait3A_310 = tpu.memref_squeeze %dma_wait3A_309 : memref<1x125x64xf32, #tpu.memory_space<vmem>> -> memref<125x64xf32, #tpu.memory_space<vmem>>
      %dma_wait3A_311 = arith.constant 0 : i32
      %dma_wait3A_312 = tpu.memref_slice %arg7[%add3A_305, %dma_wait3A_311] : memref<80x125xi32, #tpu.memory_space<vmem>> -> memref<1x125xi32, #tpu.memory_space<vmem>>
      %dma_wait3A_313 = tpu.memref_squeeze %dma_wait3A_312 : memref<1x125xi32, #tpu.memory_space<vmem>> -> memref<125xi32, #tpu.memory_space<vmem>>
      %dma_wait3A_314 = arith.constant 0 : i32
      %dma_wait3A_315 = arith.constant 0 : i32
      %dma_wait3A_316 = tpu.memref_slice %arg4[%dma_wait3A_314, %dma_wait3A_315] : memref<10000x64xf32, #tpu.memory_space<hbm>> -> memref<10000x64xf32, #tpu.memory_space<hbm>>
      tpu.wait_indirect_dma semaphore(%arg11 : memref<!tpu.dma_semaphore, #tpu.memory_space<semaphore_mem>>) src(%dma_wait3A_316 : memref<10000x64xf32, #tpu.memory_space<hbm>>) dst(%dma_wait3A_310 : memref<125x64xf32, #tpu.memory_space<vmem>>)
      %add3A_317 = arith.constant 7 : i32
      %add3A_318 = arith.addi %mul3A_122, %add3A_317 : i32
      %dma_start3A_319 = arith.constant 7 : i32
      %dma_start3A_320 = arith.constant 0 : i32
      %dma_start3A_321 = arith.constant 0 : i32
      %dma_start3A_322 = tpu.memref_slice %arg9[%dma_start3A_319, %dma_start3A_320, %dma_start3A_321] : memref<8x125x64xf32, #tpu.memory_space<vmem>> -> memref<1x125x64xf32, #tpu.memory_space<vmem>>
      %dma_start3A_323 = tpu.memref_squeeze %dma_start3A_322 : memref<1x125x64xf32, #tpu.memory_space<vmem>> -> memref<125x64xf32, #tpu.memory_space<vmem>>
      %dma_start3A_324 = arith.constant 0 : i32
      %dma_start3A_325 = tpu.memref_slice %arg8[%add3A_318, %dma_start3A_324] : memref<80x125xi32, #tpu.memory_space<vmem>> -> memref<1x125xi32, #tpu.memory_space<vmem>>
      %dma_start3A_326 = tpu.memref_squeeze %dma_start3A_325 : memref<1x125xi32, #tpu.memory_space<vmem>> -> memref<125xi32, #tpu.memory_space<vmem>>
      %dma_start3A_327 = arith.constant 0 : i32
      %dma_start3A_328 = arith.constant 0 : i32
      %dma_start3A_329 = tpu.memref_slice %arg10[%dma_start3A_327, %dma_start3A_328] : memref<10000x64xf32, #tpu.memory_space<vmem_shared>> -> memref<10000x64xf32, #tpu.memory_space<vmem_shared>>
      tpu.enqueue_indirect_dma source(%dma_start3A_323 : memref<125x64xf32, #tpu.memory_space<vmem>>) target(%dma_start3A_329 : memref<10000x64xf32, #tpu.memory_space<vmem_shared>>) offsets(%dma_start3A_326 : memref<125xi32, #tpu.memory_space<vmem>>) semaphore(%arg12 : memref<!tpu.dma_semaphore, #tpu.memory_space<semaphore_mem>>) {add = true}
      %add3A_330 = arith.constant 0 : i32
      %add3A_331 = arith.addi %mul3A_122, %add3A_330 : i32
      %dma_wait3A_332 = arith.constant 0 : i32
      %dma_wait3A_333 = arith.constant 0 : i32
      %dma_wait3A_334 = arith.constant 0 : i32
      %dma_wait3A_335 = tpu.memref_slice %arg9[%dma_wait3A_332, %dma_wait3A_333, %dma_wait3A_334] : memref<8x125x64xf32, #tpu.memory_space<vmem>> -> memref<1x125x64xf32, #tpu.memory_space<vmem>>
      %dma_wait3A_336 = tpu.memref_squeeze %dma_wait3A_335 : memref<1x125x64xf32, #tpu.memory_space<vmem>> -> memref<125x64xf32, #tpu.memory_space<vmem>>
      %dma_wait3A_337 = arith.constant 0 : i32
      %dma_wait3A_338 = tpu.memref_slice %arg8[%add3A_331, %dma_wait3A_337] : memref<80x125xi32, #tpu.memory_space<vmem>> -> memref<1x125xi32, #tpu.memory_space<vmem>>
      %dma_wait3A_339 = tpu.memref_squeeze %dma_wait3A_338 : memref<1x125xi32, #tpu.memory_space<vmem>> -> memref<125xi32, #tpu.memory_space<vmem>>
      %dma_wait3A_340 = arith.constant 0 : i32
      %dma_wait3A_341 = arith.constant 0 : i32
      %dma_wait3A_342 = tpu.memref_slice %arg10[%dma_wait3A_340, %dma_wait3A_341] : memref<10000x64xf32, #tpu.memory_space<vmem_shared>> -> memref<10000x64xf32, #tpu.memory_space<vmem_shared>>
      tpu.wait_indirect_dma semaphore(%arg12 : memref<!tpu.dma_semaphore, #tpu.memory_space<semaphore_mem>>) src(%dma_wait3A_336 : memref<125x64xf32, #tpu.memory_space<vmem>>) dst(%dma_wait3A_342 : memref<10000x64xf32, #tpu.memory_space<vmem_shared>>)
      %add3A_343 = arith.constant 1 : i32
      %add3A_344 = arith.addi %scan3A_120, %add3A_343 : i32
      %lt3A_345 = arith.constant 10 : i32
      %lt3A_346 = arith.cmpi slt, %add3A_344, %lt3A_345 : i32
      %convert_element_type3A_347 = arith.extui %lt3A_346 : i1 to i32
      %cond3A_348 = arith.constant 0 : i32
      %cond3A_349 = arith.cmpi ne, %convert_element_type3A_347, %cond3A_348 : i32
      scf.if %cond3A_349 {
        %add3A_490 = arith.constant 8 : i32
        %add3A_491 = arith.addi %mul3A_122, %add3A_490 : i32
        %add3A_492 = arith.constant 0 : i32
        %add3A_493 = arith.addi %add3A_491, %add3A_492 : i32
        %dma_start3A_494 = arith.constant 0 : i32
        %dma_start3A_495 = arith.constant 0 : i32
        %dma_start3A_496 = arith.constant 0 : i32
        %dma_start3A_497 = tpu.memref_slice %arg9[%dma_start3A_494, %dma_start3A_495, %dma_start3A_496] : memref<8x125x64xf32, #tpu.memory_space<vmem>> -> memref<1x125x64xf32, #tpu.memory_space<vmem>>
        %dma_start3A_498 = tpu.memref_squeeze %dma_start3A_497 : memref<1x125x64xf32, #tpu.memory_space<vmem>> -> memref<125x64xf32, #tpu.memory_space<vmem>>
        %dma_start3A_499 = arith.constant 0 : i32
        %dma_start3A_500 = tpu.memref_slice %arg7[%add3A_493, %dma_start3A_499] : memref<80x125xi32, #tpu.memory_space<vmem>> -> memref<1x125xi32, #tpu.memory_space<vmem>>
        %dma_start3A_501 = tpu.memref_squeeze %dma_start3A_500 : memref<1x125xi32, #tpu.memory_space<vmem>> -> memref<125xi32, #tpu.memory_space<vmem>>
        %dma_start3A_502 = arith.constant 0 : i32
        %dma_start3A_503 = arith.constant 0 : i32
        %dma_start3A_504 = tpu.memref_slice %arg4[%dma_start3A_502, %dma_start3A_503] : memref<10000x64xf32, #tpu.memory_space<hbm>> -> memref<10000x64xf32, #tpu.memory_space<hbm>>
        tpu.enqueue_indirect_dma source(%dma_start3A_504 : memref<10000x64xf32, #tpu.memory_space<hbm>>) target(%dma_start3A_498 : memref<125x64xf32, #tpu.memory_space<vmem>>) offsets(%dma_start3A_501 : memref<125xi32, #tpu.memory_space<vmem>>) semaphore(%arg11 : memref<!tpu.dma_semaphore, #tpu.memory_space<semaphore_mem>>)
      } else {
      }
      %add3A_350 = arith.constant 1 : i32
      %add3A_351 = arith.addi %mul3A_122, %add3A_350 : i32
      %dma_wait3A_352 = arith.constant 1 : i32
      %dma_wait3A_353 = arith.constant 0 : i32
      %dma_wait3A_354 = arith.constant 0 : i32
      %dma_wait3A_355 = tpu.memref_slice %arg9[%dma_wait3A_352, %dma_wait3A_353, %dma_wait3A_354] : memref<8x125x64xf32, #tpu.memory_space<vmem>> -> memref<1x125x64xf32, #tpu.memory_space<vmem>>
      %dma_wait3A_356 = tpu.memref_squeeze %dma_wait3A_355 : memref<1x125x64xf32, #tpu.memory_space<vmem>> -> memref<125x64xf32, #tpu.memory_space<vmem>>
      %dma_wait3A_357 = arith.constant 0 : i32
      %dma_wait3A_358 = tpu.memref_slice %arg8[%add3A_351, %dma_wait3A_357] : memref<80x125xi32, #tpu.memory_space<vmem>> -> memref<1x125xi32, #tpu.memory_space<vmem>>
      %dma_wait3A_359 = tpu.memref_squeeze %dma_wait3A_358 : memref<1x125xi32, #tpu.memory_space<vmem>> -> memref<125xi32, #tpu.memory_space<vmem>>
      %dma_wait3A_360 = arith.constant 0 : i32
      %dma_wait3A_361 = arith.constant 0 : i32
      %dma_wait3A_362 = tpu.memref_slice %arg10[%dma_wait3A_360, %dma_wait3A_361] : memref<10000x64xf32, #tpu.memory_space<vmem_shared>> -> memref<10000x64xf32, #tpu.memory_space<vmem_shared>>
      tpu.wait_indirect_dma semaphore(%arg12 : memref<!tpu.dma_semaphore, #tpu.memory_space<semaphore_mem>>) src(%dma_wait3A_356 : memref<125x64xf32, #tpu.memory_space<vmem>>) dst(%dma_wait3A_362 : memref<10000x64xf32, #tpu.memory_space<vmem_shared>>)
      %add3A_363 = arith.constant 1 : i32
      %add3A_364 = arith.addi %scan3A_120, %add3A_363 : i32
      %lt3A_365 = arith.constant 10 : i32
      %lt3A_366 = arith.cmpi slt, %add3A_364, %lt3A_365 : i32
      %convert_element_type3A_367 = arith.extui %lt3A_366 : i1 to i32
      %cond3A_368 = arith.constant 0 : i32
      %cond3A_369 = arith.cmpi ne, %convert_element_type3A_367, %cond3A_368 : i32
      scf.if %cond3A_369 {
        %add3A_490 = arith.constant 8 : i32
        %add3A_491 = arith.addi %mul3A_122, %add3A_490 : i32
        %add3A_492 = arith.constant 1 : i32
        %add3A_493 = arith.addi %add3A_491, %add3A_492 : i32
        %dma_start3A_494 = arith.constant 1 : i32
        %dma_start3A_495 = arith.constant 0 : i32
        %dma_start3A_496 = arith.constant 0 : i32
        %dma_start3A_497 = tpu.memref_slice %arg9[%dma_start3A_494, %dma_start3A_495, %dma_start3A_496] : memref<8x125x64xf32, #tpu.memory_space<vmem>> -> memref<1x125x64xf32, #tpu.memory_space<vmem>>
        %dma_start3A_498 = tpu.memref_squeeze %dma_start3A_497 : memref<1x125x64xf32, #tpu.memory_space<vmem>> -> memref<125x64xf32, #tpu.memory_space<vmem>>
        %dma_start3A_499 = arith.constant 0 : i32
        %dma_start3A_500 = tpu.memref_slice %arg7[%add3A_493, %dma_start3A_499] : memref<80x125xi32, #tpu.memory_space<vmem>> -> memref<1x125xi32, #tpu.memory_space<vmem>>
        %dma_start3A_501 = tpu.memref_squeeze %dma_start3A_500 : memref<1x125xi32, #tpu.memory_space<vmem>> -> memref<125xi32, #tpu.memory_space<vmem>>
        %dma_start3A_502 = arith.constant 0 : i32
        %dma_start3A_503 = arith.constant 0 : i32
        %dma_start3A_504 = tpu.memref_slice %arg4[%dma_start3A_502, %dma_start3A_503] : memref<10000x64xf32, #tpu.memory_space<hbm>> -> memref<10000x64xf32, #tpu.memory_space<hbm>>
        tpu.enqueue_indirect_dma source(%dma_start3A_504 : memref<10000x64xf32, #tpu.memory_space<hbm>>) target(%dma_start3A_498 : memref<125x64xf32, #tpu.memory_space<vmem>>) offsets(%dma_start3A_501 : memref<125xi32, #tpu.memory_space<vmem>>) semaphore(%arg11 : memref<!tpu.dma_semaphore, #tpu.memory_space<semaphore_mem>>)
      } else {
      }
      %add3A_370 = arith.constant 2 : i32
      %add3A_371 = arith.addi %mul3A_122, %add3A_370 : i32
      %dma_wait3A_372 = arith.constant 2 : i32
      %dma_wait3A_373 = arith.constant 0 : i32
      %dma_wait3A_374 = arith.constant 0 : i32
      %dma_wait3A_375 = tpu.memref_slice %arg9[%dma_wait3A_372, %dma_wait3A_373, %dma_wait3A_374] : memref<8x125x64xf32, #tpu.memory_space<vmem>> -> memref<1x125x64xf32, #tpu.memory_space<vmem>>
      %dma_wait3A_376 = tpu.memref_squeeze %dma_wait3A_375 : memref<1x125x64xf32, #tpu.memory_space<vmem>> -> memref<125x64xf32, #tpu.memory_space<vmem>>
      %dma_wait3A_377 = arith.constant 0 : i32
      %dma_wait3A_378 = tpu.memref_slice %arg8[%add3A_371, %dma_wait3A_377] : memref<80x125xi32, #tpu.memory_space<vmem>> -> memref<1x125xi32, #tpu.memory_space<vmem>>
      %dma_wait3A_379 = tpu.memref_squeeze %dma_wait3A_378 : memref<1x125xi32, #tpu.memory_space<vmem>> -> memref<125xi32, #tpu.memory_space<vmem>>
      %dma_wait3A_380 = arith.constant 0 : i32
      %dma_wait3A_381 = arith.constant 0 : i32
      %dma_wait3A_382 = tpu.memref_slice %arg10[%dma_wait3A_380, %dma_wait3A_381] : memref<10000x64xf32, #tpu.memory_space<vmem_shared>> -> memref<10000x64xf32, #tpu.memory_space<vmem_shared>>
      tpu.wait_indirect_dma semaphore(%arg12 : memref<!tpu.dma_semaphore, #tpu.memory_space<semaphore_mem>>) src(%dma_wait3A_376 : memref<125x64xf32, #tpu.memory_space<vmem>>) dst(%dma_wait3A_382 : memref<10000x64xf32, #tpu.memory_space<vmem_shared>>)
      %add3A_383 = arith.constant 1 : i32
      %add3A_384 = arith.addi %scan3A_120, %add3A_383 : i32
      %lt3A_385 = arith.constant 10 : i32
      %lt3A_386 = arith.cmpi slt, %add3A_384, %lt3A_385 : i32
      %convert_element_type3A_387 = arith.extui %lt3A_386 : i1 to i32
      %cond3A_388 = arith.constant 0 : i32
      %cond3A_389 = arith.cmpi ne, %convert_element_type3A_387, %cond3A_388 : i32
      scf.if %cond3A_389 {
        %add3A_490 = arith.constant 8 : i32
        %add3A_491 = arith.addi %mul3A_122, %add3A_490 : i32
        %add3A_492 = arith.constant 2 : i32
        %add3A_493 = arith.addi %add3A_491, %add3A_492 : i32
        %dma_start3A_494 = arith.constant 2 : i32
        %dma_start3A_495 = arith.constant 0 : i32
        %dma_start3A_496 = arith.constant 0 : i32
        %dma_start3A_497 = tpu.memref_slice %arg9[%dma_start3A_494, %dma_start3A_495, %dma_start3A_496] : memref<8x125x64xf32, #tpu.memory_space<vmem>> -> memref<1x125x64xf32, #tpu.memory_space<vmem>>
        %dma_start3A_498 = tpu.memref_squeeze %dma_start3A_497 : memref<1x125x64xf32, #tpu.memory_space<vmem>> -> memref<125x64xf32, #tpu.memory_space<vmem>>
        %dma_start3A_499 = arith.constant 0 : i32
        %dma_start3A_500 = tpu.memref_slice %arg7[%add3A_493, %dma_start3A_499] : memref<80x125xi32, #tpu.memory_space<vmem>> -> memref<1x125xi32, #tpu.memory_space<vmem>>
        %dma_start3A_501 = tpu.memref_squeeze %dma_start3A_500 : memref<1x125xi32, #tpu.memory_space<vmem>> -> memref<125xi32, #tpu.memory_space<vmem>>
        %dma_start3A_502 = arith.constant 0 : i32
        %dma_start3A_503 = arith.constant 0 : i32
        %dma_start3A_504 = tpu.memref_slice %arg4[%dma_start3A_502, %dma_start3A_503] : memref<10000x64xf32, #tpu.memory_space<hbm>> -> memref<10000x64xf32, #tpu.memory_space<hbm>>
        tpu.enqueue_indirect_dma source(%dma_start3A_504 : memref<10000x64xf32, #tpu.memory_space<hbm>>) target(%dma_start3A_498 : memref<125x64xf32, #tpu.memory_space<vmem>>) offsets(%dma_start3A_501 : memref<125xi32, #tpu.memory_space<vmem>>) semaphore(%arg11 : memref<!tpu.dma_semaphore, #tpu.memory_space<semaphore_mem>>)
      } else {
      }
      %add3A_390 = arith.constant 3 : i32
      %add3A_391 = arith.addi %mul3A_122, %add3A_390 : i32
      %dma_wait3A_392 = arith.constant 3 : i32
      %dma_wait3A_393 = arith.constant 0 : i32
      %dma_wait3A_394 = arith.constant 0 : i32
      %dma_wait3A_395 = tpu.memref_slice %arg9[%dma_wait3A_392, %dma_wait3A_393, %dma_wait3A_394] : memref<8x125x64xf32, #tpu.memory_space<vmem>> -> memref<1x125x64xf32, #tpu.memory_space<vmem>>
      %dma_wait3A_396 = tpu.memref_squeeze %dma_wait3A_395 : memref<1x125x64xf32, #tpu.memory_space<vmem>> -> memref<125x64xf32, #tpu.memory_space<vmem>>
      %dma_wait3A_397 = arith.constant 0 : i32
      %dma_wait3A_398 = tpu.memref_slice %arg8[%add3A_391, %dma_wait3A_397] : memref<80x125xi32, #tpu.memory_space<vmem>> -> memref<1x125xi32, #tpu.memory_space<vmem>>
      %dma_wait3A_399 = tpu.memref_squeeze %dma_wait3A_398 : memref<1x125xi32, #tpu.memory_space<vmem>> -> memref<125xi32, #tpu.memory_space<vmem>>
      %dma_wait3A_400 = arith.constant 0 : i32
      %dma_wait3A_401 = arith.constant 0 : i32
      %dma_wait3A_402 = tpu.memref_slice %arg10[%dma_wait3A_400, %dma_wait3A_401] : memref<10000x64xf32, #tpu.memory_space<vmem_shared>> -> memref<10000x64xf32, #tpu.memory_space<vmem_shared>>
      tpu.wait_indirect_dma semaphore(%arg12 : memref<!tpu.dma_semaphore, #tpu.memory_space<semaphore_mem>>) src(%dma_wait3A_396 : memref<125x64xf32, #tpu.memory_space<vmem>>) dst(%dma_wait3A_402 : memref<10000x64xf32, #tpu.memory_space<vmem_shared>>)
      %add3A_403 = arith.constant 1 : i32
      %add3A_404 = arith.addi %scan3A_120, %add3A_403 : i32
      %lt3A_405 = arith.constant 10 : i32
      %lt3A_406 = arith.cmpi slt, %add3A_404, %lt3A_405 : i32
      %convert_element_type3A_407 = arith.extui %lt3A_406 : i1 to i32
      %cond3A_408 = arith.constant 0 : i32
      %cond3A_409 = arith.cmpi ne, %convert_element_type3A_407, %cond3A_408 : i32
      scf.if %cond3A_409 {
        %add3A_490 = arith.constant 8 : i32
        %add3A_491 = arith.addi %mul3A_122, %add3A_490 : i32
        %add3A_492 = arith.constant 3 : i32
        %add3A_493 = arith.addi %add3A_491, %add3A_492 : i32
        %dma_start3A_494 = arith.constant 3 : i32
        %dma_start3A_495 = arith.constant 0 : i32
        %dma_start3A_496 = arith.constant 0 : i32
        %dma_start3A_497 = tpu.memref_slice %arg9[%dma_start3A_494, %dma_start3A_495, %dma_start3A_496] : memref<8x125x64xf32, #tpu.memory_space<vmem>> -> memref<1x125x64xf32, #tpu.memory_space<vmem>>
        %dma_start3A_498 = tpu.memref_squeeze %dma_start3A_497 : memref<1x125x64xf32, #tpu.memory_space<vmem>> -> memref<125x64xf32, #tpu.memory_space<vmem>>
        %dma_start3A_499 = arith.constant 0 : i32
        %dma_start3A_500 = tpu.memref_slice %arg7[%add3A_493, %dma_start3A_499] : memref<80x125xi32, #tpu.memory_space<vmem>> -> memref<1x125xi32, #tpu.memory_space<vmem>>
        %dma_start3A_501 = tpu.memref_squeeze %dma_start3A_500 : memref<1x125xi32, #tpu.memory_space<vmem>> -> memref<125xi32, #tpu.memory_space<vmem>>
        %dma_start3A_502 = arith.constant 0 : i32
        %dma_start3A_503 = arith.constant 0 : i32
        %dma_start3A_504 = tpu.memref_slice %arg4[%dma_start3A_502, %dma_start3A_503] : memref<10000x64xf32, #tpu.memory_space<hbm>> -> memref<10000x64xf32, #tpu.memory_space<hbm>>
        tpu.enqueue_indirect_dma source(%dma_start3A_504 : memref<10000x64xf32, #tpu.memory_space<hbm>>) target(%dma_start3A_498 : memref<125x64xf32, #tpu.memory_space<vmem>>) offsets(%dma_start3A_501 : memref<125xi32, #tpu.memory_space<vmem>>) semaphore(%arg11 : memref<!tpu.dma_semaphore, #tpu.memory_space<semaphore_mem>>)
      } else {
      }
      %add3A_410 = arith.constant 4 : i32
      %add3A_411 = arith.addi %mul3A_122, %add3A_410 : i32
      %dma_wait3A_412 = arith.constant 4 : i32
      %dma_wait3A_413 = arith.constant 0 : i32
      %dma_wait3A_414 = arith.constant 0 : i32
      %dma_wait3A_415 = tpu.memref_slice %arg9[%dma_wait3A_412, %dma_wait3A_413, %dma_wait3A_414] : memref<8x125x64xf32, #tpu.memory_space<vmem>> -> memref<1x125x64xf32, #tpu.memory_space<vmem>>
      %dma_wait3A_416 = tpu.memref_squeeze %dma_wait3A_415 : memref<1x125x64xf32, #tpu.memory_space<vmem>> -> memref<125x64xf32, #tpu.memory_space<vmem>>
      %dma_wait3A_417 = arith.constant 0 : i32
      %dma_wait3A_418 = tpu.memref_slice %arg8[%add3A_411, %dma_wait3A_417] : memref<80x125xi32, #tpu.memory_space<vmem>> -> memref<1x125xi32, #tpu.memory_space<vmem>>
      %dma_wait3A_419 = tpu.memref_squeeze %dma_wait3A_418 : memref<1x125xi32, #tpu.memory_space<vmem>> -> memref<125xi32, #tpu.memory_space<vmem>>
      %dma_wait3A_420 = arith.constant 0 : i32
      %dma_wait3A_421 = arith.constant 0 : i32
      %dma_wait3A_422 = tpu.memref_slice %arg10[%dma_wait3A_420, %dma_wait3A_421] : memref<10000x64xf32, #tpu.memory_space<vmem_shared>> -> memref<10000x64xf32, #tpu.memory_space<vmem_shared>>
      tpu.wait_indirect_dma semaphore(%arg12 : memref<!tpu.dma_semaphore, #tpu.memory_space<semaphore_mem>>) src(%dma_wait3A_416 : memref<125x64xf32, #tpu.memory_space<vmem>>) dst(%dma_wait3A_422 : memref<10000x64xf32, #tpu.memory_space<vmem_shared>>)
      %add3A_423 = arith.constant 1 : i32
      %add3A_424 = arith.addi %scan3A_120, %add3A_423 : i32
      %lt3A_425 = arith.constant 10 : i32
      %lt3A_426 = arith.cmpi slt, %add3A_424, %lt3A_425 : i32
      %convert_element_type3A_427 = arith.extui %lt3A_426 : i1 to i32
      %cond3A_428 = arith.constant 0 : i32
      %cond3A_429 = arith.cmpi ne, %convert_element_type3A_427, %cond3A_428 : i32
      scf.if %cond3A_429 {
        %add3A_490 = arith.constant 8 : i32
        %add3A_491 = arith.addi %mul3A_122, %add3A_490 : i32
        %add3A_492 = arith.constant 4 : i32
        %add3A_493 = arith.addi %add3A_491, %add3A_492 : i32
        %dma_start3A_494 = arith.constant 4 : i32
        %dma_start3A_495 = arith.constant 0 : i32
        %dma_start3A_496 = arith.constant 0 : i32
        %dma_start3A_497 = tpu.memref_slice %arg9[%dma_start3A_494, %dma_start3A_495, %dma_start3A_496] : memref<8x125x64xf32, #tpu.memory_space<vmem>> -> memref<1x125x64xf32, #tpu.memory_space<vmem>>
        %dma_start3A_498 = tpu.memref_squeeze %dma_start3A_497 : memref<1x125x64xf32, #tpu.memory_space<vmem>> -> memref<125x64xf32, #tpu.memory_space<vmem>>
        %dma_start3A_499 = arith.constant 0 : i32
        %dma_start3A_500 = tpu.memref_slice %arg7[%add3A_493, %dma_start3A_499] : memref<80x125xi32, #tpu.memory_space<vmem>> -> memref<1x125xi32, #tpu.memory_space<vmem>>
        %dma_start3A_501 = tpu.memref_squeeze %dma_start3A_500 : memref<1x125xi32, #tpu.memory_space<vmem>> -> memref<125xi32, #tpu.memory_space<vmem>>
        %dma_start3A_502 = arith.constant 0 : i32
        %dma_start3A_503 = arith.constant 0 : i32
        %dma_start3A_504 = tpu.memref_slice %arg4[%dma_start3A_502, %dma_start3A_503] : memref<10000x64xf32, #tpu.memory_space<hbm>> -> memref<10000x64xf32, #tpu.memory_space<hbm>>
        tpu.enqueue_indirect_dma source(%dma_start3A_504 : memref<10000x64xf32, #tpu.memory_space<hbm>>) target(%dma_start3A_498 : memref<125x64xf32, #tpu.memory_space<vmem>>) offsets(%dma_start3A_501 : memref<125xi32, #tpu.memory_space<vmem>>) semaphore(%arg11 : memref<!tpu.dma_semaphore, #tpu.memory_space<semaphore_mem>>)
      } else {
      }
      %add3A_430 = arith.constant 5 : i32
      %add3A_431 = arith.addi %mul3A_122, %add3A_430 : i32
      %dma_wait3A_432 = arith.constant 5 : i32
      %dma_wait3A_433 = arith.constant 0 : i32
      %dma_wait3A_434 = arith.constant 0 : i32
      %dma_wait3A_435 = tpu.memref_slice %arg9[%dma_wait3A_432, %dma_wait3A_433, %dma_wait3A_434] : memref<8x125x64xf32, #tpu.memory_space<vmem>> -> memref<1x125x64xf32, #tpu.memory_space<vmem>>
      %dma_wait3A_436 = tpu.memref_squeeze %dma_wait3A_435 : memref<1x125x64xf32, #tpu.memory_space<vmem>> -> memref<125x64xf32, #tpu.memory_space<vmem>>
      %dma_wait3A_437 = arith.constant 0 : i32
      %dma_wait3A_438 = tpu.memref_slice %arg8[%add3A_431, %dma_wait3A_437] : memref<80x125xi32, #tpu.memory_space<vmem>> -> memref<1x125xi32, #tpu.memory_space<vmem>>
      %dma_wait3A_439 = tpu.memref_squeeze %dma_wait3A_438 : memref<1x125xi32, #tpu.memory_space<vmem>> -> memref<125xi32, #tpu.memory_space<vmem>>
      %dma_wait3A_440 = arith.constant 0 : i32
      %dma_wait3A_441 = arith.constant 0 : i32
      %dma_wait3A_442 = tpu.memref_slice %arg10[%dma_wait3A_440, %dma_wait3A_441] : memref<10000x64xf32, #tpu.memory_space<vmem_shared>> -> memref<10000x64xf32, #tpu.memory_space<vmem_shared>>
      tpu.wait_indirect_dma semaphore(%arg12 : memref<!tpu.dma_semaphore, #tpu.memory_space<semaphore_mem>>) src(%dma_wait3A_436 : memref<125x64xf32, #tpu.memory_space<vmem>>) dst(%dma_wait3A_442 : memref<10000x64xf32, #tpu.memory_space<vmem_shared>>)
      %add3A_443 = arith.constant 1 : i32
      %add3A_444 = arith.addi %scan3A_120, %add3A_443 : i32
      %lt3A_445 = arith.constant 10 : i32
      %lt3A_446 = arith.cmpi slt, %add3A_444, %lt3A_445 : i32
      %convert_element_type3A_447 = arith.extui %lt3A_446 : i1 to i32
      %cond3A_448 = arith.constant 0 : i32
      %cond3A_449 = arith.cmpi ne, %convert_element_type3A_447, %cond3A_448 : i32
      scf.if %cond3A_449 {
        %add3A_490 = arith.constant 8 : i32
        %add3A_491 = arith.addi %mul3A_122, %add3A_490 : i32
        %add3A_492 = arith.constant 5 : i32
        %add3A_493 = arith.addi %add3A_491, %add3A_492 : i32
        %dma_start3A_494 = arith.constant 5 : i32
        %dma_start3A_495 = arith.constant 0 : i32
        %dma_start3A_496 = arith.constant 0 : i32
        %dma_start3A_497 = tpu.memref_slice %arg9[%dma_start3A_494, %dma_start3A_495, %dma_start3A_496] : memref<8x125x64xf32, #tpu.memory_space<vmem>> -> memref<1x125x64xf32, #tpu.memory_space<vmem>>
        %dma_start3A_498 = tpu.memref_squeeze %dma_start3A_497 : memref<1x125x64xf32, #tpu.memory_space<vmem>> -> memref<125x64xf32, #tpu.memory_space<vmem>>
        %dma_start3A_499 = arith.constant 0 : i32
        %dma_start3A_500 = tpu.memref_slice %arg7[%add3A_493, %dma_start3A_499] : memref<80x125xi32, #tpu.memory_space<vmem>> -> memref<1x125xi32, #tpu.memory_space<vmem>>
        %dma_start3A_501 = tpu.memref_squeeze %dma_start3A_500 : memref<1x125xi32, #tpu.memory_space<vmem>> -> memref<125xi32, #tpu.memory_space<vmem>>
        %dma_start3A_502 = arith.constant 0 : i32
        %dma_start3A_503 = arith.constant 0 : i32
        %dma_start3A_504 = tpu.memref_slice %arg4[%dma_start3A_502, %dma_start3A_503] : memref<10000x64xf32, #tpu.memory_space<hbm>> -> memref<10000x64xf32, #tpu.memory_space<hbm>>
        tpu.enqueue_indirect_dma source(%dma_start3A_504 : memref<10000x64xf32, #tpu.memory_space<hbm>>) target(%dma_start3A_498 : memref<125x64xf32, #tpu.memory_space<vmem>>) offsets(%dma_start3A_501 : memref<125xi32, #tpu.memory_space<vmem>>) semaphore(%arg11 : memref<!tpu.dma_semaphore, #tpu.memory_space<semaphore_mem>>)
      } else {
      }
      %add3A_450 = arith.constant 6 : i32
      %add3A_451 = arith.addi %mul3A_122, %add3A_450 : i32
      %dma_wait3A_452 = arith.constant 6 : i32
      %dma_wait3A_453 = arith.constant 0 : i32
      %dma_wait3A_454 = arith.constant 0 : i32
      %dma_wait3A_455 = tpu.memref_slice %arg9[%dma_wait3A_452, %dma_wait3A_453, %dma_wait3A_454] : memref<8x125x64xf32, #tpu.memory_space<vmem>> -> memref<1x125x64xf32, #tpu.memory_space<vmem>>
      %dma_wait3A_456 = tpu.memref_squeeze %dma_wait3A_455 : memref<1x125x64xf32, #tpu.memory_space<vmem>> -> memref<125x64xf32, #tpu.memory_space<vmem>>
      %dma_wait3A_457 = arith.constant 0 : i32
      %dma_wait3A_458 = tpu.memref_slice %arg8[%add3A_451, %dma_wait3A_457] : memref<80x125xi32, #tpu.memory_space<vmem>> -> memref<1x125xi32, #tpu.memory_space<vmem>>
      %dma_wait3A_459 = tpu.memref_squeeze %dma_wait3A_458 : memref<1x125xi32, #tpu.memory_space<vmem>> -> memref<125xi32, #tpu.memory_space<vmem>>
      %dma_wait3A_460 = arith.constant 0 : i32
      %dma_wait3A_461 = arith.constant 0 : i32
      %dma_wait3A_462 = tpu.memref_slice %arg10[%dma_wait3A_460, %dma_wait3A_461] : memref<10000x64xf32, #tpu.memory_space<vmem_shared>> -> memref<10000x64xf32, #tpu.memory_space<vmem_shared>>
      tpu.wait_indirect_dma semaphore(%arg12 : memref<!tpu.dma_semaphore, #tpu.memory_space<semaphore_mem>>) src(%dma_wait3A_456 : memref<125x64xf32, #tpu.memory_space<vmem>>) dst(%dma_wait3A_462 : memref<10000x64xf32, #tpu.memory_space<vmem_shared>>)
      %add3A_463 = arith.constant 1 : i32
      %add3A_464 = arith.addi %scan3A_120, %add3A_463 : i32
      %lt3A_465 = arith.constant 10 : i32
      %lt3A_466 = arith.cmpi slt, %add3A_464, %lt3A_465 : i32
      %convert_element_type3A_467 = arith.extui %lt3A_466 : i1 to i32
      %cond3A_468 = arith.constant 0 : i32
      %cond3A_469 = arith.cmpi ne, %convert_element_type3A_467, %cond3A_468 : i32
      scf.if %cond3A_469 {
        %add3A_490 = arith.constant 8 : i32
        %add3A_491 = arith.addi %mul3A_122, %add3A_490 : i32
        %add3A_492 = arith.constant 6 : i32
        %add3A_493 = arith.addi %add3A_491, %add3A_492 : i32
        %dma_start3A_494 = arith.constant 6 : i32
        %dma_start3A_495 = arith.constant 0 : i32
        %dma_start3A_496 = arith.constant 0 : i32
        %dma_start3A_497 = tpu.memref_slice %arg9[%dma_start3A_494, %dma_start3A_495, %dma_start3A_496] : memref<8x125x64xf32, #tpu.memory_space<vmem>> -> memref<1x125x64xf32, #tpu.memory_space<vmem>>
        %dma_start3A_498 = tpu.memref_squeeze %dma_start3A_497 : memref<1x125x64xf32, #tpu.memory_space<vmem>> -> memref<125x64xf32, #tpu.memory_space<vmem>>
        %dma_start3A_499 = arith.constant 0 : i32
        %dma_start3A_500 = tpu.memref_slice %arg7[%add3A_493, %dma_start3A_499] : memref<80x125xi32, #tpu.memory_space<vmem>> -> memref<1x125xi32, #tpu.memory_space<vmem>>
        %dma_start3A_501 = tpu.memref_squeeze %dma_start3A_500 : memref<1x125xi32, #tpu.memory_space<vmem>> -> memref<125xi32, #tpu.memory_space<vmem>>
        %dma_start3A_502 = arith.constant 0 : i32
        %dma_start3A_503 = arith.constant 0 : i32
        %dma_start3A_504 = tpu.memref_slice %arg4[%dma_start3A_502, %dma_start3A_503] : memref<10000x64xf32, #tpu.memory_space<hbm>> -> memref<10000x64xf32, #tpu.memory_space<hbm>>
        tpu.enqueue_indirect_dma source(%dma_start3A_504 : memref<10000x64xf32, #tpu.memory_space<hbm>>) target(%dma_start3A_498 : memref<125x64xf32, #tpu.memory_space<vmem>>) offsets(%dma_start3A_501 : memref<125xi32, #tpu.memory_space<vmem>>) semaphore(%arg11 : memref<!tpu.dma_semaphore, #tpu.memory_space<semaphore_mem>>)
      } else {
      }
      %add3A_470 = arith.constant 7 : i32
      %add3A_471 = arith.addi %mul3A_122, %add3A_470 : i32
      %dma_wait3A_472 = arith.constant 7 : i32
      %dma_wait3A_473 = arith.constant 0 : i32
      %dma_wait3A_474 = arith.constant 0 : i32
      %dma_wait3A_475 = tpu.memref_slice %arg9[%dma_wait3A_472, %dma_wait3A_473, %dma_wait3A_474] : memref<8x125x64xf32, #tpu.memory_space<vmem>> -> memref<1x125x64xf32, #tpu.memory_space<vmem>>
      %dma_wait3A_476 = tpu.memref_squeeze %dma_wait3A_475 : memref<1x125x64xf32, #tpu.memory_space<vmem>> -> memref<125x64xf32, #tpu.memory_space<vmem>>
      %dma_wait3A_477 = arith.constant 0 : i32
      %dma_wait3A_478 = tpu.memref_slice %arg8[%add3A_471, %dma_wait3A_477] : memref<80x125xi32, #tpu.memory_space<vmem>> -> memref<1x125xi32, #tpu.memory_space<vmem>>
      %dma_wait3A_479 = tpu.memref_squeeze %dma_wait3A_478 : memref<1x125xi32, #tpu.memory_space<vmem>> -> memref<125xi32, #tpu.memory_space<vmem>>
      %dma_wait3A_480 = arith.constant 0 : i32
      %dma_wait3A_481 = arith.constant 0 : i32
      %dma_wait3A_482 = tpu.memref_slice %arg10[%dma_wait3A_480, %dma_wait3A_481] : memref<10000x64xf32, #tpu.memory_space<vmem_shared>> -> memref<10000x64xf32, #tpu.memory_space<vmem_shared>>
      tpu.wait_indirect_dma semaphore(%arg12 : memref<!tpu.dma_semaphore, #tpu.memory_space<semaphore_mem>>) src(%dma_wait3A_476 : memref<125x64xf32, #tpu.memory_space<vmem>>) dst(%dma_wait3A_482 : memref<10000x64xf32, #tpu.memory_space<vmem_shared>>)
      %add3A_483 = arith.constant 1 : i32
      %add3A_484 = arith.addi %scan3A_120, %add3A_483 : i32
      %lt3A_485 = arith.constant 10 : i32
      %lt3A_486 = arith.cmpi slt, %add3A_484, %lt3A_485 : i32
      %convert_element_type3A_487 = arith.extui %lt3A_486 : i1 to i32
      %cond3A_488 = arith.constant 0 : i32
      %cond3A_489 = arith.cmpi ne, %convert_element_type3A_487, %cond3A_488 : i32
      scf.if %cond3A_489 {
        %add3A_490 = arith.constant 8 : i32
        %add3A_491 = arith.addi %mul3A_122, %add3A_490 : i32
        %add3A_492 = arith.constant 7 : i32
        %add3A_493 = arith.addi %add3A_491, %add3A_492 : i32
        %dma_start3A_494 = arith.constant 7 : i32
        %dma_start3A_495 = arith.constant 0 : i32
        %dma_start3A_496 = arith.constant 0 : i32
        %dma_start3A_497 = tpu.memref_slice %arg9[%dma_start3A_494, %dma_start3A_495, %dma_start3A_496] : memref<8x125x64xf32, #tpu.memory_space<vmem>> -> memref<1x125x64xf32, #tpu.memory_space<vmem>>
        %dma_start3A_498 = tpu.memref_squeeze %dma_start3A_497 : memref<1x125x64xf32, #tpu.memory_space<vmem>> -> memref<125x64xf32, #tpu.memory_space<vmem>>
        %dma_start3A_499 = arith.constant 0 : i32
        %dma_start3A_500 = tpu.memref_slice %arg7[%add3A_493, %dma_start3A_499] : memref<80x125xi32, #tpu.memory_space<vmem>> -> memref<1x125xi32, #tpu.memory_space<vmem>>
        %dma_start3A_501 = tpu.memref_squeeze %dma_start3A_500 : memref<1x125xi32, #tpu.memory_space<vmem>> -> memref<125xi32, #tpu.memory_space<vmem>>
        %dma_start3A_502 = arith.constant 0 : i32
        %dma_start3A_503 = arith.constant 0 : i32
        %dma_start3A_504 = tpu.memref_slice %arg4[%dma_start3A_502, %dma_start3A_503] : memref<10000x64xf32, #tpu.memory_space<hbm>> -> memref<10000x64xf32, #tpu.memory_space<hbm>>
        tpu.enqueue_indirect_dma source(%dma_start3A_504 : memref<10000x64xf32, #tpu.memory_space<hbm>>) target(%dma_start3A_498 : memref<125x64xf32, #tpu.memory_space<vmem>>) offsets(%dma_start3A_501 : memref<125xi32, #tpu.memory_space<vmem>>) semaphore(%arg11 : memref<!tpu.dma_semaphore, #tpu.memory_space<semaphore_mem>>)
      } else {
      }
    }
    %scan3A_108 = arith.constant 10 : i32
    %barrier3A_109 = arith.constant 0 : index
    tpu.barrier barrier_id(%barrier3A_109)
    %lt3A_110 = arith.constant 15 : i32
    %lt3A_111 = arith.cmpi slt, %arg1, %lt3A_110 : i32
    %convert_element_type3A_112 = arith.extui %lt3A_111 : i1 to i32
    %cond3A_113 = arith.constant 0 : i32
    %cond3A_114 = arith.cmpi ne, %convert_element_type3A_112, %cond3A_113 : i32
    scf.if %cond3A_114 {
      "tpu.region"() ({
        %run_scoped3A = tpu.sem_alloc : memref<!tpu.dma_semaphore, #tpu.memory_space<semaphore_mem>>
        %dma_start3A_120 = arith.constant 0 : i32
        %dma_start3A_121 = tpu.memref_slice %arg6[%arg0, %multiple_of3A, %dma_start3A_120] : memref<2x10000x64xf32, #tpu.memory_space<hbm>> -> memref<1x624x64xf32, #tpu.memory_space<hbm>>
        %dma_start3A_122 = tpu.memref_squeeze %dma_start3A_121 : memref<1x624x64xf32, #tpu.memory_space<hbm>> -> memref<624x64xf32, #tpu.memory_space<hbm>>
        %dma_start3A_123 = arith.constant 0 : i32
        %dma_start3A_124 = tpu.memref_slice %arg10[%multiple_of3A, %dma_start3A_123] : memref<10000x64xf32, #tpu.memory_space<vmem_shared>> -> memref<624x64xf32, #tpu.memory_space<vmem_shared>>
        tpu.enqueue_dma source(%dma_start3A_124 : memref<624x64xf32, #tpu.memory_space<vmem_shared>>) target(%dma_start3A_122 : memref<624x64xf32, #tpu.memory_space<hbm>>) target_semaphore(%run_scoped3A : memref<!tpu.dma_semaphore, #tpu.memory_space<semaphore_mem>>)
        %dma_wait3A = arith.constant 0 : i32
        %dma_wait3A_125 = tpu.memref_slice %arg6[%arg0, %multiple_of3A, %dma_wait3A] : memref<2x10000x64xf32, #tpu.memory_space<hbm>> -> memref<1x624x64xf32, #tpu.memory_space<hbm>>
        %dma_wait3A_126 = tpu.memref_squeeze %dma_wait3A_125 : memref<1x624x64xf32, #tpu.memory_space<hbm>> -> memref<624x64xf32, #tpu.memory_space<hbm>>
        %dma_wait3A_127 = arith.constant 0 : i32
        %dma_wait3A_128 = tpu.memref_slice %arg10[%multiple_of3A, %dma_wait3A_127] : memref<10000x64xf32, #tpu.memory_space<vmem_shared>> -> memref<624x64xf32, #tpu.memory_space<vmem_shared>>
        tpu.wait_dma2 semaphore(%run_scoped3A : memref<!tpu.dma_semaphore, #tpu.memory_space<semaphore_mem>>) src(%dma_wait3A_128 : memref<624x64xf32, #tpu.memory_space<vmem_shared>>) dst(%dma_wait3A_126 : memref<624x64xf32, #tpu.memory_space<hbm>>)
        tpu.yield
      }) : () -> ()
    } else {
    }
    %eq3A_115 = arith.constant 15 : i32
    %eq3A_116 = arith.cmpi eq, %arg1, %eq3A_115 : i32
    %convert_element_type3A_117 = arith.extui %eq3A_116 : i1 to i32
    %cond3A_118 = arith.constant 0 : i32
    %cond3A_119 = arith.cmpi ne, %convert_element_type3A_117, %cond3A_118 : i32
    scf.if %cond3A_119 {
      "tpu.region"() ({
        %run_scoped3A = tpu.sem_alloc : memref<!tpu.dma_semaphore, #tpu.memory_space<semaphore_mem>>
        %dma_start3A_120 = arith.constant 9360 : i32
        %dma_start3A_121 = arith.constant 0 : i32
        %dma_start3A_122 = tpu.memref_slice %arg6[%arg0, %dma_start3A_120, %dma_start3A_121] : memref<2x10000x64xf32, #tpu.memory_space<hbm>> -> memref<1x640x64xf32, #tpu.memory_space<hbm>>
        %dma_start3A_123 = tpu.memref_squeeze %dma_start3A_122 : memref<1x640x64xf32, #tpu.memory_space<hbm>> -> memref<640x64xf32, #tpu.memory_space<hbm>>
        %dma_start3A_124 = arith.constant 9360 : i32
        %dma_start3A_125 = arith.constant 0 : i32
        %dma_start3A_126 = tpu.memref_slice %arg10[%dma_start3A_124, %dma_start3A_125] : memref<10000x64xf32, #tpu.memory_space<vmem_shared>> -> memref<640x64xf32, #tpu.memory_space<vmem_shared>>
        tpu.enqueue_dma source(%dma_start3A_126 : memref<640x64xf32, #tpu.memory_space<vmem_shared>>) target(%dma_start3A_123 : memref<640x64xf32, #tpu.memory_space<hbm>>) target_semaphore(%run_scoped3A : memref<!tpu.dma_semaphore, #tpu.memory_space<semaphore_mem>>)
        %dma_wait3A = arith.constant 9360 : i32
        %dma_wait3A_127 = arith.constant 0 : i32
        %dma_wait3A_128 = tpu.memref_slice %arg6[%arg0, %dma_wait3A, %dma_wait3A_127] : memref<2x10000x64xf32, #tpu.memory_space<hbm>> -> memref<1x640x64xf32, #tpu.memory_space<hbm>>
        %dma_wait3A_129 = tpu.memref_squeeze %dma_wait3A_128 : memref<1x640x64xf32, #tpu.memory_space<hbm>> -> memref<640x64xf32, #tpu.memory_space<hbm>>
        %dma_wait3A_130 = arith.constant 9360 : i32
        %dma_wait3A_131 = arith.constant 0 : i32
        %dma_wait3A_132 = tpu.memref_slice %arg10[%dma_wait3A_130, %dma_wait3A_131] : memref<10000x64xf32, #tpu.memory_space<vmem_shared>> -> memref<640x64xf32, #tpu.memory_space<vmem_shared>>
        tpu.wait_dma2 semaphore(%run_scoped3A : memref<!tpu.dma_semaphore, #tpu.memory_space<semaphore_mem>>) src(%dma_wait3A_132 : memref<640x64xf32, #tpu.memory_space<vmem_shared>>) dst(%dma_wait3A_129 : memref<640x64xf32, #tpu.memory_space<hbm>>)
        tpu.yield
      }) : () -> ()
    } else {
    }
    return
  }
}

#map = affine_map<(d0, d1) -> (0, 0, 0)>
#map1 = affine_map<(d0, d1) -> (0, 0)>
module attributes {stable_mosaic.version = 14 : i64} {
  func.func @_deg_body(%arg0: i32, %arg1: i32, %arg2: memref<32x80x125xi32, #tpu.memory_space<hbm>>, %arg3: memref<125x8xf32, #tpu.memory_space<hbm>>, %arg4: memref<10000x8xf32, #tpu.memory_space<hbm>>, %arg5: memref<2x10000x8xf32, #tpu.memory_space<hbm>>, %arg6: memref<80x125xi32, #tpu.memory_space<vmem>>, %arg7: memref<125x8xf32, #tpu.memory_space<vmem>>, %arg8: memref<10000x8xf32, #tpu.memory_space<vmem_shared>>, %arg9: memref<!tpu.dma_semaphore, #tpu.memory_space<semaphore_mem>>) attributes {dimension_semantics = [#tpu.dimension_semantics<core_parallel>, #tpu.dimension_semantics<subcore_parallel>], iteration_bounds = array<i64: 2, 16>, scalar_prefetch = 0 : i64, scratch_operands = 4 : i64, tpu.core_type = #tpu.core_type<sc_vector_subcore>, window_params = [{transform_indices = #map}, {transform_indices = #map1}, {transform_indices = #map1}, {transform_indices = #map}]} {
    %mul3A = arith.constant 2 : i32
    %mul3A_0 = arith.muli %arg1, %mul3A : i32
    %add3A = arith.addi %mul3A_0, %arg0 : i32
    %mul3A_1 = arith.constant 624 : i32
    %mul3A_2 = arith.muli %arg1, %mul3A_1 : i32
    %multiple_of3A = tpu.assume_multiple %mul3A_2, 8 : i32
    "tpu.region"() ({
      %run_scoped3A = tpu.sem_alloc : memref<!tpu.dma_semaphore, #tpu.memory_space<semaphore_mem>>
      %dma_start3A = arith.constant 0 : i32
      %dma_start3A_31 = arith.constant 0 : i32
      %dma_start3A_32 = tpu.memref_slice %arg2[%add3A, %dma_start3A, %dma_start3A_31] : memref<32x80x125xi32, #tpu.memory_space<hbm>> -> memref<1x80x125xi32, #tpu.memory_space<hbm>>
      %dma_start3A_33 = tpu.memref_squeeze %dma_start3A_32 : memref<1x80x125xi32, #tpu.memory_space<hbm>> -> memref<80x125xi32, #tpu.memory_space<hbm>>
      %dma_start3A_34 = arith.constant 0 : i32
      %dma_start3A_35 = arith.constant 0 : i32
      %dma_start3A_36 = tpu.memref_slice %arg2[%add3A, %dma_start3A_34, %dma_start3A_35] : memref<32x80x125xi32, #tpu.memory_space<hbm>> -> memref<1x80x125xi32, #tpu.memory_space<hbm>>
      %dma_start3A_37 = tpu.memref_squeeze %dma_start3A_36 : memref<1x80x125xi32, #tpu.memory_space<hbm>> -> memref<80x125xi32, #tpu.memory_space<hbm>>
      tpu.enqueue_dma source(%dma_start3A_37 : memref<80x125xi32, #tpu.memory_space<hbm>>) target(%arg6 : memref<80x125xi32, #tpu.memory_space<vmem>>) target_semaphore(%run_scoped3A : memref<!tpu.dma_semaphore, #tpu.memory_space<semaphore_mem>>)
      %dma_wait3A = arith.constant 0 : i32
      %dma_wait3A_38 = arith.constant 0 : i32
      %dma_wait3A_39 = tpu.memref_slice %arg2[%add3A, %dma_wait3A, %dma_wait3A_38] : memref<32x80x125xi32, #tpu.memory_space<hbm>> -> memref<1x80x125xi32, #tpu.memory_space<hbm>>
      %dma_wait3A_40 = tpu.memref_squeeze %dma_wait3A_39 : memref<1x80x125xi32, #tpu.memory_space<hbm>> -> memref<80x125xi32, #tpu.memory_space<hbm>>
      %dma_wait3A_41 = arith.constant 0 : i32
      %dma_wait3A_42 = arith.constant 0 : i32
      %dma_wait3A_43 = tpu.memref_slice %arg2[%add3A, %dma_wait3A_41, %dma_wait3A_42] : memref<32x80x125xi32, #tpu.memory_space<hbm>> -> memref<1x80x125xi32, #tpu.memory_space<hbm>>
      %dma_wait3A_44 = tpu.memref_squeeze %dma_wait3A_43 : memref<1x80x125xi32, #tpu.memory_space<hbm>> -> memref<80x125xi32, #tpu.memory_space<hbm>>
      tpu.wait_dma2 semaphore(%run_scoped3A : memref<!tpu.dma_semaphore, #tpu.memory_space<semaphore_mem>>) src(%dma_wait3A_44 : memref<80x125xi32, #tpu.memory_space<hbm>>) dst(%arg6 : memref<80x125xi32, #tpu.memory_space<vmem>>)
      tpu.yield
    }) : () -> ()
    "tpu.region"() ({
      %run_scoped3A = tpu.sem_alloc : memref<!tpu.dma_semaphore, #tpu.memory_space<semaphore_mem>>
      tpu.enqueue_dma source(%arg3 : memref<125x8xf32, #tpu.memory_space<hbm>>) target(%arg7 : memref<125x8xf32, #tpu.memory_space<vmem>>) target_semaphore(%run_scoped3A : memref<!tpu.dma_semaphore, #tpu.memory_space<semaphore_mem>>)
      tpu.wait_dma2 semaphore(%run_scoped3A : memref<!tpu.dma_semaphore, #tpu.memory_space<semaphore_mem>>) src(%arg3 : memref<125x8xf32, #tpu.memory_space<hbm>>) dst(%arg7 : memref<125x8xf32, #tpu.memory_space<vmem>>)
      tpu.yield
    }) : () -> ()
    %lt3A = arith.constant 15 : i32
    %lt3A_3 = arith.cmpi slt, %arg1, %lt3A : i32
    %convert_element_type3A = arith.extui %lt3A_3 : i1 to i32
    %cond3A = arith.constant 0 : i32
    %cond3A_4 = arith.cmpi ne, %convert_element_type3A, %cond3A : i32
    scf.if %cond3A_4 {
      "tpu.region"() ({
        %run_scoped3A = tpu.sem_alloc : memref<!tpu.dma_semaphore, #tpu.memory_space<semaphore_mem>>
        %dma_start3A = arith.constant 0 : i32
        %dma_start3A_31 = tpu.memref_slice %arg8[%multiple_of3A, %dma_start3A] : memref<10000x8xf32, #tpu.memory_space<vmem_shared>> -> memref<624x8xf32, #tpu.memory_space<vmem_shared>>
        %dma_start3A_32 = arith.constant 0 : i32
        %dma_start3A_33 = tpu.memref_slice %arg4[%multiple_of3A, %dma_start3A_32] : memref<10000x8xf32, #tpu.memory_space<hbm>> -> memref<624x8xf32, #tpu.memory_space<hbm>>
        tpu.enqueue_dma source(%dma_start3A_33 : memref<624x8xf32, #tpu.memory_space<hbm>>) target(%dma_start3A_31 : memref<624x8xf32, #tpu.memory_space<vmem_shared>>) target_semaphore(%run_scoped3A : memref<!tpu.dma_semaphore, #tpu.memory_space<semaphore_mem>>)
        %dma_wait3A = arith.constant 0 : i32
        %dma_wait3A_34 = tpu.memref_slice %arg8[%multiple_of3A, %dma_wait3A] : memref<10000x8xf32, #tpu.memory_space<vmem_shared>> -> memref<624x8xf32, #tpu.memory_space<vmem_shared>>
        %dma_wait3A_35 = arith.constant 0 : i32
        %dma_wait3A_36 = tpu.memref_slice %arg4[%multiple_of3A, %dma_wait3A_35] : memref<10000x8xf32, #tpu.memory_space<hbm>> -> memref<624x8xf32, #tpu.memory_space<hbm>>
        tpu.wait_dma2 semaphore(%run_scoped3A : memref<!tpu.dma_semaphore, #tpu.memory_space<semaphore_mem>>) src(%dma_wait3A_36 : memref<624x8xf32, #tpu.memory_space<hbm>>) dst(%dma_wait3A_34 : memref<624x8xf32, #tpu.memory_space<vmem_shared>>)
        tpu.yield
      }) : () -> ()
    } else {
    }
    %eq3A = arith.constant 15 : i32
    %eq3A_5 = arith.cmpi eq, %arg1, %eq3A : i32
    %convert_element_type3A_6 = arith.extui %eq3A_5 : i1 to i32
    %cond3A_7 = arith.constant 0 : i32
    %cond3A_8 = arith.cmpi ne, %convert_element_type3A_6, %cond3A_7 : i32
    scf.if %cond3A_8 {
      "tpu.region"() ({
        %run_scoped3A = tpu.sem_alloc : memref<!tpu.dma_semaphore, #tpu.memory_space<semaphore_mem>>
        %dma_start3A = arith.constant 9360 : i32
        %dma_start3A_31 = arith.constant 0 : i32
        %dma_start3A_32 = tpu.memref_slice %arg8[%dma_start3A, %dma_start3A_31] : memref<10000x8xf32, #tpu.memory_space<vmem_shared>> -> memref<640x8xf32, #tpu.memory_space<vmem_shared>>
        %dma_start3A_33 = arith.constant 9360 : i32
        %dma_start3A_34 = arith.constant 0 : i32
        %dma_start3A_35 = tpu.memref_slice %arg4[%dma_start3A_33, %dma_start3A_34] : memref<10000x8xf32, #tpu.memory_space<hbm>> -> memref<640x8xf32, #tpu.memory_space<hbm>>
        tpu.enqueue_dma source(%dma_start3A_35 : memref<640x8xf32, #tpu.memory_space<hbm>>) target(%dma_start3A_32 : memref<640x8xf32, #tpu.memory_space<vmem_shared>>) target_semaphore(%run_scoped3A : memref<!tpu.dma_semaphore, #tpu.memory_space<semaphore_mem>>)
        %dma_wait3A = arith.constant 9360 : i32
        %dma_wait3A_36 = arith.constant 0 : i32
        %dma_wait3A_37 = tpu.memref_slice %arg8[%dma_wait3A, %dma_wait3A_36] : memref<10000x8xf32, #tpu.memory_space<vmem_shared>> -> memref<640x8xf32, #tpu.memory_space<vmem_shared>>
        %dma_wait3A_38 = arith.constant 9360 : i32
        %dma_wait3A_39 = arith.constant 0 : i32
        %dma_wait3A_40 = tpu.memref_slice %arg4[%dma_wait3A_38, %dma_wait3A_39] : memref<10000x8xf32, #tpu.memory_space<hbm>> -> memref<640x8xf32, #tpu.memory_space<hbm>>
        tpu.wait_dma2 semaphore(%run_scoped3A : memref<!tpu.dma_semaphore, #tpu.memory_space<semaphore_mem>>) src(%dma_wait3A_40 : memref<640x8xf32, #tpu.memory_space<hbm>>) dst(%dma_wait3A_37 : memref<640x8xf32, #tpu.memory_space<vmem_shared>>)
        tpu.yield
      }) : () -> ()
    } else {
    }
    %barrier3A = arith.constant 0 : index
    tpu.barrier barrier_id(%barrier3A)
    %scan3A = arith.constant 0 : i32
    %scan3A_9 = arith.constant 0 : i32
    %scan3A_10 = arith.constant 80 : i32
    %scan3A_11 = arith.addi %scan3A_9, %scan3A_10 : i32
    %scan3A_12 = arith.constant 1 : i32
    scf.for %scan3A_31 = %scan3A_9 to %scan3A_11 step %scan3A_12  : i32 {
      %dma_start3A = arith.constant 0 : i32
      %dma_start3A_32 = tpu.memref_slice %arg6[%scan3A_31, %dma_start3A] : memref<80x125xi32, #tpu.memory_space<vmem>> -> memref<1x125xi32, #tpu.memory_space<vmem>>
      %dma_start3A_33 = tpu.memref_squeeze %dma_start3A_32 : memref<1x125xi32, #tpu.memory_space<vmem>> -> memref<125xi32, #tpu.memory_space<vmem>>
      %dma_start3A_34 = arith.constant 0 : i32
      %dma_start3A_35 = arith.constant 0 : i32
      %dma_start3A_36 = tpu.memref_slice %arg8[%dma_start3A_34, %dma_start3A_35] : memref<10000x8xf32, #tpu.memory_space<vmem_shared>> -> memref<10000x8xf32, #tpu.memory_space<vmem_shared>>
      tpu.enqueue_indirect_dma source(%arg7 : memref<125x8xf32, #tpu.memory_space<vmem>>) target(%dma_start3A_36 : memref<10000x8xf32, #tpu.memory_space<vmem_shared>>) offsets(%dma_start3A_33 : memref<125xi32, #tpu.memory_space<vmem>>) semaphore(%arg9 : memref<!tpu.dma_semaphore, #tpu.memory_space<semaphore_mem>>) {add = true}
    }
    %scan3A_13 = arith.constant 80 : i32
    %scan3A_14 = arith.constant 0 : i32
    %scan3A_15 = arith.constant 0 : i32
    %scan3A_16 = arith.constant 80 : i32
    %scan3A_17 = arith.addi %scan3A_15, %scan3A_16 : i32
    %scan3A_18 = arith.constant 1 : i32
    scf.for %scan3A_31 = %scan3A_15 to %scan3A_17 step %scan3A_18  : i32 {
      %dma_wait3A = arith.constant 0 : i32
      %dma_wait3A_32 = tpu.memref_slice %arg6[%scan3A_31, %dma_wait3A] : memref<80x125xi32, #tpu.memory_space<vmem>> -> memref<1x125xi32, #tpu.memory_space<vmem>>
      %dma_wait3A_33 = tpu.memref_squeeze %dma_wait3A_32 : memref<1x125xi32, #tpu.memory_space<vmem>> -> memref<125xi32, #tpu.memory_space<vmem>>
      %dma_wait3A_34 = arith.constant 0 : i32
      %dma_wait3A_35 = arith.constant 0 : i32
      %dma_wait3A_36 = tpu.memref_slice %arg8[%dma_wait3A_34, %dma_wait3A_35] : memref<10000x8xf32, #tpu.memory_space<vmem_shared>> -> memref<10000x8xf32, #tpu.memory_space<vmem_shared>>
      tpu.wait_indirect_dma semaphore(%arg9 : memref<!tpu.dma_semaphore, #tpu.memory_space<semaphore_mem>>) src(%arg7 : memref<125x8xf32, #tpu.memory_space<vmem>>) dst(%dma_wait3A_36 : memref<10000x8xf32, #tpu.memory_space<vmem_shared>>)
    }
    %scan3A_19 = arith.constant 80 : i32
    %barrier3A_20 = arith.constant 0 : index
    tpu.barrier barrier_id(%barrier3A_20)
    %lt3A_21 = arith.constant 15 : i32
    %lt3A_22 = arith.cmpi slt, %arg1, %lt3A_21 : i32
    %convert_element_type3A_23 = arith.extui %lt3A_22 : i1 to i32
    %cond3A_24 = arith.constant 0 : i32
    %cond3A_25 = arith.cmpi ne, %convert_element_type3A_23, %cond3A_24 : i32
    scf.if %cond3A_25 {
      "tpu.region"() ({
        %run_scoped3A = tpu.sem_alloc : memref<!tpu.dma_semaphore, #tpu.memory_space<semaphore_mem>>
        %dma_start3A = arith.constant 0 : i32
        %dma_start3A_31 = tpu.memref_slice %arg5[%arg0, %multiple_of3A, %dma_start3A] : memref<2x10000x8xf32, #tpu.memory_space<hbm>> -> memref<1x624x8xf32, #tpu.memory_space<hbm>>
        %dma_start3A_32 = tpu.memref_squeeze %dma_start3A_31 : memref<1x624x8xf32, #tpu.memory_space<hbm>> -> memref<624x8xf32, #tpu.memory_space<hbm>>
        %dma_start3A_33 = arith.constant 0 : i32
        %dma_start3A_34 = tpu.memref_slice %arg8[%multiple_of3A, %dma_start3A_33] : memref<10000x8xf32, #tpu.memory_space<vmem_shared>> -> memref<624x8xf32, #tpu.memory_space<vmem_shared>>
        tpu.enqueue_dma source(%dma_start3A_34 : memref<624x8xf32, #tpu.memory_space<vmem_shared>>) target(%dma_start3A_32 : memref<624x8xf32, #tpu.memory_space<hbm>>) target_semaphore(%run_scoped3A : memref<!tpu.dma_semaphore, #tpu.memory_space<semaphore_mem>>)
        %dma_wait3A = arith.constant 0 : i32
        %dma_wait3A_35 = tpu.memref_slice %arg5[%arg0, %multiple_of3A, %dma_wait3A] : memref<2x10000x8xf32, #tpu.memory_space<hbm>> -> memref<1x624x8xf32, #tpu.memory_space<hbm>>
        %dma_wait3A_36 = tpu.memref_squeeze %dma_wait3A_35 : memref<1x624x8xf32, #tpu.memory_space<hbm>> -> memref<624x8xf32, #tpu.memory_space<hbm>>
        %dma_wait3A_37 = arith.constant 0 : i32
        %dma_wait3A_38 = tpu.memref_slice %arg8[%multiple_of3A, %dma_wait3A_37] : memref<10000x8xf32, #tpu.memory_space<vmem_shared>> -> memref<624x8xf32, #tpu.memory_space<vmem_shared>>
        tpu.wait_dma2 semaphore(%run_scoped3A : memref<!tpu.dma_semaphore, #tpu.memory_space<semaphore_mem>>) src(%dma_wait3A_38 : memref<624x8xf32, #tpu.memory_space<vmem_shared>>) dst(%dma_wait3A_36 : memref<624x8xf32, #tpu.memory_space<hbm>>)
        tpu.yield
      }) : () -> ()
    } else {
    }
    %eq3A_26 = arith.constant 15 : i32
    %eq3A_27 = arith.cmpi eq, %arg1, %eq3A_26 : i32
    %convert_element_type3A_28 = arith.extui %eq3A_27 : i1 to i32
    %cond3A_29 = arith.constant 0 : i32
    %cond3A_30 = arith.cmpi ne, %convert_element_type3A_28, %cond3A_29 : i32
    scf.if %cond3A_30 {
      "tpu.region"() ({
        %run_scoped3A = tpu.sem_alloc : memref<!tpu.dma_semaphore, #tpu.memory_space<semaphore_mem>>
        %dma_start3A = arith.constant 9360 : i32
        %dma_start3A_31 = arith.constant 0 : i32
        %dma_start3A_32 = tpu.memref_slice %arg5[%arg0, %dma_start3A, %dma_start3A_31] : memref<2x10000x8xf32, #tpu.memory_space<hbm>> -> memref<1x640x8xf32, #tpu.memory_space<hbm>>
        %dma_start3A_33 = tpu.memref_squeeze %dma_start3A_32 : memref<1x640x8xf32, #tpu.memory_space<hbm>> -> memref<640x8xf32, #tpu.memory_space<hbm>>
        %dma_start3A_34 = arith.constant 9360 : i32
        %dma_start3A_35 = arith.constant 0 : i32
        %dma_start3A_36 = tpu.memref_slice %arg8[%dma_start3A_34, %dma_start3A_35] : memref<10000x8xf32, #tpu.memory_space<vmem_shared>> -> memref<640x8xf32, #tpu.memory_space<vmem_shared>>
        tpu.enqueue_dma source(%dma_start3A_36 : memref<640x8xf32, #tpu.memory_space<vmem_shared>>) target(%dma_start3A_33 : memref<640x8xf32, #tpu.memory_space<hbm>>) target_semaphore(%run_scoped3A : memref<!tpu.dma_semaphore, #tpu.memory_space<semaphore_mem>>)
        %dma_wait3A = arith.constant 9360 : i32
        %dma_wait3A_37 = arith.constant 0 : i32
        %dma_wait3A_38 = tpu.memref_slice %arg5[%arg0, %dma_wait3A, %dma_wait3A_37] : memref<2x10000x8xf32, #tpu.memory_space<hbm>> -> memref<1x640x8xf32, #tpu.memory_space<hbm>>
        %dma_wait3A_39 = tpu.memref_squeeze %dma_wait3A_38 : memref<1x640x8xf32, #tpu.memory_space<hbm>> -> memref<640x8xf32, #tpu.memory_space<hbm>>
        %dma_wait3A_40 = arith.constant 9360 : i32
        %dma_wait3A_41 = arith.constant 0 : i32
        %dma_wait3A_42 = tpu.memref_slice %arg8[%dma_wait3A_40, %dma_wait3A_41] : memref<10000x8xf32, #tpu.memory_space<vmem_shared>> -> memref<640x8xf32, #tpu.memory_space<vmem_shared>>
        tpu.wait_dma2 semaphore(%run_scoped3A : memref<!tpu.dma_semaphore, #tpu.memory_space<semaphore_mem>>) src(%dma_wait3A_42 : memref<640x8xf32, #tpu.memory_space<vmem_shared>>) dst(%dma_wait3A_39 : memref<640x8xf32, #tpu.memory_space<hbm>>)
        tpu.yield
      }) : () -> ()
    } else {
    }
    return
  }
}

module attributes {stable_mosaic.version = 14 : i64} {
  func.func @_proj1_body(%arg0: i32, %arg1: memref<1000x128xf32, #tpu.memory_space<vmem>>, %arg2: memref<128x64xf32, #tpu.memory_space<vmem>>, %arg3: memref<2x1000x8xf32, #tpu.memory_space<vmem>>, %arg4: memref<1000x64xf32, #tpu.memory_space<vmem>>, %arg5: memref<1000x1xf32, #tpu.memory_space<vmem>>) attributes {dimension_semantics = [#tpu.dimension_semantics<arbitrary>], iteration_bounds = array<i64: 10>, scalar_prefetch = 0 : i64, scratch_operands = 0 : i64, tpu.core_type = #tpu.core_type<tc>, window_params = [{transform_indices = @transform_0, window_bounds = array<i64: 1000, 128>}, {pipeline_mode = #tpu.pipeline_mode<synchronous>, transform_indices = @transform_1, window_bounds = array<i64: 128, 64>}, {transform_indices = @transform_2, window_bounds = array<i64: 2, 1000, 8>}, {transform_indices = @transform_3, window_bounds = array<i64: 1000, 64>}, {transform_indices = @transform_4, window_bounds = array<i64: 1000, 1>}]} {
    %get3A = arith.constant 0 : index
    %get3A_0 = arith.constant 0 : index
    %get3A_1 = arith.constant 0 : index
    %get3A_2 = vector.load %arg3[%get3A, %get3A_0, %get3A_1] : memref<2x1000x8xf32, #tpu.memory_space<vmem>>, vector<1x1000x1xf32>
    %get3A_3 = vector.shape_cast %get3A_2 : vector<1x1000x1xf32> to vector<1000x1xf32>
    %get3A_4 = arith.constant 1 : index
    %get3A_5 = arith.constant 0 : index
    %get3A_6 = arith.constant 0 : index
    %get3A_7 = vector.load %arg3[%get3A_4, %get3A_5, %get3A_6] : memref<2x1000x8xf32, #tpu.memory_space<vmem>>, vector<1x1000x1xf32>
    %get3A_8 = vector.shape_cast %get3A_7 : vector<1x1000x1xf32> to vector<1000x1xf32>
    %add3A = arith.addf %get3A_3, %get3A_8 : vector<1000x1xf32>
    %add3A_9 = arith.constant 1.000000e+00 : f32
    %add3A_10 = vector.broadcast %add3A_9 : f32 to vector<1000x1xf32>
    %add3A_11 = arith.addf %add3A, %add3A_10 : vector<1000x1xf32>
    %rsqrt3A = math.rsqrt %add3A_11 : vector<1000x1xf32>
    %get3A_12 = arith.constant 0 : index
    %get3A_13 = arith.constant 0 : index
    %get3A_14 = vector.load %arg1[%get3A_12, %get3A_13] : memref<1000x128xf32, #tpu.memory_space<vmem>>, vector<1000x128xf32>
    %get3A_15 = arith.constant 0 : index
    %get3A_16 = arith.constant 0 : index
    %get3A_17 = vector.load %arg2[%get3A_15, %get3A_16] : memref<128x64xf32, #tpu.memory_space<vmem>>, vector<128x64xf32>
    %dot_general3A = arith.constant dense<0.000000e+00> : vector<1000x64xf32>
    %dot_general3A_18 = tpu.matmul %get3A_14, %get3A_17, %dot_general3A {dimension_numbers = #tpu.dot_dimension_numbers<[1], [0], [0], [1], [0, 0, 1, 1], [], []>, transpose_lhs_hint = false} : vector<1000x128xf32>, vector<128x64xf32>, vector<1000x64xf32> -> vector<1000x64xf32>
    %mul3A = vector.broadcast %rsqrt3A : vector<1000x1xf32> to vector<1000x64xf32>
    %mul3A_19 = arith.mulf %dot_general3A_18, %mul3A : vector<1000x64xf32>
    %swap3A = arith.constant 0 : index
    %swap3A_20 = arith.constant 0 : index
    %swap3A_21 = vector.load %arg4[%swap3A, %swap3A_20] : memref<1000x64xf32, #tpu.memory_space<vmem>>, vector<1000x64xf32>
    tpu.vector_store %arg4[%swap3A, %swap3A_20], %mul3A_19 {strides = array<i32>} : memref<1000x64xf32, #tpu.memory_space<vmem>>, vector<1000x64xf32>,
    %swap3A_22 = arith.constant 0 : index
    %swap3A_23 = arith.constant 0 : index
    %swap3A_24 = vector.load %arg5[%swap3A_22, %swap3A_23] : memref<1000x1xf32, #tpu.memory_space<vmem>>, vector<1000x1xf32>
    tpu.vector_store %arg5[%swap3A_22, %swap3A_23], %rsqrt3A {strides = array<i32>} : memref<1000x1xf32, #tpu.memory_space<vmem>>, vector<1000x1xf32>,
    return
  }
  func.func @transform_0(%arg0: i32) -> (i32, i32) {
    %c0_i32 = arith.constant 0 : i32
    %c0_i32_0 = arith.constant 0 : i32
    return %arg0, %c0_i32 : i32, i32
  }
  func.func @transform_1(%arg0: i32) -> (i32, i32) {
    %c0_i32 = arith.constant 0 : i32
    %c0_i32_0 = arith.constant 0 : i32
    %c0_i32_1 = arith.constant 0 : i32
    return %c0_i32, %c0_i32_0 : i32, i32
  }
  func.func @transform_2(%arg0: i32) -> (i32, i32, i32) {
    %c0_i32 = arith.constant 0 : i32
    %c0_i32_0 = arith.constant 0 : i32
    %c0_i32_1 = arith.constant 0 : i32
    return %c0_i32, %arg0, %c0_i32_0 : i32, i32, i32
  }
  func.func @transform_3(%arg0: i32) -> (i32, i32) {
    %c0_i32 = arith.constant 0 : i32
    %c0_i32_0 = arith.constant 0 : i32
    return %arg0, %c0_i32 : i32, i32
  }
  func.func @transform_4(%arg0: i32) -> (i32, i32) {
    %c0_i32 = arith.constant 0 : i32
    %c0_i32_0 = arith.constant 0 : i32
    return %arg0, %c0_i32 : i32, i32
  }
}

module attributes {stable_mosaic.version = 14 : i64} {
  func.func @_mid_body(%arg0: i32, %arg1: memref<2x1000x64xf32, #tpu.memory_space<vmem>>, %arg2: memref<1000x64xf32, #tpu.memory_space<vmem>>, %arg3: memref<1000x1xf32, #tpu.memory_space<vmem>>, %arg4: memref<1x64xf32, #tpu.memory_space<vmem>>, %arg5: memref<64x64xf32, #tpu.memory_space<vmem>>, %arg6: memref<1000x64xf32, #tpu.memory_space<vmem>>) attributes {dimension_semantics = [#tpu.dimension_semantics<arbitrary>], iteration_bounds = array<i64: 10>, scalar_prefetch = 0 : i64, scratch_operands = 0 : i64, tpu.core_type = #tpu.core_type<tc>, window_params = [{transform_indices = @transform_0, window_bounds = array<i64: 2, 1000, 64>}, {transform_indices = @transform_1, window_bounds = array<i64: 1000, 64>}, {transform_indices = @transform_2, window_bounds = array<i64: 1000, 1>}, {pipeline_mode = #tpu.pipeline_mode<synchronous>, transform_indices = @transform_3, window_bounds = array<i64: 1, 64>}, {pipeline_mode = #tpu.pipeline_mode<synchronous>, transform_indices = @transform_4, window_bounds = array<i64: 64, 64>}, {transform_indices = @transform_5, window_bounds = array<i64: 1000, 64>}]} {
    %get3A = arith.constant 0 : index
    %get3A_0 = arith.constant 0 : index
    %get3A_1 = vector.load %arg3[%get3A, %get3A_0] : memref<1000x1xf32, #tpu.memory_space<vmem>>, vector<1000x1xf32>
    %get3A_2 = arith.constant 0 : index
    %get3A_3 = arith.constant 0 : index
    %get3A_4 = arith.constant 0 : index
    %get3A_5 = vector.load %arg1[%get3A_2, %get3A_3, %get3A_4] : memref<2x1000x64xf32, #tpu.memory_space<vmem>>, vector<1x1000x64xf32>
    %get3A_6 = vector.shape_cast %get3A_5 : vector<1x1000x64xf32> to vector<1000x64xf32>
    %get3A_7 = arith.constant 1 : index
    %get3A_8 = arith.constant 0 : index
    %get3A_9 = arith.constant 0 : index
    %get3A_10 = vector.load %arg1[%get3A_7, %get3A_8, %get3A_9] : memref<2x1000x64xf32, #tpu.memory_space<vmem>>, vector<1x1000x64xf32>
    %get3A_11 = vector.shape_cast %get3A_10 : vector<1x1000x64xf32> to vector<1000x64xf32>
    %add3A = arith.addf %get3A_6, %get3A_11 : vector<1000x64xf32>
    %get3A_12 = arith.constant 0 : index
    %get3A_13 = arith.constant 0 : index
    %get3A_14 = vector.load %arg2[%get3A_12, %get3A_13] : memref<1000x64xf32, #tpu.memory_space<vmem>>, vector<1000x64xf32>
    %add3A_15 = arith.addf %add3A, %get3A_14 : vector<1000x64xf32>
    %mul3A = vector.broadcast %get3A_1 : vector<1000x1xf32> to vector<1000x64xf32>
    %mul3A_16 = arith.mulf %mul3A, %add3A_15 : vector<1000x64xf32>
    %get3A_17 = arith.constant 0 : index
    %get3A_18 = arith.constant 0 : index
    %get3A_19 = vector.load %arg4[%get3A_17, %get3A_18] : memref<1x64xf32, #tpu.memory_space<vmem>>, vector<1x64xf32>
    %add3A_20 = vector.broadcast %get3A_19 : vector<1x64xf32> to vector<1000x64xf32>
    %add3A_21 = arith.addf %mul3A_16, %add3A_20 : vector<1000x64xf32>
    %max3A = arith.constant 0.000000e+00 : f32
    %max3A_22 = vector.broadcast %max3A : f32 to vector<1000x64xf32>
    %max3A_23 = arith.maximumf %add3A_21, %max3A_22 : vector<1000x64xf32>
    %get3A_24 = arith.constant 0 : index
    %get3A_25 = arith.constant 0 : index
    %get3A_26 = vector.load %arg5[%get3A_24, %get3A_25] : memref<64x64xf32, #tpu.memory_space<vmem>>, vector<64x64xf32>
    %dot_general3A = arith.constant dense<0.000000e+00> : vector<1000x64xf32>
    %dot_general3A_27 = tpu.matmul %max3A_23, %get3A_26, %dot_general3A {dimension_numbers = #tpu.dot_dimension_numbers<[1], [0], [0], [1], [0, 0, 1, 1], [], []>, transpose_lhs_hint = false} : vector<1000x64xf32>, vector<64x64xf32>, vector<1000x64xf32> -> vector<1000x64xf32>
    %mul3A_28 = vector.broadcast %get3A_1 : vector<1000x1xf32> to vector<1000x64xf32>
    %mul3A_29 = arith.mulf %mul3A_28, %dot_general3A_27 : vector<1000x64xf32>
    %swap3A = arith.constant 0 : index
    %swap3A_30 = arith.constant 0 : index
    %swap3A_31 = vector.load %arg6[%swap3A, %swap3A_30] : memref<1000x64xf32, #tpu.memory_space<vmem>>, vector<1000x64xf32>
    tpu.vector_store %arg6[%swap3A, %swap3A_30], %mul3A_29 {strides = array<i32>} : memref<1000x64xf32, #tpu.memory_space<vmem>>, vector<1000x64xf32>,
    return
  }
  func.func @transform_0(%arg0: i32) -> (i32, i32, i32) {
    %c0_i32 = arith.constant 0 : i32
    %c0_i32_0 = arith.constant 0 : i32
    %c0_i32_1 = arith.constant 0 : i32
    return %c0_i32, %arg0, %c0_i32_0 : i32, i32, i32
  }
  func.func @transform_1(%arg0: i32) -> (i32, i32) {
    %c0_i32 = arith.constant 0 : i32
    %c0_i32_0 = arith.constant 0 : i32
    return %arg0, %c0_i32 : i32, i32
  }
  func.func @transform_2(%arg0: i32) -> (i32, i32) {
    %c0_i32 = arith.constant 0 : i32
    %c0_i32_0 = arith.constant 0 : i32
    return %arg0, %c0_i32 : i32, i32
  }
  func.func @transform_3(%arg0: i32) -> (i32, i32) {
    %c0_i32 = arith.constant 0 : i32
    %c0_i32_0 = arith.constant 0 : i32
    %c0_i32_1 = arith.constant 0 : i32
    return %c0_i32, %c0_i32_0 : i32, i32
  }
  func.func @transform_4(%arg0: i32) -> (i32, i32) {
    %c0_i32 = arith.constant 0 : i32
    %c0_i32_0 = arith.constant 0 : i32
    %c0_i32_1 = arith.constant 0 : i32
    return %c0_i32, %c0_i32_0 : i32, i32
  }
  func.func @transform_5(%arg0: i32) -> (i32, i32) {
    %c0_i32 = arith.constant 0 : i32
    %c0_i32_0 = arith.constant 0 : i32
    return %arg0, %c0_i32 : i32, i32
  }
}

module attributes {stable_mosaic.version = 14 : i64} {
  func.func @_fin_body(%arg0: i32, %arg1: memref<2x1000x64xf32, #tpu.memory_space<vmem>>, %arg2: memref<1000x64xf32, #tpu.memory_space<vmem>>, %arg3: memref<1000x1xf32, #tpu.memory_space<vmem>>, %arg4: memref<1x64xf32, #tpu.memory_space<vmem>>, %arg5: memref<1000x64xf32, #tpu.memory_space<vmem>>) attributes {dimension_semantics = [#tpu.dimension_semantics<arbitrary>], iteration_bounds = array<i64: 10>, scalar_prefetch = 0 : i64, scratch_operands = 0 : i64, tpu.core_type = #tpu.core_type<tc>, window_params = [{transform_indices = @transform_0, window_bounds = array<i64: 2, 1000, 64>}, {transform_indices = @transform_1, window_bounds = array<i64: 1000, 64>}, {transform_indices = @transform_2, window_bounds = array<i64: 1000, 1>}, {pipeline_mode = #tpu.pipeline_mode<synchronous>, transform_indices = @transform_3, window_bounds = array<i64: 1, 64>}, {transform_indices = @transform_4, window_bounds = array<i64: 1000, 64>}]} {
    %get3A = arith.constant 0 : index
    %get3A_0 = arith.constant 0 : index
    %get3A_1 = vector.load %arg3[%get3A, %get3A_0] : memref<1000x1xf32, #tpu.memory_space<vmem>>, vector<1000x1xf32>
    %get3A_2 = arith.constant 0 : index
    %get3A_3 = arith.constant 0 : index
    %get3A_4 = arith.constant 0 : index
    %get3A_5 = vector.load %arg1[%get3A_2, %get3A_3, %get3A_4] : memref<2x1000x64xf32, #tpu.memory_space<vmem>>, vector<1x1000x64xf32>
    %get3A_6 = vector.shape_cast %get3A_5 : vector<1x1000x64xf32> to vector<1000x64xf32>
    %get3A_7 = arith.constant 1 : index
    %get3A_8 = arith.constant 0 : index
    %get3A_9 = arith.constant 0 : index
    %get3A_10 = vector.load %arg1[%get3A_7, %get3A_8, %get3A_9] : memref<2x1000x64xf32, #tpu.memory_space<vmem>>, vector<1x1000x64xf32>
    %get3A_11 = vector.shape_cast %get3A_10 : vector<1x1000x64xf32> to vector<1000x64xf32>
    %add3A = arith.addf %get3A_6, %get3A_11 : vector<1000x64xf32>
    %get3A_12 = arith.constant 0 : index
    %get3A_13 = arith.constant 0 : index
    %get3A_14 = vector.load %arg2[%get3A_12, %get3A_13] : memref<1000x64xf32, #tpu.memory_space<vmem>>, vector<1000x64xf32>
    %add3A_15 = arith.addf %add3A, %get3A_14 : vector<1000x64xf32>
    %mul3A = vector.broadcast %get3A_1 : vector<1000x1xf32> to vector<1000x64xf32>
    %mul3A_16 = arith.mulf %mul3A, %add3A_15 : vector<1000x64xf32>
    %get3A_17 = arith.constant 0 : index
    %get3A_18 = arith.constant 0 : index
    %get3A_19 = vector.load %arg4[%get3A_17, %get3A_18] : memref<1x64xf32, #tpu.memory_space<vmem>>, vector<1x64xf32>
    %add3A_20 = vector.broadcast %get3A_19 : vector<1x64xf32> to vector<1000x64xf32>
    %add3A_21 = arith.addf %mul3A_16, %add3A_20 : vector<1000x64xf32>
    %max3A = arith.constant 0.000000e+00 : f32
    %max3A_22 = vector.broadcast %max3A : f32 to vector<1000x64xf32>
    %max3A_23 = arith.maximumf %add3A_21, %max3A_22 : vector<1000x64xf32>
    %swap3A = arith.constant 0 : index
    %swap3A_24 = arith.constant 0 : index
    %swap3A_25 = vector.load %arg5[%swap3A, %swap3A_24] : memref<1000x64xf32, #tpu.memory_space<vmem>>, vector<1000x64xf32>
    tpu.vector_store %arg5[%swap3A, %swap3A_24], %max3A_23 {strides = array<i32>} : memref<1000x64xf32, #tpu.memory_space<vmem>>, vector<1000x64xf32>,
    return
  }
  func.func @transform_0(%arg0: i32) -> (i32, i32, i32) {
    %c0_i32 = arith.constant 0 : i32
    %c0_i32_0 = arith.constant 0 : i32
    %c0_i32_1 = arith.constant 0 : i32
    return %c0_i32, %arg0, %c0_i32_0 : i32, i32, i32
  }
  func.func @transform_1(%arg0: i32) -> (i32, i32) {
    %c0_i32 = arith.constant 0 : i32
    %c0_i32_0 = arith.constant 0 : i32
    return %arg0, %c0_i32 : i32, i32
  }
  func.func @transform_2(%arg0: i32) -> (i32, i32) {
    %c0_i32 = arith.constant 0 : i32
    %c0_i32_0 = arith.constant 0 : i32
    return %arg0, %c0_i32 : i32, i32
  }
  func.func @transform_3(%arg0: i32) -> (i32, i32) {
    %c0_i32 = arith.constant 0 : i32
    %c0_i32_0 = arith.constant 0 : i32
    %c0_i32_1 = arith.constant 0 : i32
    return %c0_i32, %c0_i32_0 : i32, i32
  }
  func.func @transform_4(%arg0: i32) -> (i32, i32) {
    %c0_i32 = arith.constant 0 : i32
    %c0_i32_0 = arith.constant 0 : i32
    return %arg0, %c0_i32 : i32, i32
  }
}

module attributes {stable_mosaic.version = 14 : i64} {
  func.func @_tr_body(%arg0: memref<10000x64xf32, #tpu.memory_space<vmem>>, %arg1: memref<64x10000xf32, #tpu.memory_space<vmem>>, %arg2: memref<64x10000xf32, #tpu.memory_space<vmem>>, %arg3: memref<10000x64xf32, #tpu.memory_space<vmem>>) attributes {dimension_semantics = [], scalar_prefetch = 0 : i64, scratch_operands = 0 : i64, tpu.core_type = #tpu.core_type<tc>} {
    %get3A = arith.constant 0 : index
    %get3A_0 = arith.constant 0 : index
    %get3A_1 = vector.load %arg0[%get3A, %get3A_0] : memref<10000x64xf32, #tpu.memory_space<vmem>>, vector<10000x64xf32>
    %transpose3A = tpu.transpose %get3A_1, [1, 0] : vector<10000x64xf32> -> vector<64x10000xf32>
    %swap3A = arith.constant 0 : index
    %swap3A_2 = arith.constant 0 : index
    %swap3A_3 = vector.load %arg2[%swap3A, %swap3A_2] : memref<64x10000xf32, #tpu.memory_space<vmem>>, vector<64x10000xf32>
    tpu.vector_store %arg2[%swap3A, %swap3A_2], %transpose3A {strides = array<i32>} : memref<64x10000xf32, #tpu.memory_space<vmem>>, vector<64x10000xf32>,
    %get3A_4 = arith.constant 0 : index
    %get3A_5 = arith.constant 0 : index
    %get3A_6 = vector.load %arg1[%get3A_4, %get3A_5] : memref<64x10000xf32, #tpu.memory_space<vmem>>, vector<64x10000xf32>
    %transpose3A_7 = tpu.transpose %get3A_6, [1, 0] : vector<64x10000xf32> -> vector<10000x64xf32>
    %swap3A_8 = arith.constant 0 : index
    %swap3A_9 = arith.constant 0 : index
    %swap3A_10 = vector.load %arg3[%swap3A_8, %swap3A_9] : memref<10000x64xf32, #tpu.memory_space<vmem>>, vector<10000x64xf32>
    tpu.vector_store %arg3[%swap3A_8, %swap3A_9], %transpose3A_7 {strides = array<i32>} : memref<10000x64xf32, #tpu.memory_space<vmem>>, vector<10000x64xf32>,
    return
  }
}

module attributes {stable_mosaic.version = 14 : i64} {
  func.func @_fc_body(%arg0: i32, %arg1: memref<10000x64xf32, #tpu.memory_space<vmem>>, %arg2: memref<64x10000xf32, #tpu.memory_space<vmem>>, %arg3: memref<64x10000xf32, #tpu.memory_space<vmem>>, %arg4: memref<10000x64xf32, #tpu.memory_space<vmem>>, %arg5: memref<1x10000xf32, #tpu.memory_space<vmem>>, %arg6: memref<10000x1xf32, #tpu.memory_space<vmem>>, %arg7: memref<10000x10000xf32, #tpu.memory_space<any>>, %arg8: memref<4x200x10000xf32, #tpu.memory_space<vmem>>, %arg9: memref<4x!tpu.dma_semaphore, #tpu.memory_space<semaphore_mem>>) attributes {dimension_semantics = [#tpu.dimension_semantics<arbitrary>], iteration_bounds = array<i64: 10>, scalar_prefetch = 0 : i64, scratch_operands = 2 : i64, tpu.core_type = #tpu.core_type<tc>, window_params = [{pipeline_mode = #tpu.pipeline_mode<synchronous>, transform_indices = @transform_0, window_bounds = array<i64: 10000, 64>}, {pipeline_mode = #tpu.pipeline_mode<synchronous>, transform_indices = @transform_1, window_bounds = array<i64: 64, 10000>}, {pipeline_mode = #tpu.pipeline_mode<synchronous>, transform_indices = @transform_2, window_bounds = array<i64: 64, 10000>}, {pipeline_mode = #tpu.pipeline_mode<synchronous>, transform_indices = @transform_3, window_bounds = array<i64: 10000, 64>}, {pipeline_mode = #tpu.pipeline_mode<synchronous>, transform_indices = @transform_4, window_bounds = array<i64: 1, 10000>}, {pipeline_mode = #tpu.pipeline_mode<synchronous>, transform_indices = @transform_5, window_bounds = array<i64: 10000, 1>}, {}]} {
    %gt3A = arith.constant 0 : i32
    %gt3A_0 = arith.cmpi sgt, %arg0, %gt3A : i32
    %convert_element_type3A = arith.extui %gt3A_0 : i1 to i32
    %cond3A = arith.constant 0 : i32
    %cond3A_1 = arith.cmpi ne, %convert_element_type3A, %cond3A : i32
    scf.if %cond3A_1 {
      %dma_wait3A_368 = arith.constant 0 : i32
      %dma_wait3A_369 = arith.constant 0 : i32
      %dma_wait3A_370 = tpu.memref_slice %arg9[%dma_wait3A_369] : memref<4x!tpu.dma_semaphore, #tpu.memory_space<semaphore_mem>> -> memref<1x!tpu.dma_semaphore, #tpu.memory_space<semaphore_mem>>
      %dma_wait3A_371 = tpu.memref_squeeze %dma_wait3A_370 : memref<1x!tpu.dma_semaphore, #tpu.memory_space<semaphore_mem>> -> memref<!tpu.dma_semaphore, #tpu.memory_space<semaphore_mem>>
      %dma_wait3A_372 = arith.constant 0 : i32
      %dma_wait3A_373 = arith.constant 0 : i32
      %dma_wait3A_374 = tpu.memref_slice %arg7[%dma_wait3A_372, %dma_wait3A_373] : memref<10000x10000xf32, #tpu.memory_space<any>> -> memref<200x10000xf32, #tpu.memory_space<any>>
      %dma_wait3A_375 = arith.constant 0 : i32
      %dma_wait3A_376 = arith.constant 0 : i32
      %dma_wait3A_377 = tpu.memref_slice %arg8[%dma_wait3A_368, %dma_wait3A_375, %dma_wait3A_376] : memref<4x200x10000xf32, #tpu.memory_space<vmem>> -> memref<1x200x10000xf32, #tpu.memory_space<vmem>>
      %dma_wait3A_378 = tpu.memref_squeeze %dma_wait3A_377 : memref<1x200x10000xf32, #tpu.memory_space<vmem>> -> memref<200x10000xf32, #tpu.memory_space<vmem>>
      tpu.wait_dma2 semaphore(%dma_wait3A_371 : memref<!tpu.dma_semaphore, #tpu.memory_space<semaphore_mem>>) src(%dma_wait3A_378 : memref<200x10000xf32, #tpu.memory_space<vmem>>) dst(%dma_wait3A_374 : memref<200x10000xf32, #tpu.memory_space<any>>)
    } else {
    }
    %mul3A = arith.constant 5 : i32
    %mul3A_2 = arith.muli %arg0, %mul3A : i32
    %add3A = arith.constant 0 : i32
    %add3A_3 = arith.addi %mul3A_2, %add3A : i32
    %mul3A_4 = arith.constant 200 : i32
    %mul3A_5 = arith.muli %add3A_3, %mul3A_4 : i32
    %multiple_of3A = tpu.assume_multiple %mul3A_5, 8 : i32
    %get3A = arith.index_cast %multiple_of3A : i32 to index
    %get3A_6 = arith.constant 0 : index
    %get3A_7 = vector.load %arg1[%get3A, %get3A_6] : memref<10000x64xf32, #tpu.memory_space<vmem>>, vector<200x64xf32>
    %get3A_8 = arith.constant 0 : index
    %get3A_9 = arith.constant 0 : index
    %get3A_10 = vector.load %arg2[%get3A_8, %get3A_9] : memref<64x10000xf32, #tpu.memory_space<vmem>>, vector<64x10000xf32>
    %dot_general3A = arith.constant dense<0.000000e+00> : vector<200x10000xf32>
    %dot_general3A_11 = tpu.matmul %get3A_7, %get3A_10, %dot_general3A {dimension_numbers = #tpu.dot_dimension_numbers<[1], [0], [0], [1], [0, 0, 1, 1], [], []>, transpose_lhs_hint = false} : vector<200x64xf32>, vector<64x10000xf32>, vector<200x10000xf32> -> vector<200x10000xf32>
    %get3A_12 = arith.constant 0 : index
    %get3A_13 = arith.constant 0 : index
    %get3A_14 = vector.load %arg5[%get3A_12, %get3A_13] : memref<1x10000xf32, #tpu.memory_space<vmem>>, vector<1x10000xf32>
    %add3A_15 = vector.broadcast %get3A_14 : vector<1x10000xf32> to vector<200x10000xf32>
    %add3A_16 = arith.addf %dot_general3A_11, %add3A_15 : vector<200x10000xf32>
    %get3A_17 = arith.index_cast %multiple_of3A : i32 to index
    %get3A_18 = arith.constant 0 : index
    %get3A_19 = vector.load %arg4[%get3A_17, %get3A_18] : memref<10000x64xf32, #tpu.memory_space<vmem>>, vector<200x64xf32>
    %get3A_20 = arith.constant 0 : index
    %get3A_21 = arith.constant 0 : index
    %get3A_22 = vector.load %arg3[%get3A_20, %get3A_21] : memref<64x10000xf32, #tpu.memory_space<vmem>>, vector<64x10000xf32>
    %dot_general3A_23 = arith.constant dense<0.000000e+00> : vector<200x10000xf32>
    %dot_general3A_24 = tpu.matmul %get3A_19, %get3A_22, %dot_general3A_23 {dimension_numbers = #tpu.dot_dimension_numbers<[1], [0], [0], [1], [0, 0, 1, 1], [], []>, transpose_lhs_hint = false} : vector<200x64xf32>, vector<64x10000xf32>, vector<200x10000xf32> -> vector<200x10000xf32>
    %get3A_25 = arith.index_cast %multiple_of3A : i32 to index
    %get3A_26 = arith.constant 0 : index
    %get3A_27 = vector.load %arg6[%get3A_25, %get3A_26] : memref<10000x1xf32, #tpu.memory_space<vmem>>, vector<200x1xf32>
    %add3A_28 = vector.broadcast %get3A_27 : vector<200x1xf32> to vector<200x10000xf32>
    %add3A_29 = arith.addf %dot_general3A_24, %add3A_28 : vector<200x10000xf32>
    %tanh3A = math.tanh %add3A_16 : vector<200x10000xf32>
    %mul3A_30 = arith.constant 5.000000e-01 : f32
    %mul3A_31 = vector.broadcast %mul3A_30 : f32 to vector<200x10000xf32>
    %mul3A_32 = arith.mulf %mul3A_31, %tanh3A : vector<200x10000xf32>
    %swap3A = arith.constant 0 : index
    %swap3A_33 = arith.constant 0 : index
    %swap3A_34 = arith.constant 0 : index
    %swap3A_35 = vector.load %arg8[%swap3A, %swap3A_33, %swap3A_34] : memref<4x200x10000xf32, #tpu.memory_space<vmem>>, vector<1x200x10000xf32>
    %swap3A_36 = vector.shape_cast %swap3A_35 : vector<1x200x10000xf32> to vector<200x10000xf32>
    %swap3A_37 = vector.shape_cast %mul3A_32 : vector<200x10000xf32> to vector<1x200x10000xf32>
    tpu.vector_store %arg8[%swap3A, %swap3A_33, %swap3A_34], %swap3A_37 {strides = array<i32>} : memref<4x200x10000xf32, #tpu.memory_space<vmem>>, vector<1x200x10000xf32>,
    %get3A_38 = arith.constant 0 : index
    %get3A_39 = arith.constant 0 : index
    %get3A_40 = arith.constant 0 : index
    %get3A_41 = vector.load %arg8[%get3A_38, %get3A_39, %get3A_40] : memref<4x200x10000xf32, #tpu.memory_space<vmem>>, vector<1x200x10000xf32>
    %get3A_42 = vector.shape_cast %get3A_41 : vector<1x200x10000xf32> to vector<200x10000xf32>
    %tanh3A_43 = math.tanh %add3A_29 : vector<200x10000xf32>
    %mul3A_44 = arith.constant 5.000000e-01 : f32
    %mul3A_45 = vector.broadcast %mul3A_44 : f32 to vector<200x10000xf32>
    %mul3A_46 = arith.mulf %mul3A_45, %tanh3A_43 : vector<200x10000xf32>
    %add3A_47 = arith.addf %get3A_42, %mul3A_46 : vector<200x10000xf32>
    %swap3A_48 = arith.constant 0 : index
    %swap3A_49 = arith.constant 0 : index
    %swap3A_50 = arith.constant 0 : index
    %swap3A_51 = vector.load %arg8[%swap3A_48, %swap3A_49, %swap3A_50] : memref<4x200x10000xf32, #tpu.memory_space<vmem>>, vector<1x200x10000xf32>
    %swap3A_52 = vector.shape_cast %swap3A_51 : vector<1x200x10000xf32> to vector<200x10000xf32>
    %swap3A_53 = vector.shape_cast %add3A_47 : vector<200x10000xf32> to vector<1x200x10000xf32>
    tpu.vector_store %arg8[%swap3A_48, %swap3A_49, %swap3A_50], %swap3A_53 {strides = array<i32>} : memref<4x200x10000xf32, #tpu.memory_space<vmem>>, vector<1x200x10000xf32>,
    %dma_start3A = arith.constant 0 : i32
    %dma_start3A_54 = arith.constant 0 : i32
    %dma_start3A_55 = tpu.memref_slice %arg9[%dma_start3A_54] : memref<4x!tpu.dma_semaphore, #tpu.memory_space<semaphore_mem>> -> memref<1x!tpu.dma_semaphore, #tpu.memory_space<semaphore_mem>>
    %dma_start3A_56 = tpu.memref_squeeze %dma_start3A_55 : memref<1x!tpu.dma_semaphore, #tpu.memory_space<semaphore_mem>> -> memref<!tpu.dma_semaphore, #tpu.memory_space<semaphore_mem>>
    %dma_start3A_57 = arith.constant 0 : i32
    %dma_start3A_58 = tpu.memref_slice %arg7[%multiple_of3A, %dma_start3A_57] : memref<10000x10000xf32, #tpu.memory_space<any>> -> memref<200x10000xf32, #tpu.memory_space<any>>
    %dma_start3A_59 = arith.constant 0 : i32
    %dma_start3A_60 = arith.constant 0 : i32
    %dma_start3A_61 = tpu.memref_slice %arg8[%dma_start3A, %dma_start3A_59, %dma_start3A_60] : memref<4x200x10000xf32, #tpu.memory_space<vmem>> -> memref<1x200x10000xf32, #tpu.memory_space<vmem>>
    %dma_start3A_62 = tpu.memref_squeeze %dma_start3A_61 : memref<1x200x10000xf32, #tpu.memory_space<vmem>> -> memref<200x10000xf32, #tpu.memory_space<vmem>>
    tpu.enqueue_dma source(%dma_start3A_62 : memref<200x10000xf32, #tpu.memory_space<vmem>>) target(%dma_start3A_58 : memref<200x10000xf32, #tpu.memory_space<any>>) target_semaphore(%dma_start3A_56 : memref<!tpu.dma_semaphore, #tpu.memory_space<semaphore_mem>>)
    %gt3A_63 = arith.constant 0 : i32
    %gt3A_64 = arith.cmpi sgt, %arg0, %gt3A_63 : i32
    %convert_element_type3A_65 = arith.extui %gt3A_64 : i1 to i32
    %cond3A_66 = arith.constant 0 : i32
    %cond3A_67 = arith.cmpi ne, %convert_element_type3A_65, %cond3A_66 : i32
    scf.if %cond3A_67 {
      %dma_wait3A_368 = arith.constant 1 : i32
      %dma_wait3A_369 = arith.constant 1 : i32
      %dma_wait3A_370 = tpu.memref_slice %arg9[%dma_wait3A_369] : memref<4x!tpu.dma_semaphore, #tpu.memory_space<semaphore_mem>> -> memref<1x!tpu.dma_semaphore, #tpu.memory_space<semaphore_mem>>
      %dma_wait3A_371 = tpu.memref_squeeze %dma_wait3A_370 : memref<1x!tpu.dma_semaphore, #tpu.memory_space<semaphore_mem>> -> memref<!tpu.dma_semaphore, #tpu.memory_space<semaphore_mem>>
      %dma_wait3A_372 = arith.constant 0 : i32
      %dma_wait3A_373 = arith.constant 0 : i32
      %dma_wait3A_374 = tpu.memref_slice %arg7[%dma_wait3A_372, %dma_wait3A_373] : memref<10000x10000xf32, #tpu.memory_space<any>> -> memref<200x10000xf32, #tpu.memory_space<any>>
      %dma_wait3A_375 = arith.constant 0 : i32
      %dma_wait3A_376 = arith.constant 0 : i32
      %dma_wait3A_377 = tpu.memref_slice %arg8[%dma_wait3A_368, %dma_wait3A_375, %dma_wait3A_376] : memref<4x200x10000xf32, #tpu.memory_space<vmem>> -> memref<1x200x10000xf32, #tpu.memory_space<vmem>>
      %dma_wait3A_378 = tpu.memref_squeeze %dma_wait3A_377 : memref<1x200x10000xf32, #tpu.memory_space<vmem>> -> memref<200x10000xf32, #tpu.memory_space<vmem>>
      tpu.wait_dma2 semaphore(%dma_wait3A_371 : memref<!tpu.dma_semaphore, #tpu.memory_space<semaphore_mem>>) src(%dma_wait3A_378 : memref<200x10000xf32, #tpu.memory_space<vmem>>) dst(%dma_wait3A_374 : memref<200x10000xf32, #tpu.memory_space<any>>)
    } else {
    }
    %mul3A_68 = arith.constant 5 : i32
    %mul3A_69 = arith.muli %arg0, %mul3A_68 : i32
    %add3A_70 = arith.constant 1 : i32
    %add3A_71 = arith.addi %mul3A_69, %add3A_70 : i32
    %mul3A_72 = arith.constant 200 : i32
    %mul3A_73 = arith.muli %add3A_71, %mul3A_72 : i32
    %multiple_of3A_74 = tpu.assume_multiple %mul3A_73, 8 : i32
    %get3A_75 = arith.index_cast %multiple_of3A_74 : i32 to index
    %get3A_76 = arith.constant 0 : index
    %get3A_77 = vector.load %arg1[%get3A_75, %get3A_76] : memref<10000x64xf32, #tpu.memory_space<vmem>>, vector<200x64xf32>
    %get3A_78 = arith.constant 0 : index
    %get3A_79 = arith.constant 0 : index
    %get3A_80 = vector.load %arg2[%get3A_78, %get3A_79] : memref<64x10000xf32, #tpu.memory_space<vmem>>, vector<64x10000xf32>
    %dot_general3A_81 = arith.constant dense<0.000000e+00> : vector<200x10000xf32>
    %dot_general3A_82 = tpu.matmul %get3A_77, %get3A_80, %dot_general3A_81 {dimension_numbers = #tpu.dot_dimension_numbers<[1], [0], [0], [1], [0, 0, 1, 1], [], []>, transpose_lhs_hint = false} : vector<200x64xf32>, vector<64x10000xf32>, vector<200x10000xf32> -> vector<200x10000xf32>
    %get3A_83 = arith.constant 0 : index
    %get3A_84 = arith.constant 0 : index
    %get3A_85 = vector.load %arg5[%get3A_83, %get3A_84] : memref<1x10000xf32, #tpu.memory_space<vmem>>, vector<1x10000xf32>
    %add3A_86 = vector.broadcast %get3A_85 : vector<1x10000xf32> to vector<200x10000xf32>
    %add3A_87 = arith.addf %dot_general3A_82, %add3A_86 : vector<200x10000xf32>
    %get3A_88 = arith.index_cast %multiple_of3A_74 : i32 to index
    %get3A_89 = arith.constant 0 : index
    %get3A_90 = vector.load %arg4[%get3A_88, %get3A_89] : memref<10000x64xf32, #tpu.memory_space<vmem>>, vector<200x64xf32>
    %get3A_91 = arith.constant 0 : index
    %get3A_92 = arith.constant 0 : index
    %get3A_93 = vector.load %arg3[%get3A_91, %get3A_92] : memref<64x10000xf32, #tpu.memory_space<vmem>>, vector<64x10000xf32>
    %dot_general3A_94 = arith.constant dense<0.000000e+00> : vector<200x10000xf32>
    %dot_general3A_95 = tpu.matmul %get3A_90, %get3A_93, %dot_general3A_94 {dimension_numbers = #tpu.dot_dimension_numbers<[1], [0], [0], [1], [0, 0, 1, 1], [], []>, transpose_lhs_hint = false} : vector<200x64xf32>, vector<64x10000xf32>, vector<200x10000xf32> -> vector<200x10000xf32>
    %get3A_96 = arith.index_cast %multiple_of3A_74 : i32 to index
    %get3A_97 = arith.constant 0 : index
    %get3A_98 = vector.load %arg6[%get3A_96, %get3A_97] : memref<10000x1xf32, #tpu.memory_space<vmem>>, vector<200x1xf32>
    %add3A_99 = vector.broadcast %get3A_98 : vector<200x1xf32> to vector<200x10000xf32>
    %add3A_100 = arith.addf %dot_general3A_95, %add3A_99 : vector<200x10000xf32>
    %tanh3A_101 = math.tanh %add3A_87 : vector<200x10000xf32>
    %mul3A_102 = arith.constant 5.000000e-01 : f32
    %mul3A_103 = vector.broadcast %mul3A_102 : f32 to vector<200x10000xf32>
    %mul3A_104 = arith.mulf %mul3A_103, %tanh3A_101 : vector<200x10000xf32>
    %swap3A_105 = arith.constant 1 : index
    %swap3A_106 = arith.constant 0 : index
    %swap3A_107 = arith.constant 0 : index
    %swap3A_108 = vector.load %arg8[%swap3A_105, %swap3A_106, %swap3A_107] : memref<4x200x10000xf32, #tpu.memory_space<vmem>>, vector<1x200x10000xf32>
    %swap3A_109 = vector.shape_cast %swap3A_108 : vector<1x200x10000xf32> to vector<200x10000xf32>
    %swap3A_110 = vector.shape_cast %mul3A_104 : vector<200x10000xf32> to vector<1x200x10000xf32>
    tpu.vector_store %arg8[%swap3A_105, %swap3A_106, %swap3A_107], %swap3A_110 {strides = array<i32>} : memref<4x200x10000xf32, #tpu.memory_space<vmem>>, vector<1x200x10000xf32>,
    %get3A_111 = arith.constant 1 : index
    %get3A_112 = arith.constant 0 : index
    %get3A_113 = arith.constant 0 : index
    %get3A_114 = vector.load %arg8[%get3A_111, %get3A_112, %get3A_113] : memref<4x200x10000xf32, #tpu.memory_space<vmem>>, vector<1x200x10000xf32>
    %get3A_115 = vector.shape_cast %get3A_114 : vector<1x200x10000xf32> to vector<200x10000xf32>
    %tanh3A_116 = math.tanh %add3A_100 : vector<200x10000xf32>
    %mul3A_117 = arith.constant 5.000000e-01 : f32
    %mul3A_118 = vector.broadcast %mul3A_117 : f32 to vector<200x10000xf32>
    %mul3A_119 = arith.mulf %mul3A_118, %tanh3A_116 : vector<200x10000xf32>
    %add3A_120 = arith.addf %get3A_115, %mul3A_119 : vector<200x10000xf32>
    %swap3A_121 = arith.constant 1 : index
    %swap3A_122 = arith.constant 0 : index
    %swap3A_123 = arith.constant 0 : index
    %swap3A_124 = vector.load %arg8[%swap3A_121, %swap3A_122, %swap3A_123] : memref<4x200x10000xf32, #tpu.memory_space<vmem>>, vector<1x200x10000xf32>
    %swap3A_125 = vector.shape_cast %swap3A_124 : vector<1x200x10000xf32> to vector<200x10000xf32>
    %swap3A_126 = vector.shape_cast %add3A_120 : vector<200x10000xf32> to vector<1x200x10000xf32>
    tpu.vector_store %arg8[%swap3A_121, %swap3A_122, %swap3A_123], %swap3A_126 {strides = array<i32>} : memref<4x200x10000xf32, #tpu.memory_space<vmem>>, vector<1x200x10000xf32>,
    %dma_start3A_127 = arith.constant 1 : i32
    %dma_start3A_128 = arith.constant 1 : i32
    %dma_start3A_129 = tpu.memref_slice %arg9[%dma_start3A_128] : memref<4x!tpu.dma_semaphore, #tpu.memory_space<semaphore_mem>> -> memref<1x!tpu.dma_semaphore, #tpu.memory_space<semaphore_mem>>
    %dma_start3A_130 = tpu.memref_squeeze %dma_start3A_129 : memref<1x!tpu.dma_semaphore, #tpu.memory_space<semaphore_mem>> -> memref<!tpu.dma_semaphore, #tpu.memory_space<semaphore_mem>>
    %dma_start3A_131 = arith.constant 0 : i32
    %dma_start3A_132 = tpu.memref_slice %arg7[%multiple_of3A_74, %dma_start3A_131] : memref<10000x10000xf32, #tpu.memory_space<any>> -> memref<200x10000xf32, #tpu.memory_space<any>>
    %dma_start3A_133 = arith.constant 0 : i32
    %dma_start3A_134 = arith.constant 0 : i32
    %dma_start3A_135 = tpu.memref_slice %arg8[%dma_start3A_127, %dma_start3A_133, %dma_start3A_134] : memref<4x200x10000xf32, #tpu.memory_space<vmem>> -> memref<1x200x10000xf32, #tpu.memory_space<vmem>>
    %dma_start3A_136 = tpu.memref_squeeze %dma_start3A_135 : memref<1x200x10000xf32, #tpu.memory_space<vmem>> -> memref<200x10000xf32, #tpu.memory_space<vmem>>
    tpu.enqueue_dma source(%dma_start3A_136 : memref<200x10000xf32, #tpu.memory_space<vmem>>) target(%dma_start3A_132 : memref<200x10000xf32, #tpu.memory_space<any>>) target_semaphore(%dma_start3A_130 : memref<!tpu.dma_semaphore, #tpu.memory_space<semaphore_mem>>)
    %gt3A_137 = arith.constant 0 : i32
    %gt3A_138 = arith.cmpi sgt, %arg0, %gt3A_137 : i32
    %convert_element_type3A_139 = arith.extui %gt3A_138 : i1 to i32
    %cond3A_140 = arith.constant 0 : i32
    %cond3A_141 = arith.cmpi ne, %convert_element_type3A_139, %cond3A_140 : i32
    scf.if %cond3A_141 {
      %dma_wait3A_368 = arith.constant 2 : i32
      %dma_wait3A_369 = arith.constant 2 : i32
      %dma_wait3A_370 = tpu.memref_slice %arg9[%dma_wait3A_369] : memref<4x!tpu.dma_semaphore, #tpu.memory_space<semaphore_mem>> -> memref<1x!tpu.dma_semaphore, #tpu.memory_space<semaphore_mem>>
      %dma_wait3A_371 = tpu.memref_squeeze %dma_wait3A_370 : memref<1x!tpu.dma_semaphore, #tpu.memory_space<semaphore_mem>> -> memref<!tpu.dma_semaphore, #tpu.memory_space<semaphore_mem>>
      %dma_wait3A_372 = arith.constant 0 : i32
      %dma_wait3A_373 = arith.constant 0 : i32
      %dma_wait3A_374 = tpu.memref_slice %arg7[%dma_wait3A_372, %dma_wait3A_373] : memref<10000x10000xf32, #tpu.memory_space<any>> -> memref<200x10000xf32, #tpu.memory_space<any>>
      %dma_wait3A_375 = arith.constant 0 : i32
      %dma_wait3A_376 = arith.constant 0 : i32
      %dma_wait3A_377 = tpu.memref_slice %arg8[%dma_wait3A_368, %dma_wait3A_375, %dma_wait3A_376] : memref<4x200x10000xf32, #tpu.memory_space<vmem>> -> memref<1x200x10000xf32, #tpu.memory_space<vmem>>
      %dma_wait3A_378 = tpu.memref_squeeze %dma_wait3A_377 : memref<1x200x10000xf32, #tpu.memory_space<vmem>> -> memref<200x10000xf32, #tpu.memory_space<vmem>>
      tpu.wait_dma2 semaphore(%dma_wait3A_371 : memref<!tpu.dma_semaphore, #tpu.memory_space<semaphore_mem>>) src(%dma_wait3A_378 : memref<200x10000xf32, #tpu.memory_space<vmem>>) dst(%dma_wait3A_374 : memref<200x10000xf32, #tpu.memory_space<any>>)
    } else {
    }
    %mul3A_142 = arith.constant 5 : i32
    %mul3A_143 = arith.muli %arg0, %mul3A_142 : i32
    %add3A_144 = arith.constant 2 : i32
    %add3A_145 = arith.addi %mul3A_143, %add3A_144 : i32
    %mul3A_146 = arith.constant 200 : i32
    %mul3A_147 = arith.muli %add3A_145, %mul3A_146 : i32
    %multiple_of3A_148 = tpu.assume_multiple %mul3A_147, 8 : i32
    %get3A_149 = arith.index_cast %multiple_of3A_148 : i32 to index
    %get3A_150 = arith.constant 0 : index
    %get3A_151 = vector.load %arg1[%get3A_149, %get3A_150] : memref<10000x64xf32, #tpu.memory_space<vmem>>, vector<200x64xf32>
    %get3A_152 = arith.constant 0 : index
    %get3A_153 = arith.constant 0 : index
    %get3A_154 = vector.load %arg2[%get3A_152, %get3A_153] : memref<64x10000xf32, #tpu.memory_space<vmem>>, vector<64x10000xf32>
    %dot_general3A_155 = arith.constant dense<0.000000e+00> : vector<200x10000xf32>
    %dot_general3A_156 = tpu.matmul %get3A_151, %get3A_154, %dot_general3A_155 {dimension_numbers = #tpu.dot_dimension_numbers<[1], [0], [0], [1], [0, 0, 1, 1], [], []>, transpose_lhs_hint = false} : vector<200x64xf32>, vector<64x10000xf32>, vector<200x10000xf32> -> vector<200x10000xf32>
    %get3A_157 = arith.constant 0 : index
    %get3A_158 = arith.constant 0 : index
    %get3A_159 = vector.load %arg5[%get3A_157, %get3A_158] : memref<1x10000xf32, #tpu.memory_space<vmem>>, vector<1x10000xf32>
    %add3A_160 = vector.broadcast %get3A_159 : vector<1x10000xf32> to vector<200x10000xf32>
    %add3A_161 = arith.addf %dot_general3A_156, %add3A_160 : vector<200x10000xf32>
    %get3A_162 = arith.index_cast %multiple_of3A_148 : i32 to index
    %get3A_163 = arith.constant 0 : index
    %get3A_164 = vector.load %arg4[%get3A_162, %get3A_163] : memref<10000x64xf32, #tpu.memory_space<vmem>>, vector<200x64xf32>
    %get3A_165 = arith.constant 0 : index
    %get3A_166 = arith.constant 0 : index
    %get3A_167 = vector.load %arg3[%get3A_165, %get3A_166] : memref<64x10000xf32, #tpu.memory_space<vmem>>, vector<64x10000xf32>
    %dot_general3A_168 = arith.constant dense<0.000000e+00> : vector<200x10000xf32>
    %dot_general3A_169 = tpu.matmul %get3A_164, %get3A_167, %dot_general3A_168 {dimension_numbers = #tpu.dot_dimension_numbers<[1], [0], [0], [1], [0, 0, 1, 1], [], []>, transpose_lhs_hint = false} : vector<200x64xf32>, vector<64x10000xf32>, vector<200x10000xf32> -> vector<200x10000xf32>
    %get3A_170 = arith.index_cast %multiple_of3A_148 : i32 to index
    %get3A_171 = arith.constant 0 : index
    %get3A_172 = vector.load %arg6[%get3A_170, %get3A_171] : memref<10000x1xf32, #tpu.memory_space<vmem>>, vector<200x1xf32>
    %add3A_173 = vector.broadcast %get3A_172 : vector<200x1xf32> to vector<200x10000xf32>
    %add3A_174 = arith.addf %dot_general3A_169, %add3A_173 : vector<200x10000xf32>
    %tanh3A_175 = math.tanh %add3A_161 : vector<200x10000xf32>
    %mul3A_176 = arith.constant 5.000000e-01 : f32
    %mul3A_177 = vector.broadcast %mul3A_176 : f32 to vector<200x10000xf32>
    %mul3A_178 = arith.mulf %mul3A_177, %tanh3A_175 : vector<200x10000xf32>
    %swap3A_179 = arith.constant 2 : index
    %swap3A_180 = arith.constant 0 : index
    %swap3A_181 = arith.constant 0 : index
    %swap3A_182 = vector.load %arg8[%swap3A_179, %swap3A_180, %swap3A_181] : memref<4x200x10000xf32, #tpu.memory_space<vmem>>, vector<1x200x10000xf32>
    %swap3A_183 = vector.shape_cast %swap3A_182 : vector<1x200x10000xf32> to vector<200x10000xf32>
    %swap3A_184 = vector.shape_cast %mul3A_178 : vector<200x10000xf32> to vector<1x200x10000xf32>
    tpu.vector_store %arg8[%swap3A_179, %swap3A_180, %swap3A_181], %swap3A_184 {strides = array<i32>} : memref<4x200x10000xf32, #tpu.memory_space<vmem>>, vector<1x200x10000xf32>,
    %get3A_185 = arith.constant 2 : index
    %get3A_186 = arith.constant 0 : index
    %get3A_187 = arith.constant 0 : index
    %get3A_188 = vector.load %arg8[%get3A_185, %get3A_186, %get3A_187] : memref<4x200x10000xf32, #tpu.memory_space<vmem>>, vector<1x200x10000xf32>
    %get3A_189 = vector.shape_cast %get3A_188 : vector<1x200x10000xf32> to vector<200x10000xf32>
    %tanh3A_190 = math.tanh %add3A_174 : vector<200x10000xf32>
    %mul3A_191 = arith.constant 5.000000e-01 : f32
    %mul3A_192 = vector.broadcast %mul3A_191 : f32 to vector<200x10000xf32>
    %mul3A_193 = arith.mulf %mul3A_192, %tanh3A_190 : vector<200x10000xf32>
    %add3A_194 = arith.addf %get3A_189, %mul3A_193 : vector<200x10000xf32>
    %swap3A_195 = arith.constant 2 : index
    %swap3A_196 = arith.constant 0 : index
    %swap3A_197 = arith.constant 0 : index
    %swap3A_198 = vector.load %arg8[%swap3A_195, %swap3A_196, %swap3A_197] : memref<4x200x10000xf32, #tpu.memory_space<vmem>>, vector<1x200x10000xf32>
    %swap3A_199 = vector.shape_cast %swap3A_198 : vector<1x200x10000xf32> to vector<200x10000xf32>
    %swap3A_200 = vector.shape_cast %add3A_194 : vector<200x10000xf32> to vector<1x200x10000xf32>
    tpu.vector_store %arg8[%swap3A_195, %swap3A_196, %swap3A_197], %swap3A_200 {strides = array<i32>} : memref<4x200x10000xf32, #tpu.memory_space<vmem>>, vector<1x200x10000xf32>,
    %dma_start3A_201 = arith.constant 2 : i32
    %dma_start3A_202 = arith.constant 2 : i32
    %dma_start3A_203 = tpu.memref_slice %arg9[%dma_start3A_202] : memref<4x!tpu.dma_semaphore, #tpu.memory_space<semaphore_mem>> -> memref<1x!tpu.dma_semaphore, #tpu.memory_space<semaphore_mem>>
    %dma_start3A_204 = tpu.memref_squeeze %dma_start3A_203 : memref<1x!tpu.dma_semaphore, #tpu.memory_space<semaphore_mem>> -> memref<!tpu.dma_semaphore, #tpu.memory_space<semaphore_mem>>
    %dma_start3A_205 = arith.constant 0 : i32
    %dma_start3A_206 = tpu.memref_slice %arg7[%multiple_of3A_148, %dma_start3A_205] : memref<10000x10000xf32, #tpu.memory_space<any>> -> memref<200x10000xf32, #tpu.memory_space<any>>
    %dma_start3A_207 = arith.constant 0 : i32
    %dma_start3A_208 = arith.constant 0 : i32
    %dma_start3A_209 = tpu.memref_slice %arg8[%dma_start3A_201, %dma_start3A_207, %dma_start3A_208] : memref<4x200x10000xf32, #tpu.memory_space<vmem>> -> memref<1x200x10000xf32, #tpu.memory_space<vmem>>
    %dma_start3A_210 = tpu.memref_squeeze %dma_start3A_209 : memref<1x200x10000xf32, #tpu.memory_space<vmem>> -> memref<200x10000xf32, #tpu.memory_space<vmem>>
    tpu.enqueue_dma source(%dma_start3A_210 : memref<200x10000xf32, #tpu.memory_space<vmem>>) target(%dma_start3A_206 : memref<200x10000xf32, #tpu.memory_space<any>>) target_semaphore(%dma_start3A_204 : memref<!tpu.dma_semaphore, #tpu.memory_space<semaphore_mem>>)
    %gt3A_211 = arith.constant 0 : i32
    %gt3A_212 = arith.cmpi sgt, %arg0, %gt3A_211 : i32
    %convert_element_type3A_213 = arith.extui %gt3A_212 : i1 to i32
    %cond3A_214 = arith.constant 0 : i32
    %cond3A_215 = arith.cmpi ne, %convert_element_type3A_213, %cond3A_214 : i32
    scf.if %cond3A_215 {
      %dma_wait3A_368 = arith.constant 3 : i32
      %dma_wait3A_369 = arith.constant 3 : i32
      %dma_wait3A_370 = tpu.memref_slice %arg9[%dma_wait3A_369] : memref<4x!tpu.dma_semaphore, #tpu.memory_space<semaphore_mem>> -> memref<1x!tpu.dma_semaphore, #tpu.memory_space<semaphore_mem>>
      %dma_wait3A_371 = tpu.memref_squeeze %dma_wait3A_370 : memref<1x!tpu.dma_semaphore, #tpu.memory_space<semaphore_mem>> -> memref<!tpu.dma_semaphore, #tpu.memory_space<semaphore_mem>>
      %dma_wait3A_372 = arith.constant 0 : i32
      %dma_wait3A_373 = arith.constant 0 : i32
      %dma_wait3A_374 = tpu.memref_slice %arg7[%dma_wait3A_372, %dma_wait3A_373] : memref<10000x10000xf32, #tpu.memory_space<any>> -> memref<200x10000xf32, #tpu.memory_space<any>>
      %dma_wait3A_375 = arith.constant 0 : i32
      %dma_wait3A_376 = arith.constant 0 : i32
      %dma_wait3A_377 = tpu.memref_slice %arg8[%dma_wait3A_368, %dma_wait3A_375, %dma_wait3A_376] : memref<4x200x10000xf32, #tpu.memory_space<vmem>> -> memref<1x200x10000xf32, #tpu.memory_space<vmem>>
      %dma_wait3A_378 = tpu.memref_squeeze %dma_wait3A_377 : memref<1x200x10000xf32, #tpu.memory_space<vmem>> -> memref<200x10000xf32, #tpu.memory_space<vmem>>
      tpu.wait_dma2 semaphore(%dma_wait3A_371 : memref<!tpu.dma_semaphore, #tpu.memory_space<semaphore_mem>>) src(%dma_wait3A_378 : memref<200x10000xf32, #tpu.memory_space<vmem>>) dst(%dma_wait3A_374 : memref<200x10000xf32, #tpu.memory_space<any>>)
    } else {
    }
    %mul3A_216 = arith.constant 5 : i32
    %mul3A_217 = arith.muli %arg0, %mul3A_216 : i32
    %add3A_218 = arith.constant 3 : i32
    %add3A_219 = arith.addi %mul3A_217, %add3A_218 : i32
    %mul3A_220 = arith.constant 200 : i32
    %mul3A_221 = arith.muli %add3A_219, %mul3A_220 : i32
    %multiple_of3A_222 = tpu.assume_multiple %mul3A_221, 8 : i32
    %get3A_223 = arith.index_cast %multiple_of3A_222 : i32 to index
    %get3A_224 = arith.constant 0 : index
    %get3A_225 = vector.load %arg1[%get3A_223, %get3A_224] : memref<10000x64xf32, #tpu.memory_space<vmem>>, vector<200x64xf32>
    %get3A_226 = arith.constant 0 : index
    %get3A_227 = arith.constant 0 : index
    %get3A_228 = vector.load %arg2[%get3A_226, %get3A_227] : memref<64x10000xf32, #tpu.memory_space<vmem>>, vector<64x10000xf32>
    %dot_general3A_229 = arith.constant dense<0.000000e+00> : vector<200x10000xf32>
    %dot_general3A_230 = tpu.matmul %get3A_225, %get3A_228, %dot_general3A_229 {dimension_numbers = #tpu.dot_dimension_numbers<[1], [0], [0], [1], [0, 0, 1, 1], [], []>, transpose_lhs_hint = false} : vector<200x64xf32>, vector<64x10000xf32>, vector<200x10000xf32> -> vector<200x10000xf32>
    %get3A_231 = arith.constant 0 : index
    %get3A_232 = arith.constant 0 : index
    %get3A_233 = vector.load %arg5[%get3A_231, %get3A_232] : memref<1x10000xf32, #tpu.memory_space<vmem>>, vector<1x10000xf32>
    %add3A_234 = vector.broadcast %get3A_233 : vector<1x10000xf32> to vector<200x10000xf32>
    %add3A_235 = arith.addf %dot_general3A_230, %add3A_234 : vector<200x10000xf32>
    %get3A_236 = arith.index_cast %multiple_of3A_222 : i32 to index
    %get3A_237 = arith.constant 0 : index
    %get3A_238 = vector.load %arg4[%get3A_236, %get3A_237] : memref<10000x64xf32, #tpu.memory_space<vmem>>, vector<200x64xf32>
    %get3A_239 = arith.constant 0 : index
    %get3A_240 = arith.constant 0 : index
    %get3A_241 = vector.load %arg3[%get3A_239, %get3A_240] : memref<64x10000xf32, #tpu.memory_space<vmem>>, vector<64x10000xf32>
    %dot_general3A_242 = arith.constant dense<0.000000e+00> : vector<200x10000xf32>
    %dot_general3A_243 = tpu.matmul %get3A_238, %get3A_241, %dot_general3A_242 {dimension_numbers = #tpu.dot_dimension_numbers<[1], [0], [0], [1], [0, 0, 1, 1], [], []>, transpose_lhs_hint = false} : vector<200x64xf32>, vector<64x10000xf32>, vector<200x10000xf32> -> vector<200x10000xf32>
    %get3A_244 = arith.index_cast %multiple_of3A_222 : i32 to index
    %get3A_245 = arith.constant 0 : index
    %get3A_246 = vector.load %arg6[%get3A_244, %get3A_245] : memref<10000x1xf32, #tpu.memory_space<vmem>>, vector<200x1xf32>
    %add3A_247 = vector.broadcast %get3A_246 : vector<200x1xf32> to vector<200x10000xf32>
    %add3A_248 = arith.addf %dot_general3A_243, %add3A_247 : vector<200x10000xf32>
    %tanh3A_249 = math.tanh %add3A_235 : vector<200x10000xf32>
    %mul3A_250 = arith.constant 5.000000e-01 : f32
    %mul3A_251 = vector.broadcast %mul3A_250 : f32 to vector<200x10000xf32>
    %mul3A_252 = arith.mulf %mul3A_251, %tanh3A_249 : vector<200x10000xf32>
    %swap3A_253 = arith.constant 3 : index
    %swap3A_254 = arith.constant 0 : index
    %swap3A_255 = arith.constant 0 : index
    %swap3A_256 = vector.load %arg8[%swap3A_253, %swap3A_254, %swap3A_255] : memref<4x200x10000xf32, #tpu.memory_space<vmem>>, vector<1x200x10000xf32>
    %swap3A_257 = vector.shape_cast %swap3A_256 : vector<1x200x10000xf32> to vector<200x10000xf32>
    %swap3A_258 = vector.shape_cast %mul3A_252 : vector<200x10000xf32> to vector<1x200x10000xf32>
    tpu.vector_store %arg8[%swap3A_253, %swap3A_254, %swap3A_255], %swap3A_258 {strides = array<i32>} : memref<4x200x10000xf32, #tpu.memory_space<vmem>>, vector<1x200x10000xf32>,
    %get3A_259 = arith.constant 3 : index
    %get3A_260 = arith.constant 0 : index
    %get3A_261 = arith.constant 0 : index
    %get3A_262 = vector.load %arg8[%get3A_259, %get3A_260, %get3A_261] : memref<4x200x10000xf32, #tpu.memory_space<vmem>>, vector<1x200x10000xf32>
    %get3A_263 = vector.shape_cast %get3A_262 : vector<1x200x10000xf32> to vector<200x10000xf32>
    %tanh3A_264 = math.tanh %add3A_248 : vector<200x10000xf32>
    %mul3A_265 = arith.constant 5.000000e-01 : f32
    %mul3A_266 = vector.broadcast %mul3A_265 : f32 to vector<200x10000xf32>
    %mul3A_267 = arith.mulf %mul3A_266, %tanh3A_264 : vector<200x10000xf32>
    %add3A_268 = arith.addf %get3A_263, %mul3A_267 : vector<200x10000xf32>
    %swap3A_269 = arith.constant 3 : index
    %swap3A_270 = arith.constant 0 : index
    %swap3A_271 = arith.constant 0 : index
    %swap3A_272 = vector.load %arg8[%swap3A_269, %swap3A_270, %swap3A_271] : memref<4x200x10000xf32, #tpu.memory_space<vmem>>, vector<1x200x10000xf32>
    %swap3A_273 = vector.shape_cast %swap3A_272 : vector<1x200x10000xf32> to vector<200x10000xf32>
    %swap3A_274 = vector.shape_cast %add3A_268 : vector<200x10000xf32> to vector<1x200x10000xf32>
    tpu.vector_store %arg8[%swap3A_269, %swap3A_270, %swap3A_271], %swap3A_274 {strides = array<i32>} : memref<4x200x10000xf32, #tpu.memory_space<vmem>>, vector<1x200x10000xf32>,
    %dma_start3A_275 = arith.constant 3 : i32
    %dma_start3A_276 = arith.constant 3 : i32
    %dma_start3A_277 = tpu.memref_slice %arg9[%dma_start3A_276] : memref<4x!tpu.dma_semaphore, #tpu.memory_space<semaphore_mem>> -> memref<1x!tpu.dma_semaphore, #tpu.memory_space<semaphore_mem>>
    %dma_start3A_278 = tpu.memref_squeeze %dma_start3A_277 : memref<1x!tpu.dma_semaphore, #tpu.memory_space<semaphore_mem>> -> memref<!tpu.dma_semaphore, #tpu.memory_space<semaphore_mem>>
    %dma_start3A_279 = arith.constant 0 : i32
    %dma_start3A_280 = tpu.memref_slice %arg7[%multiple_of3A_222, %dma_start3A_279] : memref<10000x10000xf32, #tpu.memory_space<any>> -> memref<200x10000xf32, #tpu.memory_space<any>>
    %dma_start3A_281 = arith.constant 0 : i32
    %dma_start3A_282 = arith.constant 0 : i32
    %dma_start3A_283 = tpu.memref_slice %arg8[%dma_start3A_275, %dma_start3A_281, %dma_start3A_282] : memref<4x200x10000xf32, #tpu.memory_space<vmem>> -> memref<1x200x10000xf32, #tpu.memory_space<vmem>>
    %dma_start3A_284 = tpu.memref_squeeze %dma_start3A_283 : memref<1x200x10000xf32, #tpu.memory_space<vmem>> -> memref<200x10000xf32, #tpu.memory_space<vmem>>
    tpu.enqueue_dma source(%dma_start3A_284 : memref<200x10000xf32, #tpu.memory_space<vmem>>) target(%dma_start3A_280 : memref<200x10000xf32, #tpu.memory_space<any>>) target_semaphore(%dma_start3A_278 : memref<!tpu.dma_semaphore, #tpu.memory_space<semaphore_mem>>)
    %dma_wait3A = arith.constant 0 : i32
    %dma_wait3A_285 = arith.constant 0 : i32
    %dma_wait3A_286 = tpu.memref_slice %arg9[%dma_wait3A_285] : memref<4x!tpu.dma_semaphore, #tpu.memory_space<semaphore_mem>> -> memref<1x!tpu.dma_semaphore, #tpu.memory_space<semaphore_mem>>
    %dma_wait3A_287 = tpu.memref_squeeze %dma_wait3A_286 : memref<1x!tpu.dma_semaphore, #tpu.memory_space<semaphore_mem>> -> memref<!tpu.dma_semaphore, #tpu.memory_space<semaphore_mem>>
    %dma_wait3A_288 = arith.constant 0 : i32
    %dma_wait3A_289 = arith.constant 0 : i32
    %dma_wait3A_290 = tpu.memref_slice %arg7[%dma_wait3A_288, %dma_wait3A_289] : memref<10000x10000xf32, #tpu.memory_space<any>> -> memref<200x10000xf32, #tpu.memory_space<any>>
    %dma_wait3A_291 = arith.constant 0 : i32
    %dma_wait3A_292 = arith.constant 0 : i32
    %dma_wait3A_293 = tpu.memref_slice %arg8[%dma_wait3A, %dma_wait3A_291, %dma_wait3A_292] : memref<4x200x10000xf32, #tpu.memory_space<vmem>> -> memref<1x200x10000xf32, #tpu.memory_space<vmem>>
    %dma_wait3A_294 = tpu.memref_squeeze %dma_wait3A_293 : memref<1x200x10000xf32, #tpu.memory_space<vmem>> -> memref<200x10000xf32, #tpu.memory_space<vmem>>
    tpu.wait_dma2 semaphore(%dma_wait3A_287 : memref<!tpu.dma_semaphore, #tpu.memory_space<semaphore_mem>>) src(%dma_wait3A_294 : memref<200x10000xf32, #tpu.memory_space<vmem>>) dst(%dma_wait3A_290 : memref<200x10000xf32, #tpu.memory_space<any>>)
    %mul3A_295 = arith.constant 5 : i32
    %mul3A_296 = arith.muli %arg0, %mul3A_295 : i32
    %add3A_297 = arith.constant 4 : i32
    %add3A_298 = arith.addi %mul3A_296, %add3A_297 : i32
    %mul3A_299 = arith.constant 200 : i32
    %mul3A_300 = arith.muli %add3A_298, %mul3A_299 : i32
    %multiple_of3A_301 = tpu.assume_multiple %mul3A_300, 8 : i32
    %get3A_302 = arith.index_cast %multiple_of3A_301 : i32 to index
    %get3A_303 = arith.constant 0 : index
    %get3A_304 = vector.load %arg1[%get3A_302, %get3A_303] : memref<10000x64xf32, #tpu.memory_space<vmem>>, vector<200x64xf32>
    %get3A_305 = arith.constant 0 : index
    %get3A_306 = arith.constant 0 : index
    %get3A_307 = vector.load %arg2[%get3A_305, %get3A_306] : memref<64x10000xf32, #tpu.memory_space<vmem>>, vector<64x10000xf32>
    %dot_general3A_308 = arith.constant dense<0.000000e+00> : vector<200x10000xf32>
    %dot_general3A_309 = tpu.matmul %get3A_304, %get3A_307, %dot_general3A_308 {dimension_numbers = #tpu.dot_dimension_numbers<[1], [0], [0], [1], [0, 0, 1, 1], [], []>, transpose_lhs_hint = false} : vector<200x64xf32>, vector<64x10000xf32>, vector<200x10000xf32> -> vector<200x10000xf32>
    %get3A_310 = arith.constant 0 : index
    %get3A_311 = arith.constant 0 : index
    %get3A_312 = vector.load %arg5[%get3A_310, %get3A_311] : memref<1x10000xf32, #tpu.memory_space<vmem>>, vector<1x10000xf32>
    %add3A_313 = vector.broadcast %get3A_312 : vector<1x10000xf32> to vector<200x10000xf32>
    %add3A_314 = arith.addf %dot_general3A_309, %add3A_313 : vector<200x10000xf32>
    %get3A_315 = arith.index_cast %multiple_of3A_301 : i32 to index
    %get3A_316 = arith.constant 0 : index
    %get3A_317 = vector.load %arg4[%get3A_315, %get3A_316] : memref<10000x64xf32, #tpu.memory_space<vmem>>, vector<200x64xf32>
    %get3A_318 = arith.constant 0 : index
    %get3A_319 = arith.constant 0 : index
    %get3A_320 = vector.load %arg3[%get3A_318, %get3A_319] : memref<64x10000xf32, #tpu.memory_space<vmem>>, vector<64x10000xf32>
    %dot_general3A_321 = arith.constant dense<0.000000e+00> : vector<200x10000xf32>
    %dot_general3A_322 = tpu.matmul %get3A_317, %get3A_320, %dot_general3A_321 {dimension_numbers = #tpu.dot_dimension_numbers<[1], [0], [0], [1], [0, 0, 1, 1], [], []>, transpose_lhs_hint = false} : vector<200x64xf32>, vector<64x10000xf32>, vector<200x10000xf32> -> vector<200x10000xf32>
    %get3A_323 = arith.index_cast %multiple_of3A_301 : i32 to index
    %get3A_324 = arith.constant 0 : index
    %get3A_325 = vector.load %arg6[%get3A_323, %get3A_324] : memref<10000x1xf32, #tpu.memory_space<vmem>>, vector<200x1xf32>
    %add3A_326 = vector.broadcast %get3A_325 : vector<200x1xf32> to vector<200x10000xf32>
    %add3A_327 = arith.addf %dot_general3A_322, %add3A_326 : vector<200x10000xf32>
    %tanh3A_328 = math.tanh %add3A_314 : vector<200x10000xf32>
    %mul3A_329 = arith.constant 5.000000e-01 : f32
    %mul3A_330 = vector.broadcast %mul3A_329 : f32 to vector<200x10000xf32>
    %mul3A_331 = arith.mulf %mul3A_330, %tanh3A_328 : vector<200x10000xf32>
    %swap3A_332 = arith.constant 0 : index
    %swap3A_333 = arith.constant 0 : index
    %swap3A_334 = arith.constant 0 : index
    %swap3A_335 = vector.load %arg8[%swap3A_332, %swap3A_333, %swap3A_334] : memref<4x200x10000xf32, #tpu.memory_space<vmem>>, vector<1x200x10000xf32>
    %swap3A_336 = vector.shape_cast %swap3A_335 : vector<1x200x10000xf32> to vector<200x10000xf32>
    %swap3A_337 = vector.shape_cast %mul3A_331 : vector<200x10000xf32> to vector<1x200x10000xf32>
    tpu.vector_store %arg8[%swap3A_332, %swap3A_333, %swap3A_334], %swap3A_337 {strides = array<i32>} : memref<4x200x10000xf32, #tpu.memory_space<vmem>>, vector<1x200x10000xf32>,
    %get3A_338 = arith.constant 0 : index
    %get3A_339 = arith.constant 0 : index
    %get3A_340 = arith.constant 0 : index
    %get3A_341 = vector.load %arg8[%get3A_338, %get3A_339, %get3A_340] : memref<4x200x10000xf32, #tpu.memory_space<vmem>>, vector<1x200x10000xf32>
    %get3A_342 = vector.shape_cast %get3A_341 : vector<1x200x10000xf32> to vector<200x10000xf32>
    %tanh3A_343 = math.tanh %add3A_327 : vector<200x10000xf32>
    %mul3A_344 = arith.constant 5.000000e-01 : f32
    %mul3A_345 = vector.broadcast %mul3A_344 : f32 to vector<200x10000xf32>
    %mul3A_346 = arith.mulf %mul3A_345, %tanh3A_343 : vector<200x10000xf32>
    %add3A_347 = arith.addf %get3A_342, %mul3A_346 : vector<200x10000xf32>
    %swap3A_348 = arith.constant 0 : index
    %swap3A_349 = arith.constant 0 : index
    %swap3A_350 = arith.constant 0 : index
    %swap3A_351 = vector.load %arg8[%swap3A_348, %swap3A_349, %swap3A_350] : memref<4x200x10000xf32, #tpu.memory_space<vmem>>, vector<1x200x10000xf32>
    %swap3A_352 = vector.shape_cast %swap3A_351 : vector<1x200x10000xf32> to vector<200x10000xf32>
    %swap3A_353 = vector.shape_cast %add3A_347 : vector<200x10000xf32> to vector<1x200x10000xf32>
    tpu.vector_store %arg8[%swap3A_348, %swap3A_349, %swap3A_350], %swap3A_353 {strides = array<i32>} : memref<4x200x10000xf32, #tpu.memory_space<vmem>>, vector<1x200x10000xf32>,
    %dma_start3A_354 = arith.constant 0 : i32
    %dma_start3A_355 = arith.constant 0 : i32
    %dma_start3A_356 = tpu.memref_slice %arg9[%dma_start3A_355] : memref<4x!tpu.dma_semaphore, #tpu.memory_space<semaphore_mem>> -> memref<1x!tpu.dma_semaphore, #tpu.memory_space<semaphore_mem>>
    %dma_start3A_357 = tpu.memref_squeeze %dma_start3A_356 : memref<1x!tpu.dma_semaphore, #tpu.memory_space<semaphore_mem>> -> memref<!tpu.dma_semaphore, #tpu.memory_space<semaphore_mem>>
    %dma_start3A_358 = arith.constant 0 : i32
    %dma_start3A_359 = tpu.memref_slice %arg7[%multiple_of3A_301, %dma_start3A_358] : memref<10000x10000xf32, #tpu.memory_space<any>> -> memref<200x10000xf32, #tpu.memory_space<any>>
    %dma_start3A_360 = arith.constant 0 : i32
    %dma_start3A_361 = arith.constant 0 : i32
    %dma_start3A_362 = tpu.memref_slice %arg8[%dma_start3A_354, %dma_start3A_360, %dma_start3A_361] : memref<4x200x10000xf32, #tpu.memory_space<vmem>> -> memref<1x200x10000xf32, #tpu.memory_space<vmem>>
    %dma_start3A_363 = tpu.memref_squeeze %dma_start3A_362 : memref<1x200x10000xf32, #tpu.memory_space<vmem>> -> memref<200x10000xf32, #tpu.memory_space<vmem>>
    tpu.enqueue_dma source(%dma_start3A_363 : memref<200x10000xf32, #tpu.memory_space<vmem>>) target(%dma_start3A_359 : memref<200x10000xf32, #tpu.memory_space<any>>) target_semaphore(%dma_start3A_357 : memref<!tpu.dma_semaphore, #tpu.memory_space<semaphore_mem>>)
    %eq3A = arith.constant 9 : i32
    %eq3A_364 = arith.cmpi eq, %arg0, %eq3A : i32
    %convert_element_type3A_365 = arith.extui %eq3A_364 : i1 to i32
    %cond3A_366 = arith.constant 0 : i32
    %cond3A_367 = arith.cmpi ne, %convert_element_type3A_365, %cond3A_366 : i32
    scf.if %cond3A_367 {
      %dma_wait3A_368 = arith.constant 0 : i32
      %dma_wait3A_369 = arith.constant 0 : i32
      %dma_wait3A_370 = tpu.memref_slice %arg9[%dma_wait3A_369] : memref<4x!tpu.dma_semaphore, #tpu.memory_space<semaphore_mem>> -> memref<1x!tpu.dma_semaphore, #tpu.memory_space<semaphore_mem>>
      %dma_wait3A_371 = tpu.memref_squeeze %dma_wait3A_370 : memref<1x!tpu.dma_semaphore, #tpu.memory_space<semaphore_mem>> -> memref<!tpu.dma_semaphore, #tpu.memory_space<semaphore_mem>>
      %dma_wait3A_372 = arith.constant 0 : i32
      %dma_wait3A_373 = arith.constant 0 : i32
      %dma_wait3A_374 = tpu.memref_slice %arg7[%dma_wait3A_372, %dma_wait3A_373] : memref<10000x10000xf32, #tpu.memory_space<any>> -> memref<200x10000xf32, #tpu.memory_space<any>>
      %dma_wait3A_375 = arith.constant 0 : i32
      %dma_wait3A_376 = arith.constant 0 : i32
      %dma_wait3A_377 = tpu.memref_slice %arg8[%dma_wait3A_368, %dma_wait3A_375, %dma_wait3A_376] : memref<4x200x10000xf32, #tpu.memory_space<vmem>> -> memref<1x200x10000xf32, #tpu.memory_space<vmem>>
      %dma_wait3A_378 = tpu.memref_squeeze %dma_wait3A_377 : memref<1x200x10000xf32, #tpu.memory_space<vmem>> -> memref<200x10000xf32, #tpu.memory_space<vmem>>
      tpu.wait_dma2 semaphore(%dma_wait3A_371 : memref<!tpu.dma_semaphore, #tpu.memory_space<semaphore_mem>>) src(%dma_wait3A_378 : memref<200x10000xf32, #tpu.memory_space<vmem>>) dst(%dma_wait3A_374 : memref<200x10000xf32, #tpu.memory_space<any>>)
      %dma_wait3A_379 = arith.constant 1 : i32
      %dma_wait3A_380 = arith.constant 1 : i32
      %dma_wait3A_381 = tpu.memref_slice %arg9[%dma_wait3A_380] : memref<4x!tpu.dma_semaphore, #tpu.memory_space<semaphore_mem>> -> memref<1x!tpu.dma_semaphore, #tpu.memory_space<semaphore_mem>>
      %dma_wait3A_382 = tpu.memref_squeeze %dma_wait3A_381 : memref<1x!tpu.dma_semaphore, #tpu.memory_space<semaphore_mem>> -> memref<!tpu.dma_semaphore, #tpu.memory_space<semaphore_mem>>
      %dma_wait3A_383 = arith.constant 0 : i32
      %dma_wait3A_384 = arith.constant 0 : i32
      %dma_wait3A_385 = tpu.memref_slice %arg7[%dma_wait3A_383, %dma_wait3A_384] : memref<10000x10000xf32, #tpu.memory_space<any>> -> memref<200x10000xf32, #tpu.memory_space<any>>
      %dma_wait3A_386 = arith.constant 0 : i32
      %dma_wait3A_387 = arith.constant 0 : i32
      %dma_wait3A_388 = tpu.memref_slice %arg8[%dma_wait3A_379, %dma_wait3A_386, %dma_wait3A_387] : memref<4x200x10000xf32, #tpu.memory_space<vmem>> -> memref<1x200x10000xf32, #tpu.memory_space<vmem>>
      %dma_wait3A_389 = tpu.memref_squeeze %dma_wait3A_388 : memref<1x200x10000xf32, #tpu.memory_space<vmem>> -> memref<200x10000xf32, #tpu.memory_space<vmem>>
      tpu.wait_dma2 semaphore(%dma_wait3A_382 : memref<!tpu.dma_semaphore, #tpu.memory_space<semaphore_mem>>) src(%dma_wait3A_389 : memref<200x10000xf32, #tpu.memory_space<vmem>>) dst(%dma_wait3A_385 : memref<200x10000xf32, #tpu.memory_space<any>>)
      %dma_wait3A_390 = arith.constant 2 : i32
      %dma_wait3A_391 = arith.constant 2 : i32
      %dma_wait3A_392 = tpu.memref_slice %arg9[%dma_wait3A_391] : memref<4x!tpu.dma_semaphore, #tpu.memory_space<semaphore_mem>> -> memref<1x!tpu.dma_semaphore, #tpu.memory_space<semaphore_mem>>
      %dma_wait3A_393 = tpu.memref_squeeze %dma_wait3A_392 : memref<1x!tpu.dma_semaphore, #tpu.memory_space<semaphore_mem>> -> memref<!tpu.dma_semaphore, #tpu.memory_space<semaphore_mem>>
      %dma_wait3A_394 = arith.constant 0 : i32
      %dma_wait3A_395 = arith.constant 0 : i32
      %dma_wait3A_396 = tpu.memref_slice %arg7[%dma_wait3A_394, %dma_wait3A_395] : memref<10000x10000xf32, #tpu.memory_space<any>> -> memref<200x10000xf32, #tpu.memory_space<any>>
      %dma_wait3A_397 = arith.constant 0 : i32
      %dma_wait3A_398 = arith.constant 0 : i32
      %dma_wait3A_399 = tpu.memref_slice %arg8[%dma_wait3A_390, %dma_wait3A_397, %dma_wait3A_398] : memref<4x200x10000xf32, #tpu.memory_space<vmem>> -> memref<1x200x10000xf32, #tpu.memory_space<vmem>>
      %dma_wait3A_400 = tpu.memref_squeeze %dma_wait3A_399 : memref<1x200x10000xf32, #tpu.memory_space<vmem>> -> memref<200x10000xf32, #tpu.memory_space<vmem>>
      tpu.wait_dma2 semaphore(%dma_wait3A_393 : memref<!tpu.dma_semaphore, #tpu.memory_space<semaphore_mem>>) src(%dma_wait3A_400 : memref<200x10000xf32, #tpu.memory_space<vmem>>) dst(%dma_wait3A_396 : memref<200x10000xf32, #tpu.memory_space<any>>)
      %dma_wait3A_401 = arith.constant 3 : i32
      %dma_wait3A_402 = arith.constant 3 : i32
      %dma_wait3A_403 = tpu.memref_slice %arg9[%dma_wait3A_402] : memref<4x!tpu.dma_semaphore, #tpu.memory_space<semaphore_mem>> -> memref<1x!tpu.dma_semaphore, #tpu.memory_space<semaphore_mem>>
      %dma_wait3A_404 = tpu.memref_squeeze %dma_wait3A_403 : memref<1x!tpu.dma_semaphore, #tpu.memory_space<semaphore_mem>> -> memref<!tpu.dma_semaphore, #tpu.memory_space<semaphore_mem>>
      %dma_wait3A_405 = arith.constant 0 : i32
      %dma_wait3A_406 = arith.constant 0 : i32
      %dma_wait3A_407 = tpu.memref_slice %arg7[%dma_wait3A_405, %dma_wait3A_406] : memref<10000x10000xf32, #tpu.memory_space<any>> -> memref<200x10000xf32, #tpu.memory_space<any>>
      %dma_wait3A_408 = arith.constant 0 : i32
      %dma_wait3A_409 = arith.constant 0 : i32
      %dma_wait3A_410 = tpu.memref_slice %arg8[%dma_wait3A_401, %dma_wait3A_408, %dma_wait3A_409] : memref<4x200x10000xf32, #tpu.memory_space<vmem>> -> memref<1x200x10000xf32, #tpu.memory_space<vmem>>
      %dma_wait3A_411 = tpu.memref_squeeze %dma_wait3A_410 : memref<1x200x10000xf32, #tpu.memory_space<vmem>> -> memref<200x10000xf32, #tpu.memory_space<vmem>>
      tpu.wait_dma2 semaphore(%dma_wait3A_404 : memref<!tpu.dma_semaphore, #tpu.memory_space<semaphore_mem>>) src(%dma_wait3A_411 : memref<200x10000xf32, #tpu.memory_space<vmem>>) dst(%dma_wait3A_407 : memref<200x10000xf32, #tpu.memory_space<any>>)
    } else {
    }
    return
  }
  func.func @transform_0(%arg0: i32) -> (i32, i32) {
    %c0_i32 = arith.constant 0 : i32
    %c0_i32_0 = arith.constant 0 : i32
    %c0_i32_1 = arith.constant 0 : i32
    return %c0_i32, %c0_i32_0 : i32, i32
  }
  func.func @transform_1(%arg0: i32) -> (i32, i32) {
    %c0_i32 = arith.constant 0 : i32
    %c0_i32_0 = arith.constant 0 : i32
    %c0_i32_1 = arith.constant 0 : i32
    return %c0_i32, %c0_i32_0 : i32, i32
  }
  func.func @transform_2(%arg0: i32) -> (i32, i32) {
    %c0_i32 = arith.constant 0 : i32
    %c0_i32_0 = arith.constant 0 : i32
    %c0_i32_1 = arith.constant 0 : i32
    return %c0_i32, %c0_i32_0 : i32, i32
  }
  func.func @transform_3(%arg0: i32) -> (i32, i32) {
    %c0_i32 = arith.constant 0 : i32
    %c0_i32_0 = arith.constant 0 : i32
    %c0_i32_1 = arith.constant 0 : i32
    return %c0_i32, %c0_i32_0 : i32, i32
  }
  func.func @transform_4(%arg0: i32) -> (i32, i32) {
    %c0_i32 = arith.constant 0 : i32
    %c0_i32_0 = arith.constant 0 : i32
    %c0_i32_1 = arith.constant 0 : i32
    return %c0_i32, %c0_i32_0 : i32, i32
  }
  func.func @transform_5(%arg0: i32) -> (i32, i32) {
    %c0_i32 = arith.constant 0 : i32
    %c0_i32_0 = arith.constant 0 : i32
    %c0_i32_1 = arith.constant 0 : i32
    return %c0_i32, %c0_i32_0 : i32, i32
  }
}

</mosaic_0001>

<sc_bundles>
// kernel: kernel.10.cloned.1.call-start
scs
__scs_entry_jumppad:
0x0: {  	(pc) =	sbr.rel $0x88, $3  }
0x1: {  	(tag) =	ssettag $0x0;
	lr =	simm.s32 $0x1  }
0x2: {  	[smem:$0x3F99] =	sst lr;
	_ =	strace $0xD0000000  }
0x3: {  	_ = 	snop  }
0x4: {  	_ = 	snop  }
0x5: {  	_ = 	snop  }
0x6: {  	_ = 	snop  }
0x7: {  	_ = 	snop  }
__scs_overlays_trampoline_lowered:
0x8: {  	[smem:$0x3FA8] =	sst s0  }
0x9: {  	[smem:$0x3FA9] =	sst s1  }
0xa: {  	[smem:$0x3FAA] =	sst s2  }
0xb: {  	[smem:$0x3FAB] =	sst s3  }
0xc: {  	[smem:$0x3FAC] =	sst s4  }
0xd: {  	[smem:$0x3FAD] =	sst s5  }
0xe: {  	[smem:$0x3FAE] =	sst s6  }
0xf: {  	[smem:$0x3FAF] =	sst s7  }
0x10: {  	[smem:$0x3FB0] =	sst s8  }
0x11: {  	[smem:$0x3FB1] =	sst s9;
	s0 =	simm.s32 @!p0 $0x0  }
0x12: {  	s1 =	sld [smem:$0x3F97];
	s0 =	simm.s32 @p0 $0x1  }
0x13: {  	[smem:$0x3FB2] =	sst s0;
	s0 =	simm.s32 @!p1 $0x0  }
0x14: {  	s2 =	sld [smem:$0x3F96];
	s0 =	simm.s32 @p1 $0x1  }
0x15: {  	[smem:$0x3FB3] =	sst s0;
	s0 =	simm.s32 @!p2 $0x0  }
0x16: {  	s3 =	sld [smem:$0x3FDB];
	s0 =	simm.s32 @p2 $0x1  }
0x17: {  	s4 =	simm.s32 $0x1BF5;
	[smem:$0x3FB5] =	sst s0  }
0x18: {  	s0 =	sld [smem:$0x3F98];
	_ =	swait.ge [sflag:s4], $0x0  }
0x19: {  	s7 =	sld [smem:$0x3F99]  }
0x1a: {  	s8 =	sadd.s32 $0xFFFFE003, lr  }
0x1b: {  	s9 =	sadd.s32 $0xFFFFFEF7, lr;
	s5 =	simm.s32 $0xFFFFFFFF;
	p2 =	slt.u32 s8, $0xFFFFF086  }
0x1c: {  	p1 =	slt.u32 s9, $0xF7A;
	s5 =	simm.s32 @!p2 $0x0  }
0x1d: {  	s5 =	simm.s32 @p1 $0x1;
	p0 =	seq.s32 s7, s2  }
0x1e: {  	s7 =	smul.u32 @!p0 $0xF7A, s2;
	p2 =	seq.s32 @!p0 s5, $0x0  }
0x1f: {  	s9 =	smul.u32 $0xF7A, s1;
	s8 =	simm.s32 @!p0 $0x1BF5;
	p2 =	por !p2, p0  }
0x20: {  	[sflag:s8] =	ssyncset.s32 @!p0 $0xFFFFF086;
	s6 =	sadd.s32 @!p0 s3, s7;
	s7 =	simm.s32 @!p0 $0x108  }
0x21: {  	s3 =	sadd.s32 s3, s9;
	s6 =	sadd.s32 @!p0 $0x88, s6;
	s7 =	simm.s32 @p2 $0x1082  }
0x22: {  	[simem:s7], [sflag:s8] =	dma.local @!p0 [hbm:s6], $0xF7A  }
0x23: {  	s9 =	sor.u32 $0xD0000000, s2;
	s6 =	simm.s32 $0x108;
	_ =	swait.ge @!p0 [sflag:s8], $0x0  }
0x24: {  	s3 =	sadd.s32 $0x88, s3;
	s6 =	simm.s32 @!p1 $0x1082;
	[sflag:s4] =	ssyncset.s32 $0xFFFFF086  }
0x25: {  	[simem:s6], [sflag:s4] =	dma.local [hbm:s3], $0xF7A  }
0x26: {  	[smem:$0x3F99] =	sst s1;
	(tag) =	ssettag s2;
	_ =	strace s9  }
0x27: {  	s1 =	sld [smem:$0x3FA9]  }
0x28: {  	s2 =	sld [smem:$0x3FAA]  }
0x29: {  	s4 =	sld [smem:$0x3FAC]  }
0x2a: {  	p0 =	seq.s32 s5, $0x0;
	s5 =	sld [smem:$0x3FAD]  }
0x2b: {  	s6 =	sld [smem:$0x3FAE]  }
0x2c: {  	s7 =	sld [smem:$0x3FAF]  }
0x2d: {  	s3 =	simm.s32 $0x108;
	s8 =	sld [smem:$0x3FB0]  }
0x2e: {  	s3 =	simm.s32 @!p0 $0x1082;
	s9 =	sld [smem:$0x3FB1]  }
0x2f: {  	lr =	sadd.s32 s0, s3;
	s0 =	sld [smem:$0x3FA8]  }
0x30: {  	s3 =	sld [smem:$0x3FAB]  }
0x31: {  	[smem:$0x3FB4] =	sst s10  }
0x32: {  	s10 =	sld [smem:$0x3FB2];
	_ =	sdelay $0x3  }
0x33: {  	p0 =	seq.s32 s10, $0x1;
	s10 =	sld [smem:$0x3FB4];
	_ =	sdelay $0x3  }
0x34: {  	[smem:$0x3FB4] =	sst s10  }
0x35: {  	s10 =	sld [smem:$0x3FB3];
	_ =	sdelay $0x3  }
0x36: {  	p1 =	seq.s32 s10, $0x1;
	s10 =	sld [smem:$0x3FB4];
	_ =	sdelay $0x3  }
0x37: {  	[smem:$0x3FB4] =	sst s10  }
0x38: {  	s10 =	sld [smem:$0x3FB5]  }
0x39: {  	_ = 	snop;
	(pc) =	sbr.ind lr, $3  }
0x3a: {  	_ = 	snop  }
0x3b: {  	_ = 	snop  }
0x3c: {  	p2 =	seq.s32 s10, $0x1;
	s10 =	sld [smem:$0x3FB4]  }
0x3d: {  	_ =	shalt  }
0x3e: {  	_ =	shalt  }
0x3f: {  	_ =	shalt  }
0x40: {  	_ =	shalt  }
0x41: {  	_ =	shalt  }
0x42: {  	_ =	shalt  }
0x43: {  	_ =	shalt  }
0x44: {  	_ =	shalt  }
0x45: {  	_ =	shalt  }
0x46: {  	_ =	shalt  }
0x47: {  	_ =	shalt  }
0x48: {  	_ =	shalt  }
0x49: {  	_ =	shalt  }
0x4a: {  	_ =	shalt  }
0x4b: {  	_ =	shalt  }
0x4c: {  	_ =	shalt  }
0x4d: {  	_ =	shalt  }
0x4e: {  	_ =	shalt  }
0x4f: {  	_ =	shalt  }
0x50: {  	_ =	shalt  }
0x51: {  	_ =	shalt  }
0x52: {  	_ =	shalt  }
0x53: {  	_ =	shalt  }
0x54: {  	_ =	shalt  }
0x55: {  	_ =	shalt  }
0x56: {  	_ =	shalt  }
0x57: {  	_ =	shalt  }
0x58: {  	_ =	shalt  }
0x59: {  	_ =	shalt  }
0x5a: {  	_ =	shalt  }
0x5b: {  	_ =	shalt  }
0x5c: {  	_ =	shalt  }
0x5d: {  	_ =	shalt  }
0x5e: {  	_ =	shalt  }
0x5f: {  	_ =	shalt  }
0x60: {  	_ =	shalt  }
0x61: {  	_ =	shalt  }
0x62: {  	_ =	shalt  }
0x63: {  	_ =	shalt  }
0x64: {  	_ =	shalt  }
0x65: {  	_ =	shalt  }
0x66: {  	_ =	shalt  }
0x67: {  	_ =	shalt  }
0x68: {  	_ =	shalt  }
0x69: {  	_ =	shalt  }
0x6a: {  	_ =	shalt  }
0x6b: {  	_ =	shalt  }
0x6c: {  	_ =	shalt  }
0x6d: {  	_ =	shalt  }
0x6e: {  	_ =	shalt  }
0x6f: {  	_ =	shalt  }
0x70: {  	_ =	shalt  }
0x71: {  	_ =	shalt  }
0x72: {  	_ =	shalt  }
0x73: {  	_ =	shalt  }
0x74: {  	_ =	shalt  }
0x75: {  	_ =	shalt  }
0x76: {  	_ =	shalt  }
0x77: {  	_ =	shalt  }
0x78: {  	_ =	shalt  }
0x79: {  	_ =	shalt  }
0x7a: {  	_ =	shalt  }
0x7b: {  	_ =	shalt  }
0x7c: {  	_ =	shalt  }
0x7d: {  	_ =	shalt  }
0x7e: {  	_ =	shalt  }
0x7f: {  	_ =	shalt  }
0x80: {  	_ =	shalt  }
0x81: {  	_ =	shalt  }
0x82: {  	_ =	shalt  }
0x83: {  	_ =	shalt  }
0x84: {  	_ =	shalt  }
0x85: {  	_ =	shalt  }
0x86: {  	_ =	shalt  }
0x87: {  	_ =	shalt  }
.Lfunc_end0:
.L_simem_size_0:
called_computation_lowered:
.L_overlay_start_0:
0x88: {  	s2 =	sld [smem:$0x3FD9]  }
0x89: {  	s3 =	sld [smem:$0x3FFE];
	_ =	sdelay $0x1  }
0x8a: {  	s1 =	srdreg.scid  }
0x8b: {  	s0 =	sand.u32 $0x1, s1  }
0x8c: {  	s17 =	sshll.u32 s0, $0xA;
	s2 =	sadd.s32 s3, s2  }
0x8d: {  	s2 =	sadd.s32 s2, s17  }
0x8e: {  	[smem:$0x3FC0] =	sst s2  }
0x8f: {  	_ = 	snop  }
0x90: {  	s2 =	sld [smem:$0x3FD0];
	(tm) =	ssettm $0x1  }
0x91: {  	s18 =	sld [smem:$0x3FFB];
	_ =	sdelay $0x3  }
0x92: {  	_ =	strace s18  }
0x93: {  	s3 =	sld [smem:$0x3FFC];
	_ =	sdelay $0x3  }
0x94: {  	_ =	strace s3  }
0x95: {  	s3 =	sld [smem:$0x3FFD];
	_ =	sdelay $0x3  }
0x96: {  	_ =	strace s3  }
0x97: {  	_ =	strace $0x8FFFFFFF  }
0x98: {  	s19 =	sld [smem:$0x3FDB];
	_ =	sdelay $0x1  }
0x99: {  	s4 =	simm.s32 $_scs_section_size  }
0x9a: {  	s5 =	simm.s32 $_size__tile_overlayer_lowered;
	s6 =	simm.s32 $_tile_overlayer_lowered  }
0x9b: {  	s22 =	simm.s32 $0x1BFF;
	s21 =	sshll.u32 s6, $0x1;
	s3 =	sadd.s32 s4, s19  }
0x9c: {  	s7 =	simm.s32 $0x0;
	s20 =	sshll.u32 s5, $0x1;
	s5 =	sadd.s32 s21, s3  }
0x9d: {  	[timem:s7], [sflag:s22] =	dma.local [hbm:s5], s20  }
0x9e: {  	_ =	swait.ge [sflag:s22], s20  }
0x9f: {  	s4 =	ssub.s32 $0x0, s20;
	[sflag:s22] =	ssyncset.done $0x0  }
0xa0: {  	[sflag:s22] =	ssyncadd.s32 s4;
	_ =	sdelay $0x1  }
0xa1: {  	s23 =	simm.s32 $0x1B8B  }
0xa2: {  	_ =	swait.ge [sflag:s23], $0x1  }
0xa3: {  	[sflag:s23] =	ssyncset.done $0x0  }
0xa4: {  	s25 =	simm.s32 $0x1B8E;
	s24 =	sld [smem:$0x3FFE];
	[sflag:s23] =	ssyncadd.s32 $0xFFFFFFFF  }
0xa5: {  	s26 =	simm.s32 $execute0_lowered;
	[smem:$0x3FD2] =	sst s25  }
0xa6: {  	s5 =	sshll.u32 s26, $0x1;
	_ =	strace $0x80000046;
	[dreg:$0x1] =	wrdreg $0xFFFFFFFF  }
0xa7: {  	s28 =	simm.s32 $_size_execute0_lowered;
	s3 =	sadd.s32 s3, s5;
	[dreg:$0x0] =	wrdreg $0x0  }
0xa8: {  	s5 =	sshll.u32 s28, $0x1;
	[dreg:$0x2] =	wrdreg s3  }
0xa9: {  	[dreg:$0x3] =	wrdreg s5  }
0xaa: {  	[dreg:$0x4] =	wrdreg $0xC0  }
0xab: {  	_ =	task [dreg:s7], $0x5FFFF  }
0xac: {  	[dreg:$0x1] =	wrdreg $0xFFFFFFFF  }
0xad: {  	[dreg:$0x0] =	wrdreg $0x60  }
0xae: {  	[dreg:$0x2] =	wrdreg s24  }
0xaf: {  	[dreg:$0x3] =	wrdreg s2  }
0xb0: {  	[dreg:$0x4] =	wrdreg $0x2BE80  }
0xb1: {  	[dreg:$0x5] =	wrdreg $0x9  }
0xb2: {  	_ =	task.clear_ibuf [dreg:s7], $0x6FFFF;
	_ =	strace $0x90000046  }
0xb3: {  	s29 =	simm.s32 $0x9;
	_ =	strace $0x80000048  }
0xb4: {  	_ =	swait.ge [sflag:s29], $0x1  }
0xb5: {  	[sflag:s29] =	ssyncadd.s32 $0xFFFFFFFF  }
0xb6: {  	_ =	strace $0x90000048  }
0xb7: {  	_ =	sfence  }
0xb8: {  	s30 =	sld [smem:$0x0];
	_ =	sdelay $0x2  }
0xb9: {  	s31 =	sshll.u32 s1, $0xD;
	s1 =	sshrl.u32 s1, $0x2  }
0xba: {  	s3 =	sand.u32 $0x4000, s31;
	s1 =	sadd.s32 s1, s30  }
0xbb: {  	s0 =	sor.u32 s3, s0;
	s1 =	sshll.u32 s1, $0x11  }
0xbc: {  	s0 =	sor.u32 s1, s0  }
0xbd: {  	s0 =	sadd.s32 $0x8F2B, s0  }
0xbe: {  	[sflag:s0] =	ssyncadd.remote.s32 $0x1  }
0xbf: {  	_ =	sfence.sel $0xFFFF  }
0xc0: {  	[dreg:$0x0] =	wrdreg $0xFFFFFFFF;
	(pc) =	sbr.abs _section_cstart, $3  }
0xc1: {  	[dreg:$0x1] =	wrdreg $0xFFFFFFFF  }
0xc2: {  	_ =	task.clear_ibuf [dreg:s7], $0x2FFFF;
	_ =	strace $0x9FFFFFFF  }
0xc3: {  	(tm) =	ssettm $0x7FFFFFFF  }
tec
execute0_lowered:
.L_overlay_start_1:
0x0: {  	(tag) =	ssettag $0x1  }
0x1: {  	s5 =	rddreg [dreg:$0x0]  }
0x2: {  	s1 =	srdreg.scid;
	s7 =	rddreg [dreg:$0x1]  }
0x3: {  	s0 =	stileid.u32;
	s2 =	rddreg [dreg:$0x2]  }
0x4: {  	s3 =	simm.s32 $0x0;
	s17 =	simm.s32 $0x1;
	s18 =	simm.s32 $0x0  }
0x5: {  	s6 =	sand.u32 $0x1, s1;
	s26 =	sshll.u32 s0, $0x1;
	s1 =	rddreg [dreg:$0x3]  }
0x6: {  	[smem:$0x7FF] =	sst s3;
	s10 =	smul.u32 $0x1380, s0;
	s11 =	sadd.s32 $0xBE00, s5  }
0x7: {  	s14 =	sadd.s32 $0x12480, s2;
	p0 =	seq.s32 s0, $0xF;
	s4 =	sor.u32 s6, s26  }
0x8: {  	_ =	strace $0x80000047;
	s9 =	ssub.s32 $0x2, s6;
	s12 =	smul.u32 $0x13880, s6  }
0x9: {  	s16 =	sshll.u32 @!p0 s0, $0x6;
	s4 =	smul.u32 $0x500, s4;
	s28 =	sshrl.u32 s9, $0x1  }
0xa: {  	s29 =	sshrl.u32 s10, $0x3;
	s15 =	sadd.s32 s10, s2;
	s13 =	ssub.s32 s9, s28  }
0xb: {  	s6 =	sadd.s32 s7, s29;
	s30 =	sadd.s32 s10, s12;
	s31 =	sshrl.u32 s12, $0x3  }
0xc: {  	s7 =	sadd.s32 $0x2490, s7;
	s12 =	simm.s32 $0x2800;
	s15 =	sshrl.u32 @!p0 s15, $0x3  }
0xd: {  	s8 =	sadd.s32 s4, s5;
	s4 =	sadd.s32 $0xBC00, s5;
	s9 =	sadd.s32 s11, s31  }
0xe: {  	s10 =	smax.u32 s13, $0x1;
	s13 =	sshrl.u32 @p0 s14, $0x3;
	s14 =	sor.u32 @!p0 $0x1C02, s16  }
0xf: {  	s16 =	simm.s32 $0x7D;
	s5 =	sadd.s32 $0x1C00, s8;
	s8 =	sshrl.u32 s30, $0x3  }
0x10: {  	s9 =	sadd.s32 $0x2490, s9;
	s8 =	sadd.s32 s11, s8;
	s11 =	simm.s32 $0x2  }
.LBB2_1:
0x11: {  	[tilespmem:s3], [sflag:$0x2] =	stream.linear.gather [hbm4b:s5+s3], $0x2800, $0x38;
	[tilespmem:$0x3F70] =	vst v63  }
0x12: {  	_ =	swait.ge [sflag:s11], $0x2800  }
0x13: {  	[sflag:s11] =	ssyncset.done $0x0  }
0x14: {  	[sflag:s11] =	ssyncadd.s32 $0xFFFFD800  }
0x15: {  	[tilespmem:s12], [sflag:$0x2] =	stream.linear.gather [hbm4b:s4+s3], $0x3E8, $0x38;
	[tilespmem:$0x3F70] =	vst v63  }
0x16: {  	_ =	swait.ge [sflag:s11], $0x3E8  }
0x17: {  	[sflag:s11] =	ssyncset.done $0x0  }
0x18: {  	s19 =	simm.s32 @p0 $0x1FC2;
	[sflag:s11] =	ssyncadd.s32 $0xFFFFFC18  }
0x19: {  	[spmem:s13], [sflag:s19] =	dma.local @p0 [hbm:s7], $0x280  }
0x1a: {  	s19 =	simm.s32 @p0 $0x2  }
0x1b: {  	_ =	swait.ge @p0 [sflag:s19], $0x280  }
0x1c: {  	[sflag:s19] =	ssyncset.done @p0 $0x0  }
0x1d: {  	[sflag:s19] =	ssyncadd.s32 @p0 $0xFFFFFD80;
	s19 =	simm.s32 @!p0 $0x2  }
0x1e: {  	[spmem:s15], [sflag:s14] =	dma.local @!p0 [hbm:s6], $0x270  }
0x1f: {  	_ =	swait.ge @!p0 [sflag:s19], $0x270  }
0x20: {  	[sflag:s19] =	ssyncset.done @!p0 $0x0  }
0x21: {  	[sflag:s19] =	ssyncadd.s32 @!p0 $0xFFFFFD90  }
0x22: {  	s19 =	simm.s32 $0x0;
	[bflag:$0x0] =	sbarrier.arrive $0xFFFF  }
.LBB2_2:
0x23: {  	p1 =	sne.s32 s19, $0x9E00  }
.Ltmp0:
0x24: {  	_ = 	snop;
	(pc) =	sbr.rel @p1 .LBB2_2-.Ltmp0, $3  }
0x25: {  	_ =	sdelay $0x1  }
0x26: {  	s20 =	sshra.s32 s19, $0x2;
	s19 =	sadd.s32 $0x200, s19  }
0x27: {  	[spmem:s2] =	stream.indirect.scatter.add.f32 [tilespmem:s12], [sflag:$0x1], $0x8, s20, s16, $0xb8;
	[tilespmem:$0x3F70] =	vst v63  }
0x28: {  	_ =	swait.ge [sflag:s17], $0x3E8  }
0x29: {  	s19 =	simm.s32 $0x4F;
	[sflag:s17] =	ssyncset.done $0x0  }
.LBB2_4:
0x2a: {  	p1 =	sne.s32 s19, $0x1;
	s19 =	sadd.s32 $0xFFFFFFFF, s19;
	[sflag:s17] =	ssyncadd.s32 $0xFFFFFC18  }
.Ltmp1:
0x2b: {  	(pc) =	sbr.rel @p1 .LBB2_4-.Ltmp1, $3  }
0x2c: {  	_ =	sdelay $0x1  }
0x2d: {  	_ =	swait.ge [sflag:s17], $0x3E8  }
0x2e: {  	[sflag:s17] =	ssyncset.done $0x0  }
0x2f: {  	[sflag:s17] =	ssyncadd.s32 $0xFFFFFC18  }
0x30: {  	s19 =	simm.s32 @p0 $0x1FC2;
	[bflag:$0x0] =	sbarrier.arrive $0xFFFF  }
0x31: {  	[hbm:s9], [sflag:s19] =	dma.local @p0 [spmem:s13], $0x280  }
0x32: {  	s19 =	simm.s32 @p0 $0x2  }
0x33: {  	s18 =	sadd.s32 $0x1, s18;
	_ =	swait.ge @p0 [sflag:s19], $0x280  }
0x34: {  	p1 =	sne.s32 s18, s10;
	[sflag:s19] =	ssyncset.done @p0 $0x0  }
.Ltmp2:
0x35: {  	[sflag:s19] =	ssyncadd.s32 @p0 $0xFFFFFD80;
	s19 =	simm.s32 @!p0 $0x2;
	(pc) =	sbr.rel @p1 .LBB2_1-.Ltmp2, $4  }
0x36: {  	[hbm:s8], [sflag:s14] =	dma.local @!p0 [spmem:s15], $0x270  }
0x37: {  	_ =	swait.ge @!p0 [sflag:s19], $0x270  }
0x38: {  	[sflag:s19] =	ssyncset.done @!p0 $0x0  }
0x39: {  	[sflag:s19] =	ssyncadd.s32 @!p0 $0xFFFFFD90  }
0x3a: {  	_ =	sfence.sel $0x180000  }
0x3b: {  	[bflag:$0x0] =	sbarrier.arrive $0xFFFF  }
0x3c: {  	p0 =	sne.s32 s0, $0x0;
	_ =	strace $0x90000047  }
0x3d: {  	s0 =	sadd.s32 @!p0 $0x100000, s1;
	[bflag:$0x2] =	sbarrier.arrive $0xFFFF  }
0x3e: {  	[sflag:s0] =	ssyncadd.tile.s32 @!p0 $0x1;
	_ =	shalt  }
.Lfunc_end2:
_tile_overlayer_lowered:
.L_overlay_start_2:
0x3f: {  	(tag) =	ssettag $0x2  }
0x40: {  	s0 =	rddreg [dreg:$0x0];
	s2 =	stileid.u32  }
0x41: {  	s1 =	rddreg [dreg:$0x1];
	p0 =	sne.s32 s2, $0x0  }
0x42: {  	s3 =	rddreg [dreg:$0x2];
	[bflag:$0x3] =	sbarrier.arrive $0xFFFF;
	s2 =	simm.s32 @!p0 $0x1C02  }
0x43: {  	[timem:s3], [sflag:s2] =	dma.local @!p0 [hbm:s0], s1  }
0x44: {  	s0 =	simm.s32 @!p0 $0x2  }
0x45: {  	_ =	swait.ge @!p0 [sflag:s0], s1  }
0x46: {  	s1 =	ssub.s32 @!p0 $0x0, s1;
	[sflag:s0] =	ssyncset.done @!p0 $0x0  }
0x47: {  	[sflag:s0] =	ssyncadd.s32 @!p0 s1  }
0x48: {  	[bflag:$0x3] =	sbarrier.arrive $0xFFFF  }
0x49: {  	_ =	shalt  }

// kernel: kernel.13.cloned.1.call-start
scs
__scs_entry_jumppad:
0x0: {  	(pc) =	sbr.rel $0x88, $3  }
0x1: {  	(tag) =	ssettag $0x0;
	lr =	simm.s32 $0x1  }
0x2: {  	[smem:$0x3F99] =	sst lr;
	_ =	strace $0xD0000000  }
0x3: {  	_ = 	snop  }
0x4: {  	_ = 	snop  }
0x5: {  	_ = 	snop  }
0x6: {  	_ = 	snop  }
0x7: {  	_ = 	snop  }
__scs_overlays_trampoline_lowered:
0x8: {  	[smem:$0x3FA8] =	sst s0  }
0x9: {  	[smem:$0x3FA9] =	sst s1  }
0xa: {  	[smem:$0x3FAA] =	sst s2  }
0xb: {  	[smem:$0x3FAB] =	sst s3  }
0xc: {  	[smem:$0x3FAC] =	sst s4  }
0xd: {  	[smem:$0x3FAD] =	sst s5  }
0xe: {  	[smem:$0x3FAE] =	sst s6  }
0xf: {  	[smem:$0x3FAF] =	sst s7  }
0x10: {  	[smem:$0x3FB0] =	sst s8  }
0x11: {  	[smem:$0x3FB1] =	sst s9;
	s0 =	simm.s32 @!p0 $0x0  }
0x12: {  	s1 =	sld [smem:$0x3F97];
	s0 =	simm.s32 @p0 $0x1  }
0x13: {  	[smem:$0x3FB2] =	sst s0;
	s0 =	simm.s32 @!p1 $0x0  }
0x14: {  	s2 =	sld [smem:$0x3F96];
	s0 =	simm.s32 @p1 $0x1  }
0x15: {  	[smem:$0x3FB3] =	sst s0;
	s0 =	simm.s32 @!p2 $0x0  }
0x16: {  	s3 =	sld [smem:$0x3FDB];
	s0 =	simm.s32 @p2 $0x1  }
0x17: {  	s4 =	simm.s32 $0x1BF5;
	[smem:$0x3FB5] =	sst s0  }
0x18: {  	s0 =	sld [smem:$0x3F98];
	_ =	swait.ge [sflag:s4], $0x0  }
0x19: {  	s7 =	sld [smem:$0x3F99]  }
0x1a: {  	s8 =	sadd.s32 $0xFFFFE003, lr  }
0x1b: {  	s9 =	sadd.s32 $0xFFFFFEF7, lr;
	s5 =	simm.s32 $0xFFFFFFFF;
	p2 =	slt.u32 s8, $0xFFFFF086  }
0x1c: {  	p1 =	slt.u32 s9, $0xF7A;
	s5 =	simm.s32 @!p2 $0x0  }
0x1d: {  	s5 =	simm.s32 @p1 $0x1;
	p0 =	seq.s32 s7, s2  }
0x1e: {  	s7 =	smul.u32 @!p0 $0xF7A, s2;
	p2 =	seq.s32 @!p0 s5, $0x0  }
0x1f: {  	s9 =	smul.u32 $0xF7A, s1;
	s8 =	simm.s32 @!p0 $0x1BF5;
	p2 =	por !p2, p0  }
0x20: {  	[sflag:s8] =	ssyncset.s32 @!p0 $0xFFFFF086;
	s6 =	sadd.s32 @!p0 s3, s7;
	s7 =	simm.s32 @!p0 $0x108  }
0x21: {  	s3 =	sadd.s32 s3, s9;
	s6 =	sadd.s32 @!p0 $0x88, s6;
	s7 =	simm.s32 @p2 $0x1082  }
0x22: {  	[simem:s7], [sflag:s8] =	dma.local @!p0 [hbm:s6], $0xF7A  }
0x23: {  	s9 =	sor.u32 $0xD0000000, s2;
	s6 =	simm.s32 $0x108;
	_ =	swait.ge @!p0 [sflag:s8], $0x0  }
0x24: {  	s3 =	sadd.s32 $0x88, s3;
	s6 =	simm.s32 @!p1 $0x1082;
	[sflag:s4] =	ssyncset.s32 $0xFFFFF086  }
0x25: {  	[simem:s6], [sflag:s4] =	dma.local [hbm:s3], $0xF7A  }
0x26: {  	[smem:$0x3F99] =	sst s1;
	(tag) =	ssettag s2;
	_ =	strace s9  }
0x27: {  	s1 =	sld [smem:$0x3FA9]  }
0x28: {  	s2 =	sld [smem:$0x3FAA]  }
0x29: {  	s4 =	sld [smem:$0x3FAC]  }
0x2a: {  	p0 =	seq.s32 s5, $0x0;
	s5 =	sld [smem:$0x3FAD]  }
0x2b: {  	s6 =	sld [smem:$0x3FAE]  }
0x2c: {  	s7 =	sld [smem:$0x3FAF]  }
0x2d: {  	s3 =	simm.s32 $0x108;
	s8 =	sld [smem:$0x3FB0]  }
0x2e: {  	s3 =	simm.s32 @!p0 $0x1082;
	s9 =	sld [smem:$0x3FB1]  }
0x2f: {  	lr =	sadd.s32 s0, s3;
	s0 =	sld [smem:$0x3FA8]  }
0x30: {  	s3 =	sld [smem:$0x3FAB]  }
0x31: {  	[smem:$0x3FB4] =	sst s10  }
0x32: {  	s10 =	sld [smem:$0x3FB2];
	_ =	sdelay $0x3  }
0x33: {  	p0 =	seq.s32 s10, $0x1;
	s10 =	sld [smem:$0x3FB4];
	_ =	sdelay $0x3  }
0x34: {  	[smem:$0x3FB4] =	sst s10  }
0x35: {  	s10 =	sld [smem:$0x3FB3];
	_ =	sdelay $0x3  }
0x36: {  	p1 =	seq.s32 s10, $0x1;
	s10 =	sld [smem:$0x3FB4];
	_ =	sdelay $0x3  }
0x37: {  	[smem:$0x3FB4] =	sst s10  }
0x38: {  	s10 =	sld [smem:$0x3FB5]  }
0x39: {  	_ = 	snop;
	(pc) =	sbr.ind lr, $3  }
0x3a: {  	_ = 	snop  }
0x3b: {  	_ = 	snop  }
0x3c: {  	p2 =	seq.s32 s10, $0x1;
	s10 =	sld [smem:$0x3FB4]  }
0x3d: {  	_ =	shalt  }
0x3e: {  	_ =	shalt  }
0x3f: {  	_ =	shalt  }
0x40: {  	_ =	shalt  }
0x41: {  	_ =	shalt  }
0x42: {  	_ =	shalt  }
0x43: {  	_ =	shalt  }
0x44: {  	_ =	shalt  }
0x45: {  	_ =	shalt  }
0x46: {  	_ =	shalt  }
0x47: {  	_ =	shalt  }
0x48: {  	_ =	shalt  }
0x49: {  	_ =	shalt  }
0x4a: {  	_ =	shalt  }
0x4b: {  	_ =	shalt  }
0x4c: {  	_ =	shalt  }
0x4d: {  	_ =	shalt  }
0x4e: {  	_ =	shalt  }
0x4f: {  	_ =	shalt  }
0x50: {  	_ =	shalt  }
0x51: {  	_ =	shalt  }
0x52: {  	_ =	shalt  }
0x53: {  	_ =	shalt  }
0x54: {  	_ =	shalt  }
0x55: {  	_ =	shalt  }
0x56: {  	_ =	shalt  }
0x57: {  	_ =	shalt  }
0x58: {  	_ =	shalt  }
0x59: {  	_ =	shalt  }
0x5a: {  	_ =	shalt  }
0x5b: {  	_ =	shalt  }
0x5c: {  	_ =	shalt  }
0x5d: {  	_ =	shalt  }
0x5e: {  	_ =	shalt  }
0x5f: {  	_ =	shalt  }
0x60: {  	_ =	shalt  }
0x61: {  	_ =	shalt  }
0x62: {  	_ =	shalt  }
0x63: {  	_ =	shalt  }
0x64: {  	_ =	shalt  }
0x65: {  	_ =	shalt  }
0x66: {  	_ =	shalt  }
0x67: {  	_ =	shalt  }
0x68: {  	_ =	shalt  }
0x69: {  	_ =	shalt  }
0x6a: {  	_ =	shalt  }
0x6b: {  	_ =	shalt  }
0x6c: {  	_ =	shalt  }
0x6d: {  	_ =	shalt  }
0x6e: {  	_ =	shalt  }
0x6f: {  	_ =	shalt  }
0x70: {  	_ =	shalt  }
0x71: {  	_ =	shalt  }
0x72: {  	_ =	shalt  }
0x73: {  	_ =	shalt  }
0x74: {  	_ =	shalt  }
0x75: {  	_ =	shalt  }
0x76: {  	_ =	shalt  }
0x77: {  	_ =	shalt  }
0x78: {  	_ =	shalt  }
0x79: {  	_ =	shalt  }
0x7a: {  	_ =	shalt  }
0x7b: {  	_ =	shalt  }
0x7c: {  	_ =	shalt  }
0x7d: {  	_ =	shalt  }
0x7e: {  	_ =	shalt  }
0x7f: {  	_ =	shalt  }
0x80: {  	_ =	shalt  }
0x81: {  	_ =	shalt  }
0x82: {  	_ =	shalt  }
0x83: {  	_ =	shalt  }
0x84: {  	_ =	shalt  }
0x85: {  	_ =	shalt  }
0x86: {  	_ =	shalt  }
0x87: {  	_ =	shalt  }
.Lfunc_end0:
.L_simem_size_0:
called_computation.1_lowered:
.L_overlay_start_0:
0x88: {  	s2 =	sld [smem:$0x3FD9]  }
0x89: {  	s3 =	sld [smem:$0x3FFE];
	_ =	sdelay $0x1  }
0x8a: {  	s1 =	srdreg.scid  }
0x8b: {  	s0 =	sand.u32 $0x1, s1  }
0x8c: {  	s17 =	sshll.u32 s0, $0xA;
	s2 =	sadd.s32 s3, s2  }
0x8d: {  	s2 =	sadd.s32 s2, s17  }
0x8e: {  	[smem:$0x3FC0] =	sst s2  }
0x8f: {  	_ = 	snop  }
0x90: {  	s2 =	sld [smem:$0x3FD0];
	(tm) =	ssettm $0x1  }
0x91: {  	s18 =	sld [smem:$0x3FFB];
	_ =	sdelay $0x3  }
0x92: {  	_ =	strace s18  }
0x93: {  	s3 =	sld [smem:$0x3FFC];
	_ =	sdelay $0x3  }
0x94: {  	_ =	strace s3  }
0x95: {  	s3 =	sld [smem:$0x3FFD];
	_ =	sdelay $0x3  }
0x96: {  	_ =	strace s3  }
0x97: {  	_ =	strace $0x8FFFFFFF  }
0x98: {  	s19 =	sld [smem:$0x3FDB];
	_ =	sdelay $0x1  }
0x99: {  	s4 =	simm.s32 $_scs_section_size  }
0x9a: {  	s5 =	simm.s32 $_size__tile_overlayer_lowered;
	s6 =	simm.s32 $_tile_overlayer_lowered  }
0x9b: {  	s22 =	simm.s32 $0x1BFF;
	s21 =	sshll.u32 s6, $0x1;
	s3 =	sadd.s32 s4, s19  }
0x9c: {  	s7 =	simm.s32 $0x0;
	s20 =	sshll.u32 s5, $0x1;
	s5 =	sadd.s32 s21, s3  }
0x9d: {  	[timem:s7], [sflag:s22] =	dma.local [hbm:s5], s20  }
0x9e: {  	_ =	swait.ge [sflag:s22], s20  }
0x9f: {  	s4 =	ssub.s32 $0x0, s20;
	[sflag:s22] =	ssyncset.done $0x0  }
0xa0: {  	[sflag:s22] =	ssyncadd.s32 s4;
	_ =	sdelay $0x1  }
0xa1: {  	s23 =	simm.s32 $0x1B8B  }
0xa2: {  	_ =	swait.ge [sflag:s23], $0x1  }
0xa3: {  	[sflag:s23] =	ssyncset.done $0x0  }
0xa4: {  	s25 =	simm.s32 $0x1B8E;
	s24 =	sld [smem:$0x3FFE];
	[sflag:s23] =	ssyncadd.s32 $0xFFFFFFFF  }
0xa5: {  	s26 =	simm.s32 $execute0_lowered;
	[smem:$0x3FD2] =	sst s25  }
0xa6: {  	s5 =	sshll.u32 s26, $0x1;
	_ =	strace $0x80000049;
	[dreg:$0x1] =	wrdreg $0xFFFFFFFF  }
0xa7: {  	s28 =	simm.s32 $_size_execute0_lowered;
	s3 =	sadd.s32 s3, s5;
	[dreg:$0x0] =	wrdreg $0x0  }
0xa8: {  	s5 =	sshll.u32 s28, $0x1;
	[dreg:$0x2] =	wrdreg s3  }
0xa9: {  	[dreg:$0x3] =	wrdreg s5  }
0xaa: {  	[dreg:$0x4] =	wrdreg $0xC0  }
0xab: {  	_ =	task [dreg:s7], $0x5FFFF  }
0xac: {  	[dreg:$0x1] =	wrdreg $0xFFFFFFFF  }
0xad: {  	[dreg:$0x0] =	wrdreg $0x60  }
0xae: {  	[dreg:$0x2] =	wrdreg s24  }
0xaf: {  	[dreg:$0x3] =	wrdreg s2  }
0xb0: {  	[dreg:$0x4] =	wrdreg $0x14A000  }
0xb1: {  	[dreg:$0x5] =	wrdreg $0x9  }
0xb2: {  	_ =	task.clear_ibuf [dreg:s7], $0x6FFFF;
	_ =	strace $0x90000049  }
0xb3: {  	s29 =	simm.s32 $0x9;
	_ =	strace $0x8000004B  }
0xb4: {  	_ =	swait.ge [sflag:s29], $0x1  }
0xb5: {  	[sflag:s29] =	ssyncadd.s32 $0xFFFFFFFF  }
0xb6: {  	_ =	strace $0x9000004B  }
0xb7: {  	_ =	sfence  }
0xb8: {  	s30 =	sld [smem:$0x0];
	_ =	sdelay $0x2  }
0xb9: {  	s31 =	sshll.u32 s1, $0xD;
	s1 =	sshrl.u32 s1, $0x2  }
0xba: {  	s3 =	sand.u32 $0x4000, s31;
	s1 =	sadd.s32 s1, s30  }
0xbb: {  	s0 =	sor.u32 s3, s0;
	s1 =	sshll.u32 s1, $0x11  }
0xbc: {  	s0 =	sor.u32 s1, s0  }
0xbd: {  	s0 =	sadd.s32 $0x8F2B, s0  }
0xbe: {  	[sflag:s0] =	ssyncadd.remote.s32 $0x1  }
0xbf: {  	_ =	sfence.sel $0xFFFF  }
0xc0: {  	[dreg:$0x0] =	wrdreg $0xFFFFFFFF;
	(pc) =	sbr.abs _section_cstart, $3  }
0xc1: {  	[dreg:$0x1] =	wrdreg $0xFFFFFFFF  }
0xc2: {  	_ =	task.clear_ibuf [dreg:s7], $0x2FFFF;
	_ =	strace $0x9FFFFFFF  }
0xc3: {  	(tm) =	ssettm $0x7FFFFFFF  }
tec
execute0_lowered:
.L_overlay_start_1:
0x0: {  	(tag) =	ssettag $0x1  }
0x1: {  	s0 =	rddreg [dreg:$0x0]  }
0x2: {  	s2 =	rddreg [dreg:$0x1]  }
0x3: {  	s3 =	rddreg [dreg:$0x2];
	s1 =	srdreg.scid  }
0x4: {  	s15 =	stileid.u32;
	s4 =	simm.s32 $0x0;
	s17 =	simm.s32 $0x7D  }
0x5: {  	s18 =	simm.s32 $0x5000;
	s20 =	simm.s32 $0x6F40;
	s22 =	simm.s32 $0x8E80  }
0x6: {  	s24 =	simm.s32 $0xADC0;
	s29 =	simm.s32 $0xEC40;
	s30 =	simm.s32 $0x300  }
0x7: {  	s31 =	simm.s32 $0x10B80;
	s19 =	simm.s32 $0x2;
	s21 =	simm.s32 $0x0  }
0x8: {  	s1 =	sand.u32 $0x1, s1;
	s5 =	sshll.u32 s15, $0x1;
	s8 =	smul.u32 $0x9C00, s15  }
0x9: {  	[smem:$0x7FF] =	sst s4;
	s11 =	sadd.s32 $0x2E800, s0;
	s14 =	sadd.s32 $0x92400, s3  }
0xa: {  	p0 =	seq.s32 s15, $0xF;
	s5 =	sor.u32 s1, s5;
	_ =	strace $0x8000004A  }
0xb: {  	s7 =	ssub.s32 $0x2, s1;
	s1 =	smul.u32 $0x9C400, s1;
	s14 =	sshrl.u32 @p0 s14, $0x3  }
0xc: {  	s5 =	smul.u32 $0x500, s5;
	s6 =	sshrl.u32 s8, $0x3;
	s26 =	sshrl.u32 s7, $0x1  }
0xd: {  	s13 =	sadd.s32 s8, s3;
	s10 =	sadd.s32 s6, s0;
	s12 =	ssub.s32 s7, s26  }
0xe: {  	s8 =	sadd.s32 s8, s1;
	s1 =	sshrl.u32 s1, $0x3;
	s16 =	sshrl.u32 @!p0 s13, $0x3  }
0xf: {  	s26 =	simm.s32 $0xCD00;
	s13 =	simm.s32 $0x1;
	s9 =	sadd.s32 s5, s0  }
.Ltmp0:
0x10: {  	s7 =	sadd.s32 $0x1AE00, s10;
	s28 =	sshrl.u32 s8, $0x3;
	(pc) =	sbr.rel .LBB2_1-.Ltmp0, $4  }
0x11: {  	s1 =	sadd.s32 s11, s1;
	s8 =	sadd.s32 $0x2D280, s0;
	s0 =	sshll.u32 @!p0 s15, $0x6  }
0x12: {  	s5 =	sadd.s32 $0x10E00, s9;
	s6 =	sadd.s32 $0x1C00, s9;
	s9 =	sadd.s32 s11, s28  }
0x13: {  	s10 =	sadd.s32 $0x12480, s1;
	s11 =	smax.u32 s12, $0x1;
	s12 =	simm.s32 $0x3  }
0x14: {  	s15 =	sor.u32 @!p0 $0x1C03, s0;
	s0 =	simm.s32 $0x380;
	s1 =	simm.s32 $0x12AC0  }
.LBB2_3:
0x15: {  	_ =	swait.ge [sflag:s19], $0x1F40  }
0x16: {  	[sflag:s19] =	ssyncset.done $0x0  }
0x17: {  	[sflag:s19] =	ssyncadd.s32 $0xFFFFE0C0  }
0x18: {  	_ =	swait.ge [sflag:s19], $0x1F40  }
0x19: {  	[sflag:s19] =	ssyncset.done $0x0  }
0x1a: {  	[sflag:s19] =	ssyncadd.s32 $0xFFFFE0C0  }
0x1b: {  	_ =	swait.ge [sflag:s19], $0x1F40  }
0x1c: {  	[sflag:s19] =	ssyncset.done $0x0  }
0x1d: {  	[sflag:s19] =	ssyncadd.s32 $0xFFFFE0C0  }
0x1e: {  	_ =	swait.ge [sflag:s19], $0x1F40  }
0x1f: {  	[sflag:s19] =	ssyncset.done $0x0  }
0x20: {  	[sflag:s19] =	ssyncadd.s32 $0xFFFFE0C0  }
0x21: {  	_ =	swait.ge [sflag:s19], $0x1F40  }
0x22: {  	[sflag:s19] =	ssyncset.done $0x0  }
0x23: {  	[sflag:s19] =	ssyncadd.s32 $0xFFFFE0C0  }
0x24: {  	_ =	swait.ge [sflag:s19], $0x1F40  }
0x25: {  	[sflag:s19] =	ssyncset.done $0x0  }
0x26: {  	[sflag:s19] =	ssyncadd.s32 $0xFFFFE0C0  }
0x27: {  	_ =	swait.ge [sflag:s19], $0x1F40  }
0x28: {  	[sflag:s19] =	ssyncset.done $0x0  }
0x29: {  	[sflag:s19] =	ssyncadd.s32 $0xFFFFE0C0  }
.LBB2_5:
0x2a: {  	[bflag:$0x0] =	sbarrier.arrive $0xFFFF;
	s23 =	simm.s32 @p0 $0x1FC3  }
0x2b: {  	[hbm:s10], [sflag:s23] =	dma.local @p0 [spmem:s14], $0x1400  }
0x2c: {  	s23 =	simm.s32 @p0 $0x3  }
0x2d: {  	s21 =	sadd.s32 $0x1, s21;
	_ =	swait.ge @p0 [sflag:s23], $0x1400  }
0x2e: {  	p1 =	sne.s32 s21, s11;
	[sflag:s23] =	ssyncset.done @p0 $0x0  }
.Ltmp1:
0x2f: {  	[sflag:s23] =	ssyncadd.s32 @p0 $0xFFFFEC00;
	s23 =	simm.s32 @!p0 $0x3;
	(pc) =	sbr.rel @!p1 .LBB2_6-.Ltmp1, $4  }
0x30: {  	[hbm:s9], [sflag:s15] =	dma.local @!p0 [spmem:s16], $0x1380  }
0x31: {  	_ =	swait.ge @!p0 [sflag:s23], $0x1380  }
0x32: {  	[sflag:s23] =	ssyncset.done @!p0 $0x0  }
0x33: {  	[sflag:s23] =	ssyncadd.s32 @!p0 $0xFFFFEC80  }
.LBB2_1:
0x34: {  	[tilespmem:s4], [sflag:$0x3] =	stream.linear.gather [hbm4b:s5+s4], $0x2800, $0x38;
	[tilespmem:$0x1E640] =	vst v63  }
0x35: {  	_ =	swait.ge [sflag:s12], $0x2800  }
0x36: {  	[sflag:s12] =	ssyncset.done $0x0  }
0x37: {  	s23 =	simm.s32 $0x2800;
	[sflag:s12] =	ssyncadd.s32 $0xFFFFD800  }
0x38: {  	[tilespmem:s23], [sflag:$0x3] =	stream.linear.gather [hbm4b:s6+s4], $0x2800, $0x38;
	[tilespmem:$0x1E640] =	vst v63  }
0x39: {  	_ =	swait.ge [sflag:s12], $0x2800  }
0x3a: {  	[sflag:s12] =	ssyncset.done $0x0  }
0x3b: {  	s23 =	simm.s32 @p0 $0x1FC3;
	[sflag:s12] =	ssyncadd.s32 $0xFFFFD800  }
0x3c: {  	[spmem:s14], [sflag:s23] =	dma.local @p0 [hbm:s8], $0x1400  }
0x3d: {  	s23 =	simm.s32 @p0 $0x3  }
0x3e: {  	_ =	swait.ge @p0 [sflag:s23], $0x1400  }
0x3f: {  	[sflag:s23] =	ssyncset.done @p0 $0x0  }
0x40: {  	[sflag:s23] =	ssyncadd.s32 @p0 $0xFFFFEC00;
	s23 =	simm.s32 @!p0 $0x3  }
0x41: {  	[spmem:s16], [sflag:s15] =	dma.local @!p0 [hbm:s7], $0x1380  }
0x42: {  	_ =	swait.ge @!p0 [sflag:s23], $0x1380  }
0x43: {  	[sflag:s23] =	ssyncset.done @!p0 $0x0  }
0x44: {  	[sflag:s23] =	ssyncadd.s32 @!p0 $0xFFFFEC80  }
0x45: {  	[bflag:$0x0] =	sbarrier.arrive $0xFFFF  }
0x46: {  	[tilespmem:s18], [sflag:$0x1] =	stream.indirect.gather [hbm4b:s2+s17], $0x40, s4, s17, $0xb8;
	[tilespmem:$0x1E640] =	vst v63  }
0x47: {  	s28 =	simm.s32 $0x80  }
0x48: {  	[tilespmem:s20], [sflag:$0x1] =	stream.indirect.gather [hbm4b:s2+s17], $0x40, s28, s17, $0xb8;
	[tilespmem:$0x1E640] =	vst v63  }
0x49: {  	s25 =	simm.s32 $0x100  }
0x4a: {  	[tilespmem:s22], [sflag:$0x1] =	stream.indirect.gather [hbm4b:s2+s17], $0x40, s25, s17, $0xb8;
	[tilespmem:$0x1E640] =	vst v63  }
0x4b: {  	s28 =	simm.s32 $0x180  }
0x4c: {  	[tilespmem:s24], [sflag:$0x1] =	stream.indirect.gather [hbm4b:s2+s17], $0x40, s28, s17, $0xb8;
	[tilespmem:$0x1E640] =	vst v63  }
0x4d: {  	s25 =	simm.s32 $0x200  }
0x4e: {  	[tilespmem:s26], [sflag:$0x1] =	stream.indirect.gather [hbm4b:s2+s17], $0x40, s25, s17, $0xb8;
	[tilespmem:$0x1E640] =	vst v63  }
0x4f: {  	s28 =	simm.s32 $0x280  }
0x50: {  	[tilespmem:s29], [sflag:$0x1] =	stream.indirect.gather [hbm4b:s2+s17], $0x40, s28, s17, $0xb8;
	[tilespmem:$0x1E640] =	vst v63  }
0x51: {  	_ = 	snop  }
0x52: {  	[tilespmem:s31], [sflag:$0x1] =	stream.indirect.gather [hbm4b:s2+s17], $0x40, s30, s17, $0xb8;
	[tilespmem:$0x1E640] =	vst v63  }
0x53: {  	s23 =	simm.s32 $0x0  }
0x54: {  	[tilespmem:s1], [sflag:$0x1] =	stream.indirect.gather [hbm4b:s2+s17], $0x40, s0, s17, $0xb8;
	[tilespmem:$0x1E640] =	vst v63  }
.LBB2_2:
0x55: {  	_ =	swait.ge [sflag:s13], $0x1F40  }
0x56: {  	s25 =	sshra.s32 s23, $0x2;
	[sflag:s13] =	ssyncset.done $0x0  }
0x57: {  	s28 =	sadd.s32 $0x2800, s25;
	[sflag:s13] =	ssyncadd.s32 $0xFFFFE0C0  }
0x58: {  	[spmem:s3] =	stream.indirect.scatter.add.f32 [tilespmem:s18], [sflag:$0x2], $0x40, s28, s17, $0xb8;
	[tilespmem:$0x1E640] =	vst v63  }
0x59: {  	_ =	swait.ge [sflag:s13], $0x1F40  }
0x5a: {  	[sflag:s13] =	ssyncset.done $0x0  }
0x5b: {  	s28 =	sadd.s32 $0x2880, s25;
	[sflag:s13] =	ssyncadd.s32 $0xFFFFE0C0  }
0x5c: {  	[spmem:s3] =	stream.indirect.scatter.add.f32 [tilespmem:s20], [sflag:$0x2], $0x40, s28, s17, $0xb8;
	[tilespmem:$0x1E640] =	vst v63  }
0x5d: {  	_ =	swait.ge [sflag:s13], $0x1F40  }
0x5e: {  	[sflag:s13] =	ssyncset.done $0x0  }
0x5f: {  	s28 =	sadd.s32 $0x2900, s25;
	[sflag:s13] =	ssyncadd.s32 $0xFFFFE0C0  }
0x60: {  	[spmem:s3] =	stream.indirect.scatter.add.f32 [tilespmem:s22], [sflag:$0x2], $0x40, s28, s17, $0xb8;
	[tilespmem:$0x1E640] =	vst v63  }
0x61: {  	_ =	swait.ge [sflag:s13], $0x1F40  }
0x62: {  	[sflag:s13] =	ssyncset.done $0x0  }
0x63: {  	s28 =	sadd.s32 $0x2980, s25;
	[sflag:s13] =	ssyncadd.s32 $0xFFFFE0C0  }
0x64: {  	[spmem:s3] =	stream.indirect.scatter.add.f32 [tilespmem:s24], [sflag:$0x2], $0x40, s28, s17, $0xb8;
	[tilespmem:$0x1E640] =	vst v63  }
0x65: {  	_ =	swait.ge [sflag:s13], $0x1F40  }
0x66: {  	[sflag:s13] =	ssyncset.done $0x0  }
0x67: {  	s28 =	sadd.s32 $0x2A00, s25;
	[sflag:s13] =	ssyncadd.s32 $0xFFFFE0C0  }
0x68: {  	[spmem:s3] =	stream.indirect.scatter.add.f32 [tilespmem:s26], [sflag:$0x2], $0x40, s28, s17, $0xb8;
	[tilespmem:$0x1E640] =	vst v63  }
0x69: {  	_ =	swait.ge [sflag:s13], $0x1F40  }
0x6a: {  	[sflag:s13] =	ssyncset.done $0x0  }
0x6b: {  	s28 =	sadd.s32 $0x2A80, s25;
	[sflag:s13] =	ssyncadd.s32 $0xFFFFE0C0  }
0x6c: {  	[spmem:s3] =	stream.indirect.scatter.add.f32 [tilespmem:s29], [sflag:$0x2], $0x40, s28, s17, $0xb8;
	[tilespmem:$0x1E640] =	vst v63  }
0x6d: {  	_ =	swait.ge [sflag:s13], $0x1F40  }
0x6e: {  	[sflag:s13] =	ssyncset.done $0x0  }
0x6f: {  	s28 =	sadd.s32 $0x2B00, s25;
	[sflag:s13] =	ssyncadd.s32 $0xFFFFE0C0  }
0x70: {  	[spmem:s3] =	stream.indirect.scatter.add.f32 [tilespmem:s31], [sflag:$0x2], $0x40, s28, s17, $0xb8;
	[tilespmem:$0x1E640] =	vst v63  }
0x71: {  	_ =	swait.ge [sflag:s13], $0x1F40  }
0x72: {  	p1 =	sne.s32 s23, $0x9000;
	[sflag:s13] =	ssyncset.done $0x0  }
.Ltmp2:
0x73: {  	s28 =	sadd.s32 $0x2B80, s25;
	[sflag:s13] =	ssyncadd.s32 $0xFFFFE0C0;
	(pc) =	sbr.rel @!p1 .LBB2_3-.Ltmp2, $4  }
0x74: {  	[spmem:s3] =	stream.indirect.scatter.add.f32 [tilespmem:s1], [sflag:$0x2], $0x40, s28, s17, $0xb8;
	[tilespmem:$0x1E640] =	vst v63  }
0x75: {  	_ =	swait.ge [sflag:s19], $0x1F40  }
0x76: {  	[sflag:s19] =	ssyncset.done $0x0  }
0x77: {  	[sflag:s19] =	ssyncadd.s32 $0xFFFFE0C0  }
0x78: {  	s28 =	sadd.s32 $0x400, s25  }
0x79: {  	[tilespmem:s18], [sflag:$0x1] =	stream.indirect.gather [hbm4b:s2+s17], $0x40, s28, s17, $0xb8;
	[tilespmem:$0x1E640] =	vst v63  }
0x7a: {  	_ =	swait.ge [sflag:s19], $0x1F40  }
0x7b: {  	[sflag:s19] =	ssyncset.done $0x0  }
0x7c: {  	s28 =	sadd.s32 $0x480, s25;
	[sflag:s19] =	ssyncadd.s32 $0xFFFFE0C0  }
0x7d: {  	[tilespmem:s20], [sflag:$0x1] =	stream.indirect.gather [hbm4b:s2+s17], $0x40, s28, s17, $0xb8;
	[tilespmem:$0x1E640] =	vst v63  }
0x7e: {  	_ =	swait.ge [sflag:s19], $0x1F40  }
0x7f: {  	[sflag:s19] =	ssyncset.done $0x0  }
0x80: {  	s28 =	sadd.s32 $0x500, s25;
	[sflag:s19] =	ssyncadd.s32 $0xFFFFE0C0  }
0x81: {  	[tilespmem:s22], [sflag:$0x1] =	stream.indirect.gather [hbm4b:s2+s17], $0x40, s28, s17, $0xb8;
	[tilespmem:$0x1E640] =	vst v63  }
0x82: {  	_ =	swait.ge [sflag:s19], $0x1F40  }
0x83: {  	[sflag:s19] =	ssyncset.done $0x0  }
0x84: {  	s28 =	sadd.s32 $0x580, s25;
	[sflag:s19] =	ssyncadd.s32 $0xFFFFE0C0  }
0x85: {  	[tilespmem:s24], [sflag:$0x1] =	stream.indirect.gather [hbm4b:s2+s17], $0x40, s28, s17, $0xb8;
	[tilespmem:$0x1E640] =	vst v63  }
0x86: {  	_ =	swait.ge [sflag:s19], $0x1F40  }
0x87: {  	[sflag:s19] =	ssyncset.done $0x0  }
0x88: {  	s28 =	sadd.s32 $0x600, s25;
	[sflag:s19] =	ssyncadd.s32 $0xFFFFE0C0  }
0x89: {  	[tilespmem:s26], [sflag:$0x1] =	stream.indirect.gather [hbm4b:s2+s17], $0x40, s28, s17, $0xb8;
	[tilespmem:$0x1E640] =	vst v63  }
0x8a: {  	_ =	swait.ge [sflag:s19], $0x1F40  }
0x8b: {  	[sflag:s19] =	ssyncset.done $0x0  }
0x8c: {  	s28 =	sadd.s32 $0x680, s25;
	[sflag:s19] =	ssyncadd.s32 $0xFFFFE0C0  }
0x8d: {  	[tilespmem:s29], [sflag:$0x1] =	stream.indirect.gather [hbm4b:s2+s17], $0x40, s28, s17, $0xb8;
	[tilespmem:$0x1E640] =	vst v63  }
0x8e: {  	_ =	swait.ge [sflag:s19], $0x1F40  }
0x8f: {  	s23 =	sadd.s32 $0x1000, s23;
	[sflag:s19] =	ssyncset.done $0x0  }
0x90: {  	p1 =	sne.s32 s23, $0xA000;
	s28 =	sadd.s32 $0x700, s25;
	[sflag:s19] =	ssyncadd.s32 $0xFFFFE0C0  }
0x91: {  	[tilespmem:s31], [sflag:$0x1] =	stream.indirect.gather [hbm4b:s2+s17], $0x40, s28, s17, $0xb8;
	[tilespmem:$0x1E640] =	vst v63  }
.Ltmp3:
0x92: {  	_ = 	snop;
	(pc) =	sbr.rel @p1 .LBB2_2-.Ltmp3, $4  }
.Ltmp4:
0x93: {  	_ =	swait.ge [sflag:s19], $0x1F40;
	(pc) =	sbr.rel @!p1 .LBB2_5-.Ltmp4, $4  }
0x94: {  	[sflag:s19] =	ssyncset.done $0x0  }
0x95: {  	s28 =	sadd.s32 $0x780, s25;
	[sflag:s19] =	ssyncadd.s32 $0xFFFFE0C0  }
0x96: {  	[tilespmem:s1], [sflag:$0x1] =	stream.indirect.gather [hbm4b:s2+s17], $0x40, s28, s17, $0xb8;
	[tilespmem:$0x1E640] =	vst v63  }
0x97: {  	_ = 	snop  }
.LBB2_6:
0x98: {  	_ =	sfence.sel $0x180000  }
0x99: {  	[bflag:$0x0] =	sbarrier.arrive $0xFFFF  }
0x9a: {  	_ =	strace $0x9000004A  }
0x9b: {  	s0 =	stileid.u32;
	[bflag:$0x2] =	sbarrier.arrive $0xFFFF  }
0x9c: {  	p0 =	sne.s32 s0, $0x0;
	s0 =	rddreg [dreg:$0x3]  }
0x9d: {  	s0 =	sadd.s32 @!p0 $0x100000, s0  }
0x9e: {  	[sflag:s0] =	ssyncadd.tile.s32 @!p0 $0x1;
	_ =	shalt  }
.Lfunc_end2:
_tile_overlayer_lowered:
.L_overlay_start_2:
0x9f: {  	(tag) =	ssettag $0x2  }
0xa0: {  	s0 =	rddreg [dreg:$0x0];
	s2 =	stileid.u32  }
0xa1: {  	s1 =	rddreg [dreg:$0x1];
	p0 =	sne.s32 s2, $0x0  }
0xa2: {  	s3 =	rddreg [dreg:$0x2];
	[bflag:$0x3] =	sbarrier.arrive $0xFFFF;
	s2 =	simm.s32 @!p0 $0x1C03  }
0xa3: {  	[timem:s3], [sflag:s2] =	dma.local @!p0 [hbm:s0], s1  }
0xa4: {  	s0 =	simm.s32 @!p0 $0x3  }
0xa5: {  	_ =	swait.ge @!p0 [sflag:s0], s1  }
0xa6: {  	s1 =	ssub.s32 @!p0 $0x0, s1;
	[sflag:s0] =	ssyncset.done @!p0 $0x0  }
0xa7: {  	[sflag:s0] =	ssyncadd.s32 @!p0 s1  }
0xa8: {  	[bflag:$0x3] =	sbarrier.arrive $0xFFFF  }
0xa9: {  	_ =	shalt  }

// kernel: kernel.16.cloned.1.call-start
scs
__scs_entry_jumppad:
0x0: {  	(pc) =	sbr.rel $0x88, $3  }
0x1: {  	(tag) =	ssettag $0x0;
	lr =	simm.s32 $0x1  }
0x2: {  	[smem:$0x3F99] =	sst lr;
	_ =	strace $0xD0000000  }
0x3: {  	_ = 	snop  }
0x4: {  	_ = 	snop  }
0x5: {  	_ = 	snop  }
0x6: {  	_ = 	snop  }
0x7: {  	_ = 	snop  }
__scs_overlays_trampoline_lowered:
0x8: {  	[smem:$0x3FA8] =	sst s0  }
0x9: {  	[smem:$0x3FA9] =	sst s1  }
0xa: {  	[smem:$0x3FAA] =	sst s2  }
0xb: {  	[smem:$0x3FAB] =	sst s3  }
0xc: {  	[smem:$0x3FAC] =	sst s4  }
0xd: {  	[smem:$0x3FAD] =	sst s5  }
0xe: {  	[smem:$0x3FAE] =	sst s6  }
0xf: {  	[smem:$0x3FAF] =	sst s7  }
0x10: {  	[smem:$0x3FB0] =	sst s8  }
0x11: {  	[smem:$0x3FB1] =	sst s9;
	s0 =	simm.s32 @!p0 $0x0  }
0x12: {  	s1 =	sld [smem:$0x3F97];
	s0 =	simm.s32 @p0 $0x1  }
0x13: {  	[smem:$0x3FB2] =	sst s0;
	s0 =	simm.s32 @!p1 $0x0  }
0x14: {  	s2 =	sld [smem:$0x3F96];
	s0 =	simm.s32 @p1 $0x1  }
0x15: {  	[smem:$0x3FB3] =	sst s0;
	s0 =	simm.s32 @!p2 $0x0  }
0x16: {  	s3 =	sld [smem:$0x3FDB];
	s0 =	simm.s32 @p2 $0x1  }
0x17: {  	s4 =	simm.s32 $0x1BF5;
	[smem:$0x3FB5] =	sst s0  }
0x18: {  	s0 =	sld [smem:$0x3F98];
	_ =	swait.ge [sflag:s4], $0x0  }
0x19: {  	s7 =	sld [smem:$0x3F99]  }
0x1a: {  	s8 =	sadd.s32 $0xFFFFE003, lr  }
0x1b: {  	s9 =	sadd.s32 $0xFFFFFEF7, lr;
	s5 =	simm.s32 $0xFFFFFFFF;
	p2 =	slt.u32 s8, $0xFFFFF086  }
0x1c: {  	p1 =	slt.u32 s9, $0xF7A;
	s5 =	simm.s32 @!p2 $0x0  }
0x1d: {  	s5 =	simm.s32 @p1 $0x1;
	p0 =	seq.s32 s7, s2  }
0x1e: {  	s7 =	smul.u32 @!p0 $0xF7A, s2;
	p2 =	seq.s32 @!p0 s5, $0x0  }
0x1f: {  	s9 =	smul.u32 $0xF7A, s1;
	s8 =	simm.s32 @!p0 $0x1BF5;
	p2 =	por !p2, p0  }
0x20: {  	[sflag:s8] =	ssyncset.s32 @!p0 $0xFFFFF086;
	s6 =	sadd.s32 @!p0 s3, s7;
	s7 =	simm.s32 @!p0 $0x108  }
0x21: {  	s3 =	sadd.s32 s3, s9;
	s6 =	sadd.s32 @!p0 $0x88, s6;
	s7 =	simm.s32 @p2 $0x1082  }
0x22: {  	[simem:s7], [sflag:s8] =	dma.local @!p0 [hbm:s6], $0xF7A  }
0x23: {  	s9 =	sor.u32 $0xD0000000, s2;
	s6 =	simm.s32 $0x108;
	_ =	swait.ge @!p0 [sflag:s8], $0x0  }
0x24: {  	s3 =	sadd.s32 $0x88, s3;
	s6 =	simm.s32 @!p1 $0x1082;
	[sflag:s4] =	ssyncset.s32 $0xFFFFF086  }
0x25: {  	[simem:s6], [sflag:s4] =	dma.local [hbm:s3], $0xF7A  }
0x26: {  	[smem:$0x3F99] =	sst s1;
	(tag) =	ssettag s2;
	_ =	strace s9  }
0x27: {  	s1 =	sld [smem:$0x3FA9]  }
0x28: {  	s2 =	sld [smem:$0x3FAA]  }
0x29: {  	s4 =	sld [smem:$0x3FAC]  }
0x2a: {  	p0 =	seq.s32 s5, $0x0;
	s5 =	sld [smem:$0x3FAD]  }
0x2b: {  	s6 =	sld [smem:$0x3FAE]  }
0x2c: {  	s7 =	sld [smem:$0x3FAF]  }
0x2d: {  	s3 =	simm.s32 $0x108;
	s8 =	sld [smem:$0x3FB0]  }
0x2e: {  	s3 =	simm.s32 @!p0 $0x1082;
	s9 =	sld [smem:$0x3FB1]  }
0x2f: {  	lr =	sadd.s32 s0, s3;
	s0 =	sld [smem:$0x3FA8]  }
0x30: {  	s3 =	sld [smem:$0x3FAB]  }
0x31: {  	[smem:$0x3FB4] =	sst s10  }
0x32: {  	s10 =	sld [smem:$0x3FB2];
	_ =	sdelay $0x3  }
0x33: {  	p0 =	seq.s32 s10, $0x1;
	s10 =	sld [smem:$0x3FB4];
	_ =	sdelay $0x3  }
0x34: {  	[smem:$0x3FB4] =	sst s10  }
0x35: {  	s10 =	sld [smem:$0x3FB3];
	_ =	sdelay $0x3  }
0x36: {  	p1 =	seq.s32 s10, $0x1;
	s10 =	sld [smem:$0x3FB4];
	_ =	sdelay $0x3  }
0x37: {  	[smem:$0x3FB4] =	sst s10  }
0x38: {  	s10 =	sld [smem:$0x3FB5]  }
0x39: {  	_ = 	snop;
	(pc) =	sbr.ind lr, $3  }
0x3a: {  	_ = 	snop  }
0x3b: {  	_ = 	snop  }
0x3c: {  	p2 =	seq.s32 s10, $0x1;
	s10 =	sld [smem:$0x3FB4]  }
0x3d: {  	_ =	shalt  }
0x3e: {  	_ =	shalt  }
0x3f: {  	_ =	shalt  }
0x40: {  	_ =	shalt  }
0x41: {  	_ =	shalt  }
0x42: {  	_ =	shalt  }
0x43: {  	_ =	shalt  }
0x44: {  	_ =	shalt  }
0x45: {  	_ =	shalt  }
0x46: {  	_ =	shalt  }
0x47: {  	_ =	shalt  }
0x48: {  	_ =	shalt  }
0x49: {  	_ =	shalt  }
0x4a: {  	_ =	shalt  }
0x4b: {  	_ =	shalt  }
0x4c: {  	_ =	shalt  }
0x4d: {  	_ =	shalt  }
0x4e: {  	_ =	shalt  }
0x4f: {  	_ =	shalt  }
0x50: {  	_ =	shalt  }
0x51: {  	_ =	shalt  }
0x52: {  	_ =	shalt  }
0x53: {  	_ =	shalt  }
0x54: {  	_ =	shalt  }
0x55: {  	_ =	shalt  }
0x56: {  	_ =	shalt  }
0x57: {  	_ =	shalt  }
0x58: {  	_ =	shalt  }
0x59: {  	_ =	shalt  }
0x5a: {  	_ =	shalt  }
0x5b: {  	_ =	shalt  }
0x5c: {  	_ =	shalt  }
0x5d: {  	_ =	shalt  }
0x5e: {  	_ =	shalt  }
0x5f: {  	_ =	shalt  }
0x60: {  	_ =	shalt  }
0x61: {  	_ =	shalt  }
0x62: {  	_ =	shalt  }
0x63: {  	_ =	shalt  }
0x64: {  	_ =	shalt  }
0x65: {  	_ =	shalt  }
0x66: {  	_ =	shalt  }
0x67: {  	_ =	shalt  }
0x68: {  	_ =	shalt  }
0x69: {  	_ =	shalt  }
0x6a: {  	_ =	shalt  }
0x6b: {  	_ =	shalt  }
0x6c: {  	_ =	shalt  }
0x6d: {  	_ =	shalt  }
0x6e: {  	_ =	shalt  }
0x6f: {  	_ =	shalt  }
0x70: {  	_ =	shalt  }
0x71: {  	_ =	shalt  }
0x72: {  	_ =	shalt  }
0x73: {  	_ =	shalt  }
0x74: {  	_ =	shalt  }
0x75: {  	_ =	shalt  }
0x76: {  	_ =	shalt  }
0x77: {  	_ =	shalt  }
0x78: {  	_ =	shalt  }
0x79: {  	_ =	shalt  }
0x7a: {  	_ =	shalt  }
0x7b: {  	_ =	shalt  }
0x7c: {  	_ =	shalt  }
0x7d: {  	_ =	shalt  }
0x7e: {  	_ =	shalt  }
0x7f: {  	_ =	shalt  }
0x80: {  	_ =	shalt  }
0x81: {  	_ =	shalt  }
0x82: {  	_ =	shalt  }
0x83: {  	_ =	shalt  }
0x84: {  	_ =	shalt  }
0x85: {  	_ =	shalt  }
0x86: {  	_ =	shalt  }
0x87: {  	_ =	shalt  }
.Lfunc_end0:
.L_simem_size_0:
called_computation.2_lowered:
.L_overlay_start_0:
0x88: {  	s2 =	sld [smem:$0x3FD9]  }
0x89: {  	s3 =	sld [smem:$0x3FFE];
	_ =	sdelay $0x1  }
0x8a: {  	s1 =	srdreg.scid  }
0x8b: {  	s0 =	sand.u32 $0x1, s1  }
0x8c: {  	s17 =	sshll.u32 s0, $0xA;
	s2 =	sadd.s32 s3, s2  }
0x8d: {  	s2 =	sadd.s32 s2, s17  }
0x8e: {  	[smem:$0x3FC0] =	sst s2  }
0x8f: {  	_ = 	snop  }
0x90: {  	s2 =	sld [smem:$0x3FD0];
	(tm) =	ssettm $0x1  }
0x91: {  	s18 =	sld [smem:$0x3FFB];
	_ =	sdelay $0x3  }
0x92: {  	_ =	strace s18  }
0x93: {  	s3 =	sld [smem:$0x3FFC];
	_ =	sdelay $0x3  }
0x94: {  	_ =	strace s3  }
0x95: {  	s3 =	sld [smem:$0x3FFD];
	_ =	sdelay $0x3  }
0x96: {  	_ =	strace s3  }
0x97: {  	_ =	strace $0x8FFFFFFF  }
0x98: {  	s19 =	sld [smem:$0x3FDB];
	_ =	sdelay $0x1  }
0x99: {  	s4 =	simm.s32 $_scs_section_size  }
0x9a: {  	s5 =	simm.s32 $_size__tile_overlayer_lowered;
	s6 =	simm.s32 $_tile_overlayer_lowered  }
0x9b: {  	s22 =	simm.s32 $0x1BFF;
	s21 =	sshll.u32 s6, $0x1;
	s3 =	sadd.s32 s4, s19  }
0x9c: {  	s7 =	simm.s32 $0x0;
	s20 =	sshll.u32 s5, $0x1;
	s5 =	sadd.s32 s21, s3  }
0x9d: {  	[timem:s7], [sflag:s22] =	dma.local [hbm:s5], s20  }
0x9e: {  	_ =	swait.ge [sflag:s22], s20  }
0x9f: {  	s4 =	ssub.s32 $0x0, s20;
	[sflag:s22] =	ssyncset.done $0x0  }
0xa0: {  	[sflag:s22] =	ssyncadd.s32 s4;
	_ =	sdelay $0x1  }
0xa1: {  	s23 =	simm.s32 $0x1B8B  }
0xa2: {  	_ =	swait.ge [sflag:s23], $0x1  }
0xa3: {  	[sflag:s23] =	ssyncset.done $0x0  }
0xa4: {  	s25 =	simm.s32 $0x1B8E;
	s24 =	sld [smem:$0x3FFE];
	[sflag:s23] =	ssyncadd.s32 $0xFFFFFFFF  }
0xa5: {  	s26 =	simm.s32 $execute0_lowered;
	[smem:$0x3FD2] =	sst s25  }
0xa6: {  	s5 =	sshll.u32 s26, $0x1;
	_ =	strace $0x8000004C;
	[dreg:$0x1] =	wrdreg $0xFFFFFFFF  }
0xa7: {  	s28 =	simm.s32 $_size_execute0_lowered;
	s3 =	sadd.s32 s3, s5;
	[dreg:$0x0] =	wrdreg $0x0  }
0xa8: {  	s5 =	sshll.u32 s28, $0x1;
	[dreg:$0x2] =	wrdreg s3  }
0xa9: {  	[dreg:$0x3] =	wrdreg s5  }
0xaa: {  	[dreg:$0x4] =	wrdreg $0xC0  }
0xab: {  	_ =	task [dreg:s7], $0x5FFFF  }
0xac: {  	[dreg:$0x1] =	wrdreg $0xFFFFFFFF  }
0xad: {  	[dreg:$0x0] =	wrdreg $0x60  }
0xae: {  	[dreg:$0x2] =	wrdreg s24  }
0xaf: {  	[dreg:$0x3] =	wrdreg s2  }
0xb0: {  	[dreg:$0x4] =	wrdreg $0x14A000  }
0xb1: {  	[dreg:$0x5] =	wrdreg $0x9  }
0xb2: {  	_ =	task.clear_ibuf [dreg:s7], $0x6FFFF;
	_ =	strace $0x9000004C  }
0xb3: {  	s29 =	simm.s32 $0x9;
	_ =	strace $0x8000004E  }
0xb4: {  	_ =	swait.ge [sflag:s29], $0x1  }
0xb5: {  	[sflag:s29] =	ssyncadd.s32 $0xFFFFFFFF  }
0xb6: {  	_ =	strace $0x9000004E  }
0xb7: {  	_ =	sfence  }
0xb8: {  	s30 =	sld [smem:$0x0];
	_ =	sdelay $0x2  }
0xb9: {  	s31 =	sshll.u32 s1, $0xD;
	s1 =	sshrl.u32 s1, $0x2  }
0xba: {  	s3 =	sand.u32 $0x4000, s31;
	s1 =	sadd.s32 s1, s30  }
0xbb: {  	s0 =	sor.u32 s3, s0;
	s1 =	sshll.u32 s1, $0x11  }
0xbc: {  	s0 =	sor.u32 s1, s0  }
0xbd: {  	s0 =	sadd.s32 $0x8F2B, s0  }
0xbe: {  	[sflag:s0] =	ssyncadd.remote.s32 $0x1  }
0xbf: {  	_ =	sfence.sel $0xFFFF  }
0xc0: {  	[dreg:$0x0] =	wrdreg $0xFFFFFFFF;
	(pc) =	sbr.abs _section_cstart, $3  }
0xc1: {  	[dreg:$0x1] =	wrdreg $0xFFFFFFFF  }
0xc2: {  	_ =	task.clear_ibuf [dreg:s7], $0x2FFFF;
	_ =	strace $0x9FFFFFFF  }
0xc3: {  	(tm) =	ssettm $0x7FFFFFFF  }
tec
execute0_lowered:
.L_overlay_start_1:
0x0: {  	(tag) =	ssettag $0x1  }
0x1: {  	s0 =	rddreg [dreg:$0x0]  }
0x2: {  	s2 =	rddreg [dreg:$0x1]  }
0x3: {  	s3 =	rddreg [dreg:$0x2];
	s1 =	srdreg.scid  }
0x4: {  	s15 =	stileid.u32;
	s4 =	simm.s32 $0x0;
	s17 =	simm.s32 $0x7D  }
0x5: {  	s18 =	simm.s32 $0x5000;
	s20 =	simm.s32 $0x6F40;
	s22 =	simm.s32 $0x8E80  }
0x6: {  	s24 =	simm.s32 $0xADC0;
	s29 =	simm.s32 $0xEC40;
	s30 =	simm.s32 $0x300  }
0x7: {  	s31 =	simm.s32 $0x10B80;
	s19 =	simm.s32 $0x2;
	s21 =	simm.s32 $0x0  }
0x8: {  	s1 =	sand.u32 $0x1, s1;
	s5 =	sshll.u32 s15, $0x1;
	s8 =	smul.u32 $0x9C00, s15  }
0x9: {  	[smem:$0x7FF] =	sst s4;
	s11 =	sadd.s32 $0x2E800, s0;
	s14 =	sadd.s32 $0x92400, s3  }
0xa: {  	p0 =	seq.s32 s15, $0xF;
	s5 =	sor.u32 s1, s5;
	_ =	strace $0x8000004D  }
0xb: {  	s7 =	ssub.s32 $0x2, s1;
	s1 =	smul.u32 $0x9C400, s1;
	s14 =	sshrl.u32 @p0 s14, $0x3  }
0xc: {  	s5 =	smul.u32 $0x500, s5;
	s6 =	sshrl.u32 s8, $0x3;
	s26 =	sshrl.u32 s7, $0x1  }
0xd: {  	s13 =	sadd.s32 s8, s3;
	s10 =	sadd.s32 s6, s0;
	s12 =	ssub.s32 s7, s26  }
0xe: {  	s8 =	sadd.s32 s8, s1;
	s1 =	sshrl.u32 s1, $0x3;
	s16 =	sshrl.u32 @!p0 s13, $0x3  }
0xf: {  	s26 =	simm.s32 $0xCD00;
	s13 =	simm.s32 $0x1;
	s9 =	sadd.s32 s5, s0  }
.Ltmp0:
0x10: {  	s7 =	sadd.s32 $0x1AE00, s10;
	s28 =	sshrl.u32 s8, $0x3;
	(pc) =	sbr.rel .LBB2_1-.Ltmp0, $4  }
0x11: {  	s1 =	sadd.s32 s11, s1;
	s8 =	sadd.s32 $0x2D280, s0;
	s0 =	sshll.u32 @!p0 s15, $0x6  }
0x12: {  	s5 =	sadd.s32 $0x10E00, s9;
	s6 =	sadd.s32 $0x1C00, s9;
	s9 =	sadd.s32 s11, s28  }
0x13: {  	s10 =	sadd.s32 $0x12480, s1;
	s11 =	smax.u32 s12, $0x1;
	s12 =	simm.s32 $0x3  }
0x14: {  	s15 =	sor.u32 @!p0 $0x1C03, s0;
	s0 =	simm.s32 $0x380;
	s1 =	simm.s32 $0x12AC0  }
.LBB2_3:
0x15: {  	_ =	swait.ge [sflag:s19], $0x1F40  }
0x16: {  	[sflag:s19] =	ssyncset.done $0x0  }
0x17: {  	[sflag:s19] =	ssyncadd.s32 $0xFFFFE0C0  }
0x18: {  	_ =	swait.ge [sflag:s19], $0x1F40  }
0x19: {  	[sflag:s19] =	ssyncset.done $0x0  }
0x1a: {  	[sflag:s19] =	ssyncadd.s32 $0xFFFFE0C0  }
0x1b: {  	_ =	swait.ge [sflag:s19], $0x1F40  }
0x1c: {  	[sflag:s19] =	ssyncset.done $0x0  }
0x1d: {  	[sflag:s19] =	ssyncadd.s32 $0xFFFFE0C0  }
0x1e: {  	_ =	swait.ge [sflag:s19], $0x1F40  }
0x1f: {  	[sflag:s19] =	ssyncset.done $0x0  }
0x20: {  	[sflag:s19] =	ssyncadd.s32 $0xFFFFE0C0  }
0x21: {  	_ =	swait.ge [sflag:s19], $0x1F40  }
0x22: {  	[sflag:s19] =	ssyncset.done $0x0  }
0x23: {  	[sflag:s19] =	ssyncadd.s32 $0xFFFFE0C0  }
0x24: {  	_ =	swait.ge [sflag:s19], $0x1F40  }
0x25: {  	[sflag:s19] =	ssyncset.done $0x0  }
0x26: {  	[sflag:s19] =	ssyncadd.s32 $0xFFFFE0C0  }
0x27: {  	_ =	swait.ge [sflag:s19], $0x1F40  }
0x28: {  	[sflag:s19] =	ssyncset.done $0x0  }
0x29: {  	[sflag:s19] =	ssyncadd.s32 $0xFFFFE0C0  }
.LBB2_5:
0x2a: {  	[bflag:$0x0] =	sbarrier.arrive $0xFFFF;
	s23 =	simm.s32 @p0 $0x1FC3  }
0x2b: {  	[hbm:s10], [sflag:s23] =	dma.local @p0 [spmem:s14], $0x1400  }
0x2c: {  	s23 =	simm.s32 @p0 $0x3  }
0x2d: {  	s21 =	sadd.s32 $0x1, s21;
	_ =	swait.ge @p0 [sflag:s23], $0x1400  }
0x2e: {  	p1 =	sne.s32 s21, s11;
	[sflag:s23] =	ssyncset.done @p0 $0x0  }
.Ltmp1:
0x2f: {  	[sflag:s23] =	ssyncadd.s32 @p0 $0xFFFFEC00;
	s23 =	simm.s32 @!p0 $0x3;
	(pc) =	sbr.rel @!p1 .LBB2_6-.Ltmp1, $4  }
0x30: {  	[hbm:s9], [sflag:s15] =	dma.local @!p0 [spmem:s16], $0x1380  }
0x31: {  	_ =	swait.ge @!p0 [sflag:s23], $0x1380  }
0x32: {  	[sflag:s23] =	ssyncset.done @!p0 $0x0  }
0x33: {  	[sflag:s23] =	ssyncadd.s32 @!p0 $0xFFFFEC80  }
.LBB2_1:
0x34: {  	[tilespmem:s4], [sflag:$0x3] =	stream.linear.gather [hbm4b:s5+s4], $0x2800, $0x38;
	[tilespmem:$0x1E640] =	vst v63  }
0x35: {  	_ =	swait.ge [sflag:s12], $0x2800  }
0x36: {  	[sflag:s12] =	ssyncset.done $0x0  }
0x37: {  	s23 =	simm.s32 $0x2800;
	[sflag:s12] =	ssyncadd.s32 $0xFFFFD800  }
0x38: {  	[tilespmem:s23], [sflag:$0x3] =	stream.linear.gather [hbm4b:s6+s4], $0x2800, $0x38;
	[tilespmem:$0x1E640] =	vst v63  }
0x39: {  	_ =	swait.ge [sflag:s12], $0x2800  }
0x3a: {  	[sflag:s12] =	ssyncset.done $0x0  }
0x3b: {  	s23 =	simm.s32 @p0 $0x1FC3;
	[sflag:s12] =	ssyncadd.s32 $0xFFFFD800  }
0x3c: {  	[spmem:s14], [sflag:s23] =	dma.local @p0 [hbm:s8], $0x1400  }
0x3d: {  	s23 =	simm.s32 @p0 $0x3  }
0x3e: {  	_ =	swait.ge @p0 [sflag:s23], $0x1400  }
0x3f: {  	[sflag:s23] =	ssyncset.done @p0 $0x0  }
0x40: {  	[sflag:s23] =	ssyncadd.s32 @p0 $0xFFFFEC00;
	s23 =	simm.s32 @!p0 $0x3  }
0x41: {  	[spmem:s16], [sflag:s15] =	dma.local @!p0 [hbm:s7], $0x1380  }
0x42: {  	_ =	swait.ge @!p0 [sflag:s23], $0x1380  }
0x43: {  	[sflag:s23] =	ssyncset.done @!p0 $0x0  }
0x44: {  	[sflag:s23] =	ssyncadd.s32 @!p0 $0xFFFFEC80  }
0x45: {  	[bflag:$0x0] =	sbarrier.arrive $0xFFFF  }
0x46: {  	[tilespmem:s18], [sflag:$0x1] =	stream.indirect.gather [hbm4b:s2+s17], $0x40, s4, s17, $0xb8;
	[tilespmem:$0x1E640] =	vst v63  }
0x47: {  	s28 =	simm.s32 $0x80  }
0x48: {  	[tilespmem:s20], [sflag:$0x1] =	stream.indirect.gather [hbm4b:s2+s17], $0x40, s28, s17, $0xb8;
	[tilespmem:$0x1E640] =	vst v63  }
0x49: {  	s25 =	simm.s32 $0x100  }
0x4a: {  	[tilespmem:s22], [sflag:$0x1] =	stream.indirect.gather [hbm4b:s2+s17], $0x40, s25, s17, $0xb8;
	[tilespmem:$0x1E640] =	vst v63  }
0x4b: {  	s28 =	simm.s32 $0x180  }
0x4c: {  	[tilespmem:s24], [sflag:$0x1] =	stream.indirect.gather [hbm4b:s2+s17], $0x40, s28, s17, $0xb8;
	[tilespmem:$0x1E640] =	vst v63  }
0x4d: {  	s25 =	simm.s32 $0x200  }
0x4e: {  	[tilespmem:s26], [sflag:$0x1] =	stream.indirect.gather [hbm4b:s2+s17], $0x40, s25, s17, $0xb8;
	[tilespmem:$0x1E640] =	vst v63  }
0x4f: {  	s28 =	simm.s32 $0x280  }
0x50: {  	[tilespmem:s29], [sflag:$0x1] =	stream.indirect.gather [hbm4b:s2+s17], $0x40, s28, s17, $0xb8;
	[tilespmem:$0x1E640] =	vst v63  }
0x51: {  	_ = 	snop  }
0x52: {  	[tilespmem:s31], [sflag:$0x1] =	stream.indirect.gather [hbm4b:s2+s17], $0x40, s30, s17, $0xb8;
	[tilespmem:$0x1E640] =	vst v63  }
0x53: {  	s23 =	simm.s32 $0x0  }
0x54: {  	[tilespmem:s1], [sflag:$0x1] =	stream.indirect.gather [hbm4b:s2+s17], $0x40, s0, s17, $0xb8;
	[tilespmem:$0x1E640] =	vst v63  }
.LBB2_2:
0x55: {  	_ =	swait.ge [sflag:s13], $0x1F40  }
0x56: {  	s25 =	sshra.s32 s23, $0x2;
	[sflag:s13] =	ssyncset.done $0x0  }
0x57: {  	s28 =	sadd.s32 $0x2800, s25;
	[sflag:s13] =	ssyncadd.s32 $0xFFFFE0C0  }
0x58: {  	[spmem:s3] =	stream.indirect.scatter.add.f32 [tilespmem:s18], [sflag:$0x2], $0x40, s28, s17, $0xb8;
	[tilespmem:$0x1E640] =	vst v63  }
0x59: {  	_ =	swait.ge [sflag:s13], $0x1F40  }
0x5a: {  	[sflag:s13] =	ssyncset.done $0x0  }
0x5b: {  	s28 =	sadd.s32 $0x2880, s25;
	[sflag:s13] =	ssyncadd.s32 $0xFFFFE0C0  }
0x5c: {  	[spmem:s3] =	stream.indirect.scatter.add.f32 [tilespmem:s20], [sflag:$0x2], $0x40, s28, s17, $0xb8;
	[tilespmem:$0x1E640] =	vst v63  }
0x5d: {  	_ =	swait.ge [sflag:s13], $0x1F40  }
0x5e: {  	[sflag:s13] =	ssyncset.done $0x0  }
0x5f: {  	s28 =	sadd.s32 $0x2900, s25;
	[sflag:s13] =	ssyncadd.s32 $0xFFFFE0C0  }
0x60: {  	[spmem:s3] =	stream.indirect.scatter.add.f32 [tilespmem:s22], [sflag:$0x2], $0x40, s28, s17, $0xb8;
	[tilespmem:$0x1E640] =	vst v63  }
0x61: {  	_ =	swait.ge [sflag:s13], $0x1F40  }
0x62: {  	[sflag:s13] =	ssyncset.done $0x0  }
0x63: {  	s28 =	sadd.s32 $0x2980, s25;
	[sflag:s13] =	ssyncadd.s32 $0xFFFFE0C0  }
0x64: {  	[spmem:s3] =	stream.indirect.scatter.add.f32 [tilespmem:s24], [sflag:$0x2], $0x40, s28, s17, $0xb8;
	[tilespmem:$0x1E640] =	vst v63  }
0x65: {  	_ =	swait.ge [sflag:s13], $0x1F40  }
0x66: {  	[sflag:s13] =	ssyncset.done $0x0  }
0x67: {  	s28 =	sadd.s32 $0x2A00, s25;
	[sflag:s13] =	ssyncadd.s32 $0xFFFFE0C0  }
0x68: {  	[spmem:s3] =	stream.indirect.scatter.add.f32 [tilespmem:s26], [sflag:$0x2], $0x40, s28, s17, $0xb8;
	[tilespmem:$0x1E640] =	vst v63  }
0x69: {  	_ =	swait.ge [sflag:s13], $0x1F40  }
0x6a: {  	[sflag:s13] =	ssyncset.done $0x0  }
0x6b: {  	s28 =	sadd.s32 $0x2A80, s25;
	[sflag:s13] =	ssyncadd.s32 $0xFFFFE0C0  }
0x6c: {  	[spmem:s3] =	stream.indirect.scatter.add.f32 [tilespmem:s29], [sflag:$0x2], $0x40, s28, s17, $0xb8;
	[tilespmem:$0x1E640] =	vst v63  }
0x6d: {  	_ =	swait.ge [sflag:s13], $0x1F40  }
0x6e: {  	[sflag:s13] =	ssyncset.done $0x0  }
0x6f: {  	s28 =	sadd.s32 $0x2B00, s25;
	[sflag:s13] =	ssyncadd.s32 $0xFFFFE0C0  }
0x70: {  	[spmem:s3] =	stream.indirect.scatter.add.f32 [tilespmem:s31], [sflag:$0x2], $0x40, s28, s17, $0xb8;
	[tilespmem:$0x1E640] =	vst v63  }
0x71: {  	_ =	swait.ge [sflag:s13], $0x1F40  }
0x72: {  	p1 =	sne.s32 s23, $0x9000;
	[sflag:s13] =	ssyncset.done $0x0  }
.Ltmp2:
0x73: {  	s28 =	sadd.s32 $0x2B80, s25;
	[sflag:s13] =	ssyncadd.s32 $0xFFFFE0C0;
	(pc) =	sbr.rel @!p1 .LBB2_3-.Ltmp2, $4  }
0x74: {  	[spmem:s3] =	stream.indirect.scatter.add.f32 [tilespmem:s1], [sflag:$0x2], $0x40, s28, s17, $0xb8;
	[tilespmem:$0x1E640] =	vst v63  }
0x75: {  	_ =	swait.ge [sflag:s19], $0x1F40  }
0x76: {  	[sflag:s19] =	ssyncset.done $0x0  }
0x77: {  	[sflag:s19] =	ssyncadd.s32 $0xFFFFE0C0  }
0x78: {  	s28 =	sadd.s32 $0x400, s25  }
0x79: {  	[tilespmem:s18], [sflag:$0x1] =	stream.indirect.gather [hbm4b:s2+s17], $0x40, s28, s17, $0xb8;
	[tilespmem:$0x1E640] =	vst v63  }
0x7a: {  	_ =	swait.ge [sflag:s19], $0x1F40  }
0x7b: {  	[sflag:s19] =	ssyncset.done $0x0  }
0x7c: {  	s28 =	sadd.s32 $0x480, s25;
	[sflag:s19] =	ssyncadd.s32 $0xFFFFE0C0  }
0x7d: {  	[tilespmem:s20], [sflag:$0x1] =	stream.indirect.gather [hbm4b:s2+s17], $0x40, s28, s17, $0xb8;
	[tilespmem:$0x1E640] =	vst v63  }
0x7e: {  	_ =	swait.ge [sflag:s19], $0x1F40  }
0x7f: {  	[sflag:s19] =	ssyncset.done $0x0  }
0x80: {  	s28 =	sadd.s32 $0x500, s25;
	[sflag:s19] =	ssyncadd.s32 $0xFFFFE0C0  }
0x81: {  	[tilespmem:s22], [sflag:$0x1] =	stream.indirect.gather [hbm4b:s2+s17], $0x40, s28, s17, $0xb8;
	[tilespmem:$0x1E640] =	vst v63  }
0x82: {  	_ =	swait.ge [sflag:s19], $0x1F40  }
0x83: {  	[sflag:s19] =	ssyncset.done $0x0  }
0x84: {  	s28 =	sadd.s32 $0x580, s25;
	[sflag:s19] =	ssyncadd.s32 $0xFFFFE0C0  }
0x85: {  	[tilespmem:s24], [sflag:$0x1] =	stream.indirect.gather [hbm4b:s2+s17], $0x40, s28, s17, $0xb8;
	[tilespmem:$0x1E640] =	vst v63  }
0x86: {  	_ =	swait.ge [sflag:s19], $0x1F40  }
0x87: {  	[sflag:s19] =	ssyncset.done $0x0  }
0x88: {  	s28 =	sadd.s32 $0x600, s25;
	[sflag:s19] =	ssyncadd.s32 $0xFFFFE0C0  }
0x89: {  	[tilespmem:s26], [sflag:$0x1] =	stream.indirect.gather [hbm4b:s2+s17], $0x40, s28, s17, $0xb8;
	[tilespmem:$0x1E640] =	vst v63  }
0x8a: {  	_ =	swait.ge [sflag:s19], $0x1F40  }
0x8b: {  	[sflag:s19] =	ssyncset.done $0x0  }
0x8c: {  	s28 =	sadd.s32 $0x680, s25;
	[sflag:s19] =	ssyncadd.s32 $0xFFFFE0C0  }
0x8d: {  	[tilespmem:s29], [sflag:$0x1] =	stream.indirect.gather [hbm4b:s2+s17], $0x40, s28, s17, $0xb8;
	[tilespmem:$0x1E640] =	vst v63  }
0x8e: {  	_ =	swait.ge [sflag:s19], $0x1F40  }
0x8f: {  	s23 =	sadd.s32 $0x1000, s23;
	[sflag:s19] =	ssyncset.done $0x0  }
0x90: {  	p1 =	sne.s32 s23, $0xA000;
	s28 =	sadd.s32 $0x700, s25;
	[sflag:s19] =	ssyncadd.s32 $0xFFFFE0C0  }
0x91: {  	[tilespmem:s31], [sflag:$0x1] =	stream.indirect.gather [hbm4b:s2+s17], $0x40, s28, s17, $0xb8;
	[tilespmem:$0x1E640] =	vst v63  }
.Ltmp3:
0x92: {  	_ = 	snop;
	(pc) =	sbr.rel @p1 .LBB2_2-.Ltmp3, $4  }
.Ltmp4:
0x93: {  	_ =	swait.ge [sflag:s19], $0x1F40;
	(pc) =	sbr.rel @!p1 .LBB2_5-.Ltmp4, $4  }
0x94: {  	[sflag:s19] =	ssyncset.done $0x0  }
0x95: {  	s28 =	sadd.s32 $0x780, s25;
	[sflag:s19] =	ssyncadd.s32 $0xFFFFE0C0  }
0x96: {  	[tilespmem:s1], [sflag:$0x1] =	stream.indirect.gather [hbm4b:s2+s17], $0x40, s28, s17, $0xb8;
	[tilespmem:$0x1E640] =	vst v63  }
0x97: {  	_ = 	snop  }
.LBB2_6:
0x98: {  	_ =	sfence.sel $0x180000  }
0x99: {  	[bflag:$0x0] =	sbarrier.arrive $0xFFFF  }
0x9a: {  	_ =	strace $0x9000004D  }
0x9b: {  	s0 =	stileid.u32;
	[bflag:$0x2] =	sbarrier.arrive $0xFFFF  }
0x9c: {  	p0 =	sne.s32 s0, $0x0;
	s0 =	rddreg [dreg:$0x3]  }
0x9d: {  	s0 =	sadd.s32 @!p0 $0x100000, s0  }
0x9e: {  	[sflag:s0] =	ssyncadd.tile.s32 @!p0 $0x1;
	_ =	shalt  }
.Lfunc_end2:
_tile_overlayer_lowered:
.L_overlay_start_2:
0x9f: {  	(tag) =	ssettag $0x2  }
0xa0: {  	s0 =	rddreg [dreg:$0x0];
	s2 =	stileid.u32  }
0xa1: {  	s1 =	rddreg [dreg:$0x1];
	p0 =	sne.s32 s2, $0x0  }
0xa2: {  	s3 =	rddreg [dreg:$0x2];
	[bflag:$0x3] =	sbarrier.arrive $0xFFFF;
	s2 =	simm.s32 @!p0 $0x1C03  }
0xa3: {  	[timem:s3], [sflag:s2] =	dma.local @!p0 [hbm:s0], s1  }
0xa4: {  	s0 =	simm.s32 @!p0 $0x3  }
0xa5: {  	_ =	swait.ge @!p0 [sflag:s0], s1  }
0xa6: {  	s1 =	ssub.s32 @!p0 $0x0, s1;
	[sflag:s0] =	ssyncset.done @!p0 $0x0  }
0xa7: {  	[sflag:s0] =	ssyncadd.s32 @!p0 s1  }
0xa8: {  	[bflag:$0x3] =	sbarrier.arrive $0xFFFF  }
0xa9: {  	_ =	shalt  }

</sc_bundles>
